<compile_context>
chip_gen: v7x
topology: tpu7x:2x2x1
jax: 0.10.2.dev20260603
libtpu: 0.0.44.dev20260713+nightly
codegen_flags: <defaults>
</compile_context>

<pallas_src>
import functools

import jax
import jax.numpy as jnp
from jax import lax
from jax.experimental import pallas as pl
from jax.experimental.pallas import tpu as pltpu
from jax.experimental.pallas import tpu_sc as plsc

_N_CHARS = 1000
_EMB = 32
_BATCH = 4096
_SEQ = 200
_TOT = _BATCH * _SEQ

_NC = 2
_NS = 16
_NW = _NC * _NS
_L = 16
_ER = _EMB // 8
_BC = _BATCH // 128
_SPW = _SEQ // (_NW // _ER)
_UNIT = 8 * _BATCH


def _make_gather():
    mesh = plsc.VectorSubcoreMesh(core_axis_name="c", subcore_axis_name="s")

    @functools.partial(
        pl.kernel,
        mesh=mesh,
        out_type=jax.ShapeDtypeStruct((_TOT * _EMB,), jnp.float32),
        scratch_types=[
            pltpu.VMEM((2, _BC, 128), jnp.int32),
            pltpu.VMEM((2, _UNIT), jnp.float32),
            pltpu.VMEM((_EMB * _N_CHARS,), jnp.float32),
            pltpu.SemaphoreType.DMA,
            pltpu.SemaphoreType.DMA,
            pltpu.SemaphoreType.DMA,
            pltpu.SemaphoreType.DMA,
            pltpu.SemaphoreType.DMA,
        ],
        compiler_params=pltpu.CompilerParams(
            use_tc_tiling_on_sc=False, needs_layout_passes=False),
    )
    def gather_kernel(table_t_hbm, idx_hbm, out_hbm,
                      idx_v, unit_v, table_v, si0, si1, so0, so1, st):
        sem_i = (si0, si1)
        sem_o = (so0, so1)
        wid = lax.axis_index("s") * _NC + lax.axis_index("c")
        er = wid // (_NW // _ER)
        s0 = (wid % (_NW // _ER)) * _SPW

        table_cp = pltpu.make_async_copy(table_t_hbm, table_v, st)
        table_cp.start()

        def idx_copy(u, b):
            s = s0 + u
            return pltpu.make_async_copy(
                idx_hbm.at[s // 8, :, s % 8, :], idx_v.at[b], sem_i[b])

        def out_copy(u, b):
            base = pl.multiple_of(
                (s0 + u) * (_EMB * _BATCH) + er * _UNIT, 8)
            return pltpu.make_async_copy(
                unit_v.at[b], out_hbm.at[pl.ds(base, _UNIT)], sem_o[b])

        ebase = er * 8 * _N_CHARS

        def compute_unit(b):
            idx_ref = idx_v.at[b]
            buf = unit_v.at[b]

            @plsc.parallel_loop(0, _BC * (128 // _L), unroll=1)
            def blk(t):
                bc = t // 8
                k = t % 8
                idx16 = idx_ref[bc, pl.ds(k * _L, _L)]
                off = bc * 1024 + k * _L
                for el in range(8):
                    a = idx16 + (ebase + el * _N_CHARS)
                    v = plsc.load_gather(table_v, [a])
                    buf[pl.ds(off + el * 128, _L)] = v

        idx_copy(0, 0).start()
        idx_copy(1, 1).start()
        table_cp.wait()
        for b in range(2):
            idx_copy(b, b).wait()
            compute_unit(b)
            out_copy(b, b).start()
            idx_copy(b + 2, b).start()

        def steady(g, carry):
            for b in range(2):
                u = 2 + 2 * g + b
                idx_copy(u, b).wait()
                out_copy(u - 2, b).wait()
                compute_unit(b)
                out_copy(u, b).start()

                @pl.when(u + 2 < _SPW)
                def _():
                    idx_copy(u + 2, b).start()
            return carry

        lax.fori_loop(0, (_SPW - 3) // 2, steady, 0)

        u_last = _SPW - 1
        idx_copy(u_last, 0).wait()
        out_copy(u_last - 2, 0).wait()
        compute_unit(0)
        out_copy(u_last, 0).start()
        out_copy(u_last - 1, 1).wait()
        out_copy(u_last, 0).wait()

    return gather_kernel


_gather = _make_gather()


@jax.jit
def kernel(sentence, table):
    idx_t = sentence.reshape(_BC, 128, _SEQ // 8, 8).transpose(2, 0, 3, 1)
    table_t = table.T.reshape(_EMB * _N_CHARS)
    out = _gather(table_t, idx_t)
    t = out.reshape(_SEQ, _ER, _BC, 8, 128)
    t = t.transpose(2, 4, 0, 1, 3)
    return t.reshape(_BATCH, _SEQ, _EMB)

# --- scband reference (transcript-rebuilt; emitter-appended) ---
"""Pipeline reference for scband-char-model-13743895347264 (READ-ONLY COPY).

The authoritative reference and input builder live on the scoring server;
editing this copy changes nothing except your own understanding.
"""

import jax, jax.numpy as jnp
import numpy as np
import math

N_CHARS = 1000
EMB_DIM = 32
PADDING_IDX = 0
BATCH = 4096
SEQ = 200

def setup_inputs(seed: int = 0) -> dict:
    key = jax.random.key(seed)
    k1, k2 = jax.random.split(key)
    sentence = jax.random.randint(k1, (BATCH, SEQ), 0, N_CHARS, dtype=jnp.int32)
    # init_embedding: uniform(-sqrt(3/emb_dim), sqrt(3/emb_dim)) over the full table
    init_range = math.sqrt(3.0 / EMB_DIM)
    table = jax.random.uniform(k2, (N_CHARS, EMB_DIM), dtype=jnp.float32,
                               minval=-init_range, maxval=init_range)
    return {"sentence": sentence, "table": table}

def reference(sentence, table):
    # embedded = self.embeddings(sentence)  -> gather rows from table
    embedded = jnp.take(table, sentence, axis=0)
    # char_emb_dropout: identity in eval / inference reference
    # (self.char_model is abstract in the base class; the observable
    #  computation of CharModel itself is the embedding lookup + dropout)
    return embedded

if __name__ == "__main__":
    import jax
    _d = setup_inputs()
    print(jax.jit(kernel)(*tuple(_d.values())))

</pallas_src>

<mosaic_0001>
#map = affine_map<(d0, d1) -> (0)>
#map1 = affine_map<(d0, d1) -> (0, 0, 0, 0)>
module attributes {stable_mosaic.version = 14 : i64} {
  func.func @gather_kernel(%arg0: i32, %arg1: i32, %arg2: memref<32000xf32, #tpu.memory_space<hbm>>, %arg3: memref<25x32x8x128xi32, #tpu.memory_space<hbm>>, %arg4: memref<26214400xf32, #tpu.memory_space<hbm>>, %arg5: memref<2x32x128xi32, #tpu.memory_space<vmem>>, %arg6: memref<2x32768xf32, #tpu.memory_space<vmem>>, %arg7: memref<32000xf32, #tpu.memory_space<vmem>>, %arg8: memref<!tpu.dma_semaphore, #tpu.memory_space<semaphore_mem>>, %arg9: memref<!tpu.dma_semaphore, #tpu.memory_space<semaphore_mem>>, %arg10: memref<!tpu.dma_semaphore, #tpu.memory_space<semaphore_mem>>, %arg11: memref<!tpu.dma_semaphore, #tpu.memory_space<semaphore_mem>>, %arg12: memref<!tpu.dma_semaphore, #tpu.memory_space<semaphore_mem>>) attributes {dimension_semantics = [#tpu.dimension_semantics<core_parallel>, #tpu.dimension_semantics<subcore_parallel>], iteration_bounds = array<i64: 2, 16>, scalar_prefetch = 0 : i64, scratch_operands = 8 : i64, tpu.core_type = #tpu.core_type<sc_vector_subcore>, window_params = [{transform_indices = #map}, {transform_indices = #map1}, {transform_indices = #map}]} {
    %mul3A = arith.constant 2 : i32
    %mul3A_0 = arith.muli %arg1, %mul3A : i32
    %add3A = arith.addi %mul3A_0, %arg0 : i32
    %jit3A = arith.constant 8 : i32
    %div3A = arith.divsi %add3A, %jit3A : i32
    %sign3A = arith.constant 0 : i32
    %sign3A_1 = arith.cmpi sgt, %add3A, %sign3A : i32
    %sign3A_2 = arith.extui %sign3A_1 : i1 to i32
    %sign3A_3 = arith.constant 0 : i32
    %sign3A_4 = arith.cmpi slt, %add3A, %sign3A_3 : i32
    %sign3A_5 = arith.extui %sign3A_4 : i1 to i32
    %sign3A_6 = arith.subi %sign3A_2, %sign3A_5 : i32
    %sign3A_7 = arith.constant 0 : i32
    %sign3A_8 = arith.cmpi sgt, %jit3A, %sign3A_7 : i32
    %sign3A_9 = arith.extui %sign3A_8 : i1 to i32
    %sign3A_10 = arith.constant 0 : i32
    %sign3A_11 = arith.cmpi slt, %jit3A, %sign3A_10 : i32
    %sign3A_12 = arith.extui %sign3A_11 : i1 to i32
    %sign3A_13 = arith.subi %sign3A_9, %sign3A_12 : i32
    %ne3A = arith.cmpi ne, %sign3A_6, %sign3A_13 : i32
    %rem3A = arith.remsi %add3A, %jit3A : i32
    %ne3A_14 = arith.constant 0 : i32
    %ne3A_15 = arith.cmpi ne, %rem3A, %ne3A_14 : i32
    %and3A = arith.andi %ne3A, %ne3A_15 : i1
    %sub3A = arith.constant 1 : i32
    %sub3A_16 = arith.subi %div3A, %sub3A : i32
    %select_n3A = arith.select %and3A, %sub3A_16, %div3A : i32
    %jit3A_17 = arith.constant 8 : i32
    %eq3A = arith.constant 0 : i32
    %eq3A_18 = arith.cmpi eq, %jit3A_17, %eq3A : i32
    %jit3A_19 = arith.constant 1 : i32
    %select_n3A_20 = arith.select %eq3A_18, %jit3A_19, %jit3A_17 : i32
    %rem3A_21 = arith.remsi %add3A, %select_n3A_20 : i32
    %ne3A_22 = arith.constant 0 : i32
    %ne3A_23 = arith.cmpi ne, %rem3A_21, %ne3A_22 : i32
    %lt3A = arith.constant 0 : i32
    %lt3A_24 = arith.cmpi slt, %rem3A_21, %lt3A : i32
    %lt3A_25 = arith.constant 0 : i32
    %lt3A_26 = arith.cmpi slt, %select_n3A_20, %lt3A_25 : i32
    %ne3A_27 = arith.xori %lt3A_24, %lt3A_26 : i1
    %and3A_28 = arith.andi %ne3A_27, %ne3A_23 : i1
    %add3A_29 = arith.addi %rem3A_21, %select_n3A_20 : i32
    %select_n3A_30 = arith.select %and3A_28, %add3A_29, %rem3A_21 : i32
    %mul3A_31 = arith.constant 25 : i32
    %mul3A_32 = arith.muli %select_n3A_30, %mul3A_31 : i32
    tpu.enqueue_dma source(%arg2 : memref<32000xf32, #tpu.memory_space<hbm>>) target(%arg7 : memref<32000xf32, #tpu.memory_space<vmem>>) target_semaphore(%arg12 : memref<!tpu.dma_semaphore, #tpu.memory_space<semaphore_mem>>)
    %mul3A_33 = arith.constant 8 : i32
    %mul3A_34 = arith.muli %select_n3A, %mul3A_33 : i32
    %mul3A_35 = arith.constant 1000 : i32
    %mul3A_36 = arith.muli %mul3A_34, %mul3A_35 : i32
    %add3A_37 = arith.constant 0 : i32
    %add3A_38 = arith.addi %mul3A_32, %add3A_37 : i32
    %jit3A_39 = arith.constant 8 : i32
    %div3A_40 = arith.divsi %add3A_38, %jit3A_39 : i32
    %sign3A_41 = arith.constant 0 : i32
    %sign3A_42 = arith.cmpi sgt, %add3A_38, %sign3A_41 : i32
    %sign3A_43 = arith.extui %sign3A_42 : i1 to i32
    %sign3A_44 = arith.constant 0 : i32
    %sign3A_45 = arith.cmpi slt, %add3A_38, %sign3A_44 : i32
    %sign3A_46 = arith.extui %sign3A_45 : i1 to i32
    %sign3A_47 = arith.subi %sign3A_43, %sign3A_46 : i32
    %sign3A_48 = arith.constant 0 : i32
    %sign3A_49 = arith.cmpi sgt, %jit3A_39, %sign3A_48 : i32
    %sign3A_50 = arith.extui %sign3A_49 : i1 to i32
    %sign3A_51 = arith.constant 0 : i32
    %sign3A_52 = arith.cmpi slt, %jit3A_39, %sign3A_51 : i32
    %sign3A_53 = arith.extui %sign3A_52 : i1 to i32
    %sign3A_54 = arith.subi %sign3A_50, %sign3A_53 : i32
    %ne3A_55 = arith.cmpi ne, %sign3A_47, %sign3A_54 : i32
    %rem3A_56 = arith.remsi %add3A_38, %jit3A_39 : i32
    %ne3A_57 = arith.constant 0 : i32
    %ne3A_58 = arith.cmpi ne, %rem3A_56, %ne3A_57 : i32
    %and3A_59 = arith.andi %ne3A_55, %ne3A_58 : i1
    %sub3A_60 = arith.constant 1 : i32
    %sub3A_61 = arith.subi %div3A_40, %sub3A_60 : i32
    %select_n3A_62 = arith.select %and3A_59, %sub3A_61, %div3A_40 : i32
    %jit3A_63 = arith.constant 8 : i32
    %eq3A_64 = arith.constant 0 : i32
    %eq3A_65 = arith.cmpi eq, %jit3A_63, %eq3A_64 : i32
    %jit3A_66 = arith.constant 1 : i32
    %select_n3A_67 = arith.select %eq3A_65, %jit3A_66, %jit3A_63 : i32
    %rem3A_68 = arith.remsi %add3A_38, %select_n3A_67 : i32
    %ne3A_69 = arith.constant 0 : i32
    %ne3A_70 = arith.cmpi ne, %rem3A_68, %ne3A_69 : i32
    %lt3A_71 = arith.constant 0 : i32
    %lt3A_72 = arith.cmpi slt, %rem3A_68, %lt3A_71 : i32
    %lt3A_73 = arith.constant 0 : i32
    %lt3A_74 = arith.cmpi slt, %select_n3A_67, %lt3A_73 : i32
    %ne3A_75 = arith.xori %lt3A_72, %lt3A_74 : i1
    %and3A_76 = arith.andi %ne3A_75, %ne3A_70 : i1
    %add3A_77 = arith.addi %rem3A_68, %select_n3A_67 : i32
    %select_n3A_78 = arith.select %and3A_76, %add3A_77, %rem3A_68 : i32
    %dma_start3A = arith.constant 0 : i32
    %dma_start3A_79 = arith.constant 0 : i32
    %dma_start3A_80 = arith.constant 0 : i32
    %dma_start3A_81 = tpu.memref_slice %arg5[%dma_start3A, %dma_start3A_79, %dma_start3A_80] : memref<2x32x128xi32, #tpu.memory_space<vmem>> -> memref<1x32x128xi32, #tpu.memory_space<vmem>>
    %dma_start3A_82 = tpu.memref_squeeze %dma_start3A_81 : memref<1x32x128xi32, #tpu.memory_space<vmem>> -> memref<32x128xi32, #tpu.memory_space<vmem>>
    %dma_start3A_83 = arith.constant 0 : i32
    %dma_start3A_84 = arith.constant 0 : i32
    %dma_start3A_85 = tpu.memref_slice %arg3[%select_n3A_62, %dma_start3A_83, %select_n3A_78, %dma_start3A_84] : memref<25x32x8x128xi32, #tpu.memory_space<hbm>> -> memref<1x32x1x128xi32, #tpu.memory_space<hbm>>
    %dma_start3A_86 = tpu.memref_squeeze %dma_start3A_85 : memref<1x32x1x128xi32, #tpu.memory_space<hbm>> -> memref<32x128xi32, #tpu.memory_space<hbm>>
    %dma_start3A_87 = arith.constant 0 : i32
    %dma_start3A_88 = arith.constant 0 : i32
    %dma_start3A_89 = tpu.memref_slice %arg5[%dma_start3A, %dma_start3A_87, %dma_start3A_88] : memref<2x32x128xi32, #tpu.memory_space<vmem>> -> memref<1x32x128xi32, #tpu.memory_space<vmem>>
    %dma_start3A_90 = tpu.memref_squeeze %dma_start3A_89 : memref<1x32x128xi32, #tpu.memory_space<vmem>> -> memref<32x128xi32, #tpu.memory_space<vmem>>
    %dma_start3A_91 = arith.constant 0 : i32
    %dma_start3A_92 = arith.constant 0 : i32
    %dma_start3A_93 = tpu.memref_slice %arg3[%select_n3A_62, %dma_start3A_91, %select_n3A_78, %dma_start3A_92] : memref<25x32x8x128xi32, #tpu.memory_space<hbm>> -> memref<1x32x1x128xi32, #tpu.memory_space<hbm>>
    %dma_start3A_94 = tpu.memref_squeeze %dma_start3A_93 : memref<1x32x1x128xi32, #tpu.memory_space<hbm>> -> memref<32x128xi32, #tpu.memory_space<hbm>>
    tpu.enqueue_dma source(%dma_start3A_94 : memref<32x128xi32, #tpu.memory_space<hbm>>) target(%dma_start3A_90 : memref<32x128xi32, #tpu.memory_space<vmem>>) target_semaphore(%arg8 : memref<!tpu.dma_semaphore, #tpu.memory_space<semaphore_mem>>)
    %add3A_95 = arith.constant 1 : i32
    %add3A_96 = arith.addi %mul3A_32, %add3A_95 : i32
    %jit3A_97 = arith.constant 8 : i32
    %div3A_98 = arith.divsi %add3A_96, %jit3A_97 : i32
    %sign3A_99 = arith.constant 0 : i32
    %sign3A_100 = arith.cmpi sgt, %add3A_96, %sign3A_99 : i32
    %sign3A_101 = arith.extui %sign3A_100 : i1 to i32
    %sign3A_102 = arith.constant 0 : i32
    %sign3A_103 = arith.cmpi slt, %add3A_96, %sign3A_102 : i32
    %sign3A_104 = arith.extui %sign3A_103 : i1 to i32
    %sign3A_105 = arith.subi %sign3A_101, %sign3A_104 : i32
    %sign3A_106 = arith.constant 0 : i32
    %sign3A_107 = arith.cmpi sgt, %jit3A_97, %sign3A_106 : i32
    %sign3A_108 = arith.extui %sign3A_107 : i1 to i32
    %sign3A_109 = arith.constant 0 : i32
    %sign3A_110 = arith.cmpi slt, %jit3A_97, %sign3A_109 : i32
    %sign3A_111 = arith.extui %sign3A_110 : i1 to i32
    %sign3A_112 = arith.subi %sign3A_108, %sign3A_111 : i32
    %ne3A_113 = arith.cmpi ne, %sign3A_105, %sign3A_112 : i32
    %rem3A_114 = arith.remsi %add3A_96, %jit3A_97 : i32
    %ne3A_115 = arith.constant 0 : i32
    %ne3A_116 = arith.cmpi ne, %rem3A_114, %ne3A_115 : i32
    %and3A_117 = arith.andi %ne3A_113, %ne3A_116 : i1
    %sub3A_118 = arith.constant 1 : i32
    %sub3A_119 = arith.subi %div3A_98, %sub3A_118 : i32
    %select_n3A_120 = arith.select %and3A_117, %sub3A_119, %div3A_98 : i32
    %jit3A_121 = arith.constant 8 : i32
    %eq3A_122 = arith.constant 0 : i32
    %eq3A_123 = arith.cmpi eq, %jit3A_121, %eq3A_122 : i32
    %jit3A_124 = arith.constant 1 : i32
    %select_n3A_125 = arith.select %eq3A_123, %jit3A_124, %jit3A_121 : i32
    %rem3A_126 = arith.remsi %add3A_96, %select_n3A_125 : i32
    %ne3A_127 = arith.constant 0 : i32
    %ne3A_128 = arith.cmpi ne, %rem3A_126, %ne3A_127 : i32
    %lt3A_129 = arith.constant 0 : i32
    %lt3A_130 = arith.cmpi slt, %rem3A_126, %lt3A_129 : i32
    %lt3A_131 = arith.constant 0 : i32
    %lt3A_132 = arith.cmpi slt, %select_n3A_125, %lt3A_131 : i32
    %ne3A_133 = arith.xori %lt3A_130, %lt3A_132 : i1
    %and3A_134 = arith.andi %ne3A_133, %ne3A_128 : i1
    %add3A_135 = arith.addi %rem3A_126, %select_n3A_125 : i32
    %select_n3A_136 = arith.select %and3A_134, %add3A_135, %rem3A_126 : i32
    %dma_start3A_137 = arith.constant 1 : i32
    %dma_start3A_138 = arith.constant 0 : i32
    %dma_start3A_139 = arith.constant 0 : i32
    %dma_start3A_140 = tpu.memref_slice %arg5[%dma_start3A_137, %dma_start3A_138, %dma_start3A_139] : memref<2x32x128xi32, #tpu.memory_space<vmem>> -> memref<1x32x128xi32, #tpu.memory_space<vmem>>
    %dma_start3A_141 = tpu.memref_squeeze %dma_start3A_140 : memref<1x32x128xi32, #tpu.memory_space<vmem>> -> memref<32x128xi32, #tpu.memory_space<vmem>>
    %dma_start3A_142 = arith.constant 0 : i32
    %dma_start3A_143 = arith.constant 0 : i32
    %dma_start3A_144 = tpu.memref_slice %arg3[%select_n3A_120, %dma_start3A_142, %select_n3A_136, %dma_start3A_143] : memref<25x32x8x128xi32, #tpu.memory_space<hbm>> -> memref<1x32x1x128xi32, #tpu.memory_space<hbm>>
    %dma_start3A_145 = tpu.memref_squeeze %dma_start3A_144 : memref<1x32x1x128xi32, #tpu.memory_space<hbm>> -> memref<32x128xi32, #tpu.memory_space<hbm>>
    %dma_start3A_146 = arith.constant 0 : i32
    %dma_start3A_147 = arith.constant 0 : i32
    %dma_start3A_148 = tpu.memref_slice %arg5[%dma_start3A_137, %dma_start3A_146, %dma_start3A_147] : memref<2x32x128xi32, #tpu.memory_space<vmem>> -> memref<1x32x128xi32, #tpu.memory_space<vmem>>
    %dma_start3A_149 = tpu.memref_squeeze %dma_start3A_148 : memref<1x32x128xi32, #tpu.memory_space<vmem>> -> memref<32x128xi32, #tpu.memory_space<vmem>>
    %dma_start3A_150 = arith.constant 0 : i32
    %dma_start3A_151 = arith.constant 0 : i32
    %dma_start3A_152 = tpu.memref_slice %arg3[%select_n3A_120, %dma_start3A_150, %select_n3A_136, %dma_start3A_151] : memref<25x32x8x128xi32, #tpu.memory_space<hbm>> -> memref<1x32x1x128xi32, #tpu.memory_space<hbm>>
    %dma_start3A_153 = tpu.memref_squeeze %dma_start3A_152 : memref<1x32x1x128xi32, #tpu.memory_space<hbm>> -> memref<32x128xi32, #tpu.memory_space<hbm>>
    tpu.enqueue_dma source(%dma_start3A_153 : memref<32x128xi32, #tpu.memory_space<hbm>>) target(%dma_start3A_149 : memref<32x128xi32, #tpu.memory_space<vmem>>) target_semaphore(%arg9 : memref<!tpu.dma_semaphore, #tpu.memory_space<semaphore_mem>>)
    tpu.wait_dma2 semaphore(%arg12 : memref<!tpu.dma_semaphore, #tpu.memory_space<semaphore_mem>>) src(%arg2 : memref<32000xf32, #tpu.memory_space<hbm>>) dst(%arg7 : memref<32000xf32, #tpu.memory_space<vmem>>)
    %add3A_154 = arith.constant 0 : i32
    %add3A_155 = arith.addi %mul3A_32, %add3A_154 : i32
    %jit3A_156 = arith.constant 8 : i32
    %div3A_157 = arith.divsi %add3A_155, %jit3A_156 : i32
    %sign3A_158 = arith.constant 0 : i32
    %sign3A_159 = arith.cmpi sgt, %add3A_155, %sign3A_158 : i32
    %sign3A_160 = arith.extui %sign3A_159 : i1 to i32
    %sign3A_161 = arith.constant 0 : i32
    %sign3A_162 = arith.cmpi slt, %add3A_155, %sign3A_161 : i32
    %sign3A_163 = arith.extui %sign3A_162 : i1 to i32
    %sign3A_164 = arith.subi %sign3A_160, %sign3A_163 : i32
    %sign3A_165 = arith.constant 0 : i32
    %sign3A_166 = arith.cmpi sgt, %jit3A_156, %sign3A_165 : i32
    %sign3A_167 = arith.extui %sign3A_166 : i1 to i32
    %sign3A_168 = arith.constant 0 : i32
    %sign3A_169 = arith.cmpi slt, %jit3A_156, %sign3A_168 : i32
    %sign3A_170 = arith.extui %sign3A_169 : i1 to i32
    %sign3A_171 = arith.subi %sign3A_167, %sign3A_170 : i32
    %ne3A_172 = arith.cmpi ne, %sign3A_164, %sign3A_171 : i32
    %rem3A_173 = arith.remsi %add3A_155, %jit3A_156 : i32
    %ne3A_174 = arith.constant 0 : i32
    %ne3A_175 = arith.cmpi ne, %rem3A_173, %ne3A_174 : i32
    %and3A_176 = arith.andi %ne3A_172, %ne3A_175 : i1
    %sub3A_177 = arith.constant 1 : i32
    %sub3A_178 = arith.subi %div3A_157, %sub3A_177 : i32
    %select_n3A_179 = arith.select %and3A_176, %sub3A_178, %div3A_157 : i32
    %jit3A_180 = arith.constant 8 : i32
    %eq3A_181 = arith.constant 0 : i32
    %eq3A_182 = arith.cmpi eq, %jit3A_180, %eq3A_181 : i32
    %jit3A_183 = arith.constant 1 : i32
    %select_n3A_184 = arith.select %eq3A_182, %jit3A_183, %jit3A_180 : i32
    %rem3A_185 = arith.remsi %add3A_155, %select_n3A_184 : i32
    %ne3A_186 = arith.constant 0 : i32
    %ne3A_187 = arith.cmpi ne, %rem3A_185, %ne3A_186 : i32
    %lt3A_188 = arith.constant 0 : i32
    %lt3A_189 = arith.cmpi slt, %rem3A_185, %lt3A_188 : i32
    %lt3A_190 = arith.constant 0 : i32
    %lt3A_191 = arith.cmpi slt, %select_n3A_184, %lt3A_190 : i32
    %ne3A_192 = arith.xori %lt3A_189, %lt3A_191 : i1
    %and3A_193 = arith.andi %ne3A_192, %ne3A_187 : i1
    %add3A_194 = arith.addi %rem3A_185, %select_n3A_184 : i32
    %select_n3A_195 = arith.select %and3A_193, %add3A_194, %rem3A_185 : i32
    %dma_wait3A = arith.constant 0 : i32
    %dma_wait3A_196 = arith.constant 0 : i32
    %dma_wait3A_197 = arith.constant 0 : i32
    %dma_wait3A_198 = tpu.memref_slice %arg5[%dma_wait3A, %dma_wait3A_196, %dma_wait3A_197] : memref<2x32x128xi32, #tpu.memory_space<vmem>> -> memref<1x32x128xi32, #tpu.memory_space<vmem>>
    %dma_wait3A_199 = tpu.memref_squeeze %dma_wait3A_198 : memref<1x32x128xi32, #tpu.memory_space<vmem>> -> memref<32x128xi32, #tpu.memory_space<vmem>>
    %dma_wait3A_200 = arith.constant 0 : i32
    %dma_wait3A_201 = arith.constant 0 : i32
    %dma_wait3A_202 = tpu.memref_slice %arg3[%select_n3A_179, %dma_wait3A_200, %select_n3A_195, %dma_wait3A_201] : memref<25x32x8x128xi32, #tpu.memory_space<hbm>> -> memref<1x32x1x128xi32, #tpu.memory_space<hbm>>
    %dma_wait3A_203 = tpu.memref_squeeze %dma_wait3A_202 : memref<1x32x1x128xi32, #tpu.memory_space<hbm>> -> memref<32x128xi32, #tpu.memory_space<hbm>>
    %dma_wait3A_204 = arith.constant 0 : i32
    %dma_wait3A_205 = arith.constant 0 : i32
    %dma_wait3A_206 = tpu.memref_slice %arg5[%dma_wait3A, %dma_wait3A_204, %dma_wait3A_205] : memref<2x32x128xi32, #tpu.memory_space<vmem>> -> memref<1x32x128xi32, #tpu.memory_space<vmem>>
    %dma_wait3A_207 = tpu.memref_squeeze %dma_wait3A_206 : memref<1x32x128xi32, #tpu.memory_space<vmem>> -> memref<32x128xi32, #tpu.memory_space<vmem>>
    %dma_wait3A_208 = arith.constant 0 : i32
    %dma_wait3A_209 = arith.constant 0 : i32
    %dma_wait3A_210 = tpu.memref_slice %arg3[%select_n3A_179, %dma_wait3A_208, %select_n3A_195, %dma_wait3A_209] : memref<25x32x8x128xi32, #tpu.memory_space<hbm>> -> memref<1x32x1x128xi32, #tpu.memory_space<hbm>>
    %dma_wait3A_211 = tpu.memref_squeeze %dma_wait3A_210 : memref<1x32x1x128xi32, #tpu.memory_space<hbm>> -> memref<32x128xi32, #tpu.memory_space<hbm>>
    tpu.wait_dma2 semaphore(%arg8 : memref<!tpu.dma_semaphore, #tpu.memory_space<semaphore_mem>>) src(%dma_wait3A_211 : memref<32x128xi32, #tpu.memory_space<hbm>>) dst(%dma_wait3A_207 : memref<32x128xi32, #tpu.memory_space<vmem>>)
    %parallel_loop3A = arith.constant 0 : i32
    %parallel_loop3A_212 = arith.constant 256 : i32
    %parallel_loop3A_213 = arith.constant 1 : i32
    %parallel_loop3A_214 = arith.constant 0 : i32
    %parallel_loop3A_215 = arith.constant 0 : i32
    scf.for %parallel_loop3A_568 = %parallel_loop3A to %parallel_loop3A_212 step %parallel_loop3A_213  : i32 {
      %parallel_loop3A_569 = arith.constant 8 : i32
      %parallel_loop3A_570 = arith.divsi %parallel_loop3A_568, %parallel_loop3A_569 : i32
      %parallel_loop3A_571 = arith.constant 0 : i32
      %parallel_loop3A_572 = arith.cmpi sgt, %parallel_loop3A_568, %parallel_loop3A_571 : i32
      %parallel_loop3A_573 = arith.extui %parallel_loop3A_572 : i1 to i32
      %parallel_loop3A_574 = arith.constant 0 : i32
      %parallel_loop3A_575 = arith.cmpi slt, %parallel_loop3A_568, %parallel_loop3A_574 : i32
      %parallel_loop3A_576 = arith.extui %parallel_loop3A_575 : i1 to i32
      %parallel_loop3A_577 = arith.subi %parallel_loop3A_573, %parallel_loop3A_576 : i32
      %parallel_loop3A_578 = arith.constant 0 : i32
      %parallel_loop3A_579 = arith.cmpi sgt, %parallel_loop3A_569, %parallel_loop3A_578 : i32
      %parallel_loop3A_580 = arith.extui %parallel_loop3A_579 : i1 to i32
      %parallel_loop3A_581 = arith.constant 0 : i32
      %parallel_loop3A_582 = arith.cmpi slt, %parallel_loop3A_569, %parallel_loop3A_581 : i32
      %parallel_loop3A_583 = arith.extui %parallel_loop3A_582 : i1 to i32
      %parallel_loop3A_584 = arith.subi %parallel_loop3A_580, %parallel_loop3A_583 : i32
      %parallel_loop3A_585 = arith.cmpi ne, %parallel_loop3A_577, %parallel_loop3A_584 : i32
      %parallel_loop3A_586 = arith.remsi %parallel_loop3A_568, %parallel_loop3A_569 : i32
      %parallel_loop3A_587 = arith.constant 0 : i32
      %parallel_loop3A_588 = arith.cmpi ne, %parallel_loop3A_586, %parallel_loop3A_587 : i32
      %parallel_loop3A_589 = arith.andi %parallel_loop3A_585, %parallel_loop3A_588 : i1
      %parallel_loop3A_590 = arith.constant 1 : i32
      %parallel_loop3A_591 = arith.subi %parallel_loop3A_570, %parallel_loop3A_590 : i32
      %parallel_loop3A_592 = arith.select %parallel_loop3A_589, %parallel_loop3A_591, %parallel_loop3A_570 : i32
      %parallel_loop3A_593 = arith.constant 8 : i32
      %parallel_loop3A_594 = arith.constant 0 : i32
      %parallel_loop3A_595 = arith.cmpi eq, %parallel_loop3A_593, %parallel_loop3A_594 : i32
      %parallel_loop3A_596 = arith.constant 1 : i32
      %parallel_loop3A_597 = arith.select %parallel_loop3A_595, %parallel_loop3A_596, %parallel_loop3A_593 : i32
      %parallel_loop3A_598 = arith.remsi %parallel_loop3A_568, %parallel_loop3A_597 : i32
      %parallel_loop3A_599 = arith.constant 0 : i32
      %parallel_loop3A_600 = arith.cmpi ne, %parallel_loop3A_598, %parallel_loop3A_599 : i32
      %parallel_loop3A_601 = arith.constant 0 : i32
      %parallel_loop3A_602 = arith.cmpi slt, %parallel_loop3A_598, %parallel_loop3A_601 : i32
      %parallel_loop3A_603 = arith.constant 0 : i32
      %parallel_loop3A_604 = arith.cmpi slt, %parallel_loop3A_597, %parallel_loop3A_603 : i32
      %parallel_loop3A_605 = arith.xori %parallel_loop3A_602, %parallel_loop3A_604 : i1
      %parallel_loop3A_606 = arith.andi %parallel_loop3A_605, %parallel_loop3A_600 : i1
      %parallel_loop3A_607 = arith.addi %parallel_loop3A_598, %parallel_loop3A_597 : i32
      %parallel_loop3A_608 = arith.select %parallel_loop3A_606, %parallel_loop3A_607, %parallel_loop3A_598 : i32
      %parallel_loop3A_609 = arith.constant 16 : i32
      %parallel_loop3A_610 = arith.muli %parallel_loop3A_608, %parallel_loop3A_609 : i32
      %parallel_loop3A_611 = arith.constant 0 : i32
      %parallel_loop3A_612 = arith.constant 0 : i32
      %parallel_loop3A_613 = tpu.memref_slice %arg5[%parallel_loop3A_214, %parallel_loop3A_611, %parallel_loop3A_612] : memref<2x32x128xi32, #tpu.memory_space<vmem>> -> memref<1x32x128xi32, #tpu.memory_space<vmem>>
      %parallel_loop3A_614 = tpu.memref_squeeze %parallel_loop3A_613 : memref<1x32x128xi32, #tpu.memory_space<vmem>> -> memref<32x128xi32, #tpu.memory_space<vmem>>
      %parallel_loop3A_615 = arith.index_cast %parallel_loop3A_592 : i32 to index
      %parallel_loop3A_616 = arith.index_cast %parallel_loop3A_610 : i32 to index
      %parallel_loop3A_617 = tpu.vector_load %parallel_loop3A_614[%parallel_loop3A_615, %parallel_loop3A_616] {strides = array<i32>} : memref<32x128xi32, #tpu.memory_space<vmem>>, vector<16xi32>,
      %parallel_loop3A_618 = arith.constant 1024 : i32
      %parallel_loop3A_619 = arith.muli %parallel_loop3A_592, %parallel_loop3A_618 : i32
      %parallel_loop3A_620 = arith.constant 16 : i32
      %parallel_loop3A_621 = arith.muli %parallel_loop3A_608, %parallel_loop3A_620 : i32
      %parallel_loop3A_622 = arith.addi %parallel_loop3A_619, %parallel_loop3A_621 : i32
      %parallel_loop3A_623 = arith.constant 0 : i32
      %parallel_loop3A_624 = arith.addi %mul3A_36, %parallel_loop3A_623 : i32
      %parallel_loop3A_625 = vector.broadcast %parallel_loop3A_624 : i32 to vector<16xi32>
      %parallel_loop3A_626 = arith.addi %parallel_loop3A_617, %parallel_loop3A_625 : vector<16xi32>
      %parallel_loop3A_627 = tpu.vector_load_idx %arg7[%parallel_loop3A_626] : memref<32000xf32, #tpu.memory_space<vmem>>[vector<16xi32>], vector<16xf32>,
      %parallel_loop3A_628 = arith.constant 0 : i32
      %parallel_loop3A_629 = arith.addi %parallel_loop3A_622, %parallel_loop3A_628 : i32
      %parallel_loop3A_630 = arith.constant 0 : i32
      %parallel_loop3A_631 = tpu.memref_slice %arg6[%parallel_loop3A_215, %parallel_loop3A_630] : memref<2x32768xf32, #tpu.memory_space<vmem>> -> memref<1x32768xf32, #tpu.memory_space<vmem>>
      %parallel_loop3A_632 = tpu.memref_squeeze %parallel_loop3A_631 : memref<1x32768xf32, #tpu.memory_space<vmem>> -> memref<32768xf32, #tpu.memory_space<vmem>>
      %parallel_loop3A_633 = arith.index_cast %parallel_loop3A_629 : i32 to index
      %parallel_loop3A_634 = tpu.vector_load %parallel_loop3A_632[%parallel_loop3A_633] {strides = array<i32>} : memref<32768xf32, #tpu.memory_space<vmem>>, vector<16xf32>,
      tpu.vector_store %parallel_loop3A_632[%parallel_loop3A_633], %parallel_loop3A_627 {strides = array<i32>} : memref<32768xf32, #tpu.memory_space<vmem>>, vector<16xf32>,
      %parallel_loop3A_635 = arith.constant 1000 : i32
      %parallel_loop3A_636 = arith.addi %mul3A_36, %parallel_loop3A_635 : i32
      %parallel_loop3A_637 = vector.broadcast %parallel_loop3A_636 : i32 to vector<16xi32>
      %parallel_loop3A_638 = arith.addi %parallel_loop3A_617, %parallel_loop3A_637 : vector<16xi32>
      %parallel_loop3A_639 = tpu.vector_load_idx %arg7[%parallel_loop3A_638] : memref<32000xf32, #tpu.memory_space<vmem>>[vector<16xi32>], vector<16xf32>,
      %parallel_loop3A_640 = arith.constant 128 : i32
      %parallel_loop3A_641 = arith.addi %parallel_loop3A_622, %parallel_loop3A_640 : i32
      %parallel_loop3A_642 = arith.constant 0 : i32
      %parallel_loop3A_643 = tpu.memref_slice %arg6[%parallel_loop3A_215, %parallel_loop3A_642] : memref<2x32768xf32, #tpu.memory_space<vmem>> -> memref<1x32768xf32, #tpu.memory_space<vmem>>
      %parallel_loop3A_644 = tpu.memref_squeeze %parallel_loop3A_643 : memref<1x32768xf32, #tpu.memory_space<vmem>> -> memref<32768xf32, #tpu.memory_space<vmem>>
      %parallel_loop3A_645 = arith.index_cast %parallel_loop3A_641 : i32 to index
      %parallel_loop3A_646 = tpu.vector_load %parallel_loop3A_644[%parallel_loop3A_645] {strides = array<i32>} : memref<32768xf32, #tpu.memory_space<vmem>>, vector<16xf32>,
      tpu.vector_store %parallel_loop3A_644[%parallel_loop3A_645], %parallel_loop3A_639 {strides = array<i32>} : memref<32768xf32, #tpu.memory_space<vmem>>, vector<16xf32>,
      %parallel_loop3A_647 = arith.constant 2000 : i32
      %parallel_loop3A_648 = arith.addi %mul3A_36, %parallel_loop3A_647 : i32
      %parallel_loop3A_649 = vector.broadcast %parallel_loop3A_648 : i32 to vector<16xi32>
      %parallel_loop3A_650 = arith.addi %parallel_loop3A_617, %parallel_loop3A_649 : vector<16xi32>
      %parallel_loop3A_651 = tpu.vector_load_idx %arg7[%parallel_loop3A_650] : memref<32000xf32, #tpu.memory_space<vmem>>[vector<16xi32>], vector<16xf32>,
      %parallel_loop3A_652 = arith.constant 256 : i32
      %parallel_loop3A_653 = arith.addi %parallel_loop3A_622, %parallel_loop3A_652 : i32
      %parallel_loop3A_654 = arith.constant 0 : i32
      %parallel_loop3A_655 = tpu.memref_slice %arg6[%parallel_loop3A_215, %parallel_loop3A_654] : memref<2x32768xf32, #tpu.memory_space<vmem>> -> memref<1x32768xf32, #tpu.memory_space<vmem>>
      %parallel_loop3A_656 = tpu.memref_squeeze %parallel_loop3A_655 : memref<1x32768xf32, #tpu.memory_space<vmem>> -> memref<32768xf32, #tpu.memory_space<vmem>>
      %parallel_loop3A_657 = arith.index_cast %parallel_loop3A_653 : i32 to index
      %parallel_loop3A_658 = tpu.vector_load %parallel_loop3A_656[%parallel_loop3A_657] {strides = array<i32>} : memref<32768xf32, #tpu.memory_space<vmem>>, vector<16xf32>,
      tpu.vector_store %parallel_loop3A_656[%parallel_loop3A_657], %parallel_loop3A_651 {strides = array<i32>} : memref<32768xf32, #tpu.memory_space<vmem>>, vector<16xf32>,
      %parallel_loop3A_659 = arith.constant 3000 : i32
      %parallel_loop3A_660 = arith.addi %mul3A_36, %parallel_loop3A_659 : i32
      %parallel_loop3A_661 = vector.broadcast %parallel_loop3A_660 : i32 to vector<16xi32>
      %parallel_loop3A_662 = arith.addi %parallel_loop3A_617, %parallel_loop3A_661 : vector<16xi32>
      %parallel_loop3A_663 = tpu.vector_load_idx %arg7[%parallel_loop3A_662] : memref<32000xf32, #tpu.memory_space<vmem>>[vector<16xi32>], vector<16xf32>,
      %parallel_loop3A_664 = arith.constant 384 : i32
      %parallel_loop3A_665 = arith.addi %parallel_loop3A_622, %parallel_loop3A_664 : i32
      %parallel_loop3A_666 = arith.constant 0 : i32
      %parallel_loop3A_667 = tpu.memref_slice %arg6[%parallel_loop3A_215, %parallel_loop3A_666] : memref<2x32768xf32, #tpu.memory_space<vmem>> -> memref<1x32768xf32, #tpu.memory_space<vmem>>
      %parallel_loop3A_668 = tpu.memref_squeeze %parallel_loop3A_667 : memref<1x32768xf32, #tpu.memory_space<vmem>> -> memref<32768xf32, #tpu.memory_space<vmem>>
      %parallel_loop3A_669 = arith.index_cast %parallel_loop3A_665 : i32 to index
      %parallel_loop3A_670 = tpu.vector_load %parallel_loop3A_668[%parallel_loop3A_669] {strides = array<i32>} : memref<32768xf32, #tpu.memory_space<vmem>>, vector<16xf32>,
      tpu.vector_store %parallel_loop3A_668[%parallel_loop3A_669], %parallel_loop3A_663 {strides = array<i32>} : memref<32768xf32, #tpu.memory_space<vmem>>, vector<16xf32>,
      %parallel_loop3A_671 = arith.constant 4000 : i32
      %parallel_loop3A_672 = arith.addi %mul3A_36, %parallel_loop3A_671 : i32
      %parallel_loop3A_673 = vector.broadcast %parallel_loop3A_672 : i32 to vector<16xi32>
      %parallel_loop3A_674 = arith.addi %parallel_loop3A_617, %parallel_loop3A_673 : vector<16xi32>
      %parallel_loop3A_675 = tpu.vector_load_idx %arg7[%parallel_loop3A_674] : memref<32000xf32, #tpu.memory_space<vmem>>[vector<16xi32>], vector<16xf32>,
      %parallel_loop3A_676 = arith.constant 512 : i32
      %parallel_loop3A_677 = arith.addi %parallel_loop3A_622, %parallel_loop3A_676 : i32
      %parallel_loop3A_678 = arith.constant 0 : i32
      %parallel_loop3A_679 = tpu.memref_slice %arg6[%parallel_loop3A_215, %parallel_loop3A_678] : memref<2x32768xf32, #tpu.memory_space<vmem>> -> memref<1x32768xf32, #tpu.memory_space<vmem>>
      %parallel_loop3A_680 = tpu.memref_squeeze %parallel_loop3A_679 : memref<1x32768xf32, #tpu.memory_space<vmem>> -> memref<32768xf32, #tpu.memory_space<vmem>>
      %parallel_loop3A_681 = arith.index_cast %parallel_loop3A_677 : i32 to index
      %parallel_loop3A_682 = tpu.vector_load %parallel_loop3A_680[%parallel_loop3A_681] {strides = array<i32>} : memref<32768xf32, #tpu.memory_space<vmem>>, vector<16xf32>,
      tpu.vector_store %parallel_loop3A_680[%parallel_loop3A_681], %parallel_loop3A_675 {strides = array<i32>} : memref<32768xf32, #tpu.memory_space<vmem>>, vector<16xf32>,
      %parallel_loop3A_683 = arith.constant 5000 : i32
      %parallel_loop3A_684 = arith.addi %mul3A_36, %parallel_loop3A_683 : i32
      %parallel_loop3A_685 = vector.broadcast %parallel_loop3A_684 : i32 to vector<16xi32>
      %parallel_loop3A_686 = arith.addi %parallel_loop3A_617, %parallel_loop3A_685 : vector<16xi32>
      %parallel_loop3A_687 = tpu.vector_load_idx %arg7[%parallel_loop3A_686] : memref<32000xf32, #tpu.memory_space<vmem>>[vector<16xi32>], vector<16xf32>,
      %parallel_loop3A_688 = arith.constant 640 : i32
      %parallel_loop3A_689 = arith.addi %parallel_loop3A_622, %parallel_loop3A_688 : i32
      %parallel_loop3A_690 = arith.constant 0 : i32
      %parallel_loop3A_691 = tpu.memref_slice %arg6[%parallel_loop3A_215, %parallel_loop3A_690] : memref<2x32768xf32, #tpu.memory_space<vmem>> -> memref<1x32768xf32, #tpu.memory_space<vmem>>
      %parallel_loop3A_692 = tpu.memref_squeeze %parallel_loop3A_691 : memref<1x32768xf32, #tpu.memory_space<vmem>> -> memref<32768xf32, #tpu.memory_space<vmem>>
      %parallel_loop3A_693 = arith.index_cast %parallel_loop3A_689 : i32 to index
      %parallel_loop3A_694 = tpu.vector_load %parallel_loop3A_692[%parallel_loop3A_693] {strides = array<i32>} : memref<32768xf32, #tpu.memory_space<vmem>>, vector<16xf32>,
      tpu.vector_store %parallel_loop3A_692[%parallel_loop3A_693], %parallel_loop3A_687 {strides = array<i32>} : memref<32768xf32, #tpu.memory_space<vmem>>, vector<16xf32>,
      %parallel_loop3A_695 = arith.constant 6000 : i32
      %parallel_loop3A_696 = arith.addi %mul3A_36, %parallel_loop3A_695 : i32
      %parallel_loop3A_697 = vector.broadcast %parallel_loop3A_696 : i32 to vector<16xi32>
      %parallel_loop3A_698 = arith.addi %parallel_loop3A_617, %parallel_loop3A_697 : vector<16xi32>
      %parallel_loop3A_699 = tpu.vector_load_idx %arg7[%parallel_loop3A_698] : memref<32000xf32, #tpu.memory_space<vmem>>[vector<16xi32>], vector<16xf32>,
      %parallel_loop3A_700 = arith.constant 768 : i32
      %parallel_loop3A_701 = arith.addi %parallel_loop3A_622, %parallel_loop3A_700 : i32
      %parallel_loop3A_702 = arith.constant 0 : i32
      %parallel_loop3A_703 = tpu.memref_slice %arg6[%parallel_loop3A_215, %parallel_loop3A_702] : memref<2x32768xf32, #tpu.memory_space<vmem>> -> memref<1x32768xf32, #tpu.memory_space<vmem>>
      %parallel_loop3A_704 = tpu.memref_squeeze %parallel_loop3A_703 : memref<1x32768xf32, #tpu.memory_space<vmem>> -> memref<32768xf32, #tpu.memory_space<vmem>>
      %parallel_loop3A_705 = arith.index_cast %parallel_loop3A_701 : i32 to index
      %parallel_loop3A_706 = tpu.vector_load %parallel_loop3A_704[%parallel_loop3A_705] {strides = array<i32>} : memref<32768xf32, #tpu.memory_space<vmem>>, vector<16xf32>,
      tpu.vector_store %parallel_loop3A_704[%parallel_loop3A_705], %parallel_loop3A_699 {strides = array<i32>} : memref<32768xf32, #tpu.memory_space<vmem>>, vector<16xf32>,
      %parallel_loop3A_707 = arith.constant 7000 : i32
      %parallel_loop3A_708 = arith.addi %mul3A_36, %parallel_loop3A_707 : i32
      %parallel_loop3A_709 = vector.broadcast %parallel_loop3A_708 : i32 to vector<16xi32>
      %parallel_loop3A_710 = arith.addi %parallel_loop3A_617, %parallel_loop3A_709 : vector<16xi32>
      %parallel_loop3A_711 = tpu.vector_load_idx %arg7[%parallel_loop3A_710] : memref<32000xf32, #tpu.memory_space<vmem>>[vector<16xi32>], vector<16xf32>,
      %parallel_loop3A_712 = arith.constant 896 : i32
      %parallel_loop3A_713 = arith.addi %parallel_loop3A_622, %parallel_loop3A_712 : i32
      %parallel_loop3A_714 = arith.constant 0 : i32
      %parallel_loop3A_715 = tpu.memref_slice %arg6[%parallel_loop3A_215, %parallel_loop3A_714] : memref<2x32768xf32, #tpu.memory_space<vmem>> -> memref<1x32768xf32, #tpu.memory_space<vmem>>
      %parallel_loop3A_716 = tpu.memref_squeeze %parallel_loop3A_715 : memref<1x32768xf32, #tpu.memory_space<vmem>> -> memref<32768xf32, #tpu.memory_space<vmem>>
      %parallel_loop3A_717 = arith.index_cast %parallel_loop3A_713 : i32 to index
      %parallel_loop3A_718 = tpu.vector_load %parallel_loop3A_716[%parallel_loop3A_717] {strides = array<i32>} : memref<32768xf32, #tpu.memory_space<vmem>>, vector<16xf32>,
      tpu.vector_store %parallel_loop3A_716[%parallel_loop3A_717], %parallel_loop3A_711 {strides = array<i32>} : memref<32768xf32, #tpu.memory_space<vmem>>, vector<16xf32>,
    } {sc.loop_unroll_factor = 1 : i64, sc.parallel_access}
    %add3A_216 = arith.constant 0 : i32
    %add3A_217 = arith.addi %mul3A_32, %add3A_216 : i32
    %mul3A_218 = arith.constant 131072 : i32
    %mul3A_219 = arith.muli %add3A_217, %mul3A_218 : i32
    %mul3A_220 = arith.constant 32768 : i32
    %mul3A_221 = arith.muli %select_n3A, %mul3A_220 : i32
    %add3A_222 = arith.addi %mul3A_219, %mul3A_221 : i32
    %multiple_of3A = tpu.assume_multiple %add3A_222, 8 : i32
    %dma_start3A_223 = arith.constant 0 : i32
    %dma_start3A_224 = arith.constant 0 : i32
    %dma_start3A_225 = tpu.memref_slice %arg6[%dma_start3A_223, %dma_start3A_224] : memref<2x32768xf32, #tpu.memory_space<vmem>> -> memref<1x32768xf32, #tpu.memory_space<vmem>>
    %dma_start3A_226 = tpu.memref_squeeze %dma_start3A_225 : memref<1x32768xf32, #tpu.memory_space<vmem>> -> memref<32768xf32, #tpu.memory_space<vmem>>
    %dma_start3A_227 = tpu.memref_slice %arg4[%multiple_of3A] : memref<26214400xf32, #tpu.memory_space<hbm>> -> memref<32768xf32, #tpu.memory_space<hbm>>
    %dma_start3A_228 = tpu.memref_slice %arg4[%multiple_of3A] : memref<26214400xf32, #tpu.memory_space<hbm>> -> memref<32768xf32, #tpu.memory_space<hbm>>
    %dma_start3A_229 = arith.constant 0 : i32
    %dma_start3A_230 = tpu.memref_slice %arg6[%dma_start3A_223, %dma_start3A_229] : memref<2x32768xf32, #tpu.memory_space<vmem>> -> memref<1x32768xf32, #tpu.memory_space<vmem>>
    %dma_start3A_231 = tpu.memref_squeeze %dma_start3A_230 : memref<1x32768xf32, #tpu.memory_space<vmem>> -> memref<32768xf32, #tpu.memory_space<vmem>>
    tpu.enqueue_dma source(%dma_start3A_231 : memref<32768xf32, #tpu.memory_space<vmem>>) target(%dma_start3A_228 : memref<32768xf32, #tpu.memory_space<hbm>>) target_semaphore(%arg10 : memref<!tpu.dma_semaphore, #tpu.memory_space<semaphore_mem>>)
    %add3A_232 = arith.constant 2 : i32
    %add3A_233 = arith.addi %mul3A_32, %add3A_232 : i32
    %jit3A_234 = arith.constant 8 : i32
    %div3A_235 = arith.divsi %add3A_233, %jit3A_234 : i32
    %sign3A_236 = arith.constant 0 : i32
    %sign3A_237 = arith.cmpi sgt, %add3A_233, %sign3A_236 : i32
    %sign3A_238 = arith.extui %sign3A_237 : i1 to i32
    %sign3A_239 = arith.constant 0 : i32
    %sign3A_240 = arith.cmpi slt, %add3A_233, %sign3A_239 : i32
    %sign3A_241 = arith.extui %sign3A_240 : i1 to i32
    %sign3A_242 = arith.subi %sign3A_238, %sign3A_241 : i32
    %sign3A_243 = arith.constant 0 : i32
    %sign3A_244 = arith.cmpi sgt, %jit3A_234, %sign3A_243 : i32
    %sign3A_245 = arith.extui %sign3A_244 : i1 to i32
    %sign3A_246 = arith.constant 0 : i32
    %sign3A_247 = arith.cmpi slt, %jit3A_234, %sign3A_246 : i32
    %sign3A_248 = arith.extui %sign3A_247 : i1 to i32
    %sign3A_249 = arith.subi %sign3A_245, %sign3A_248 : i32
    %ne3A_250 = arith.cmpi ne, %sign3A_242, %sign3A_249 : i32
    %rem3A_251 = arith.remsi %add3A_233, %jit3A_234 : i32
    %ne3A_252 = arith.constant 0 : i32
    %ne3A_253 = arith.cmpi ne, %rem3A_251, %ne3A_252 : i32
    %and3A_254 = arith.andi %ne3A_250, %ne3A_253 : i1
    %sub3A_255 = arith.constant 1 : i32
    %sub3A_256 = arith.subi %div3A_235, %sub3A_255 : i32
    %select_n3A_257 = arith.select %and3A_254, %sub3A_256, %div3A_235 : i32
    %jit3A_258 = arith.constant 8 : i32
    %eq3A_259 = arith.constant 0 : i32
    %eq3A_260 = arith.cmpi eq, %jit3A_258, %eq3A_259 : i32
    %jit3A_261 = arith.constant 1 : i32
    %select_n3A_262 = arith.select %eq3A_260, %jit3A_261, %jit3A_258 : i32
    %rem3A_263 = arith.remsi %add3A_233, %select_n3A_262 : i32
    %ne3A_264 = arith.constant 0 : i32
    %ne3A_265 = arith.cmpi ne, %rem3A_263, %ne3A_264 : i32
    %lt3A_266 = arith.constant 0 : i32
    %lt3A_267 = arith.cmpi slt, %rem3A_263, %lt3A_266 : i32
    %lt3A_268 = arith.constant 0 : i32
    %lt3A_269 = arith.cmpi slt, %select_n3A_262, %lt3A_268 : i32
    %ne3A_270 = arith.xori %lt3A_267, %lt3A_269 : i1
    %and3A_271 = arith.andi %ne3A_270, %ne3A_265 : i1
    %add3A_272 = arith.addi %rem3A_263, %select_n3A_262 : i32
    %select_n3A_273 = arith.select %and3A_271, %add3A_272, %rem3A_263 : i32
    %dma_start3A_274 = arith.constant 0 : i32
    %dma_start3A_275 = arith.constant 0 : i32
    %dma_start3A_276 = arith.constant 0 : i32
    %dma_start3A_277 = tpu.memref_slice %arg5[%dma_start3A_274, %dma_start3A_275, %dma_start3A_276] : memref<2x32x128xi32, #tpu.memory_space<vmem>> -> memref<1x32x128xi32, #tpu.memory_space<vmem>>
    %dma_start3A_278 = tpu.memref_squeeze %dma_start3A_277 : memref<1x32x128xi32, #tpu.memory_space<vmem>> -> memref<32x128xi32, #tpu.memory_space<vmem>>
    %dma_start3A_279 = arith.constant 0 : i32
    %dma_start3A_280 = arith.constant 0 : i32
    %dma_start3A_281 = tpu.memref_slice %arg3[%select_n3A_257, %dma_start3A_279, %select_n3A_273, %dma_start3A_280] : memref<25x32x8x128xi32, #tpu.memory_space<hbm>> -> memref<1x32x1x128xi32, #tpu.memory_space<hbm>>
    %dma_start3A_282 = tpu.memref_squeeze %dma_start3A_281 : memref<1x32x1x128xi32, #tpu.memory_space<hbm>> -> memref<32x128xi32, #tpu.memory_space<hbm>>
    %dma_start3A_283 = arith.constant 0 : i32
    %dma_start3A_284 = arith.constant 0 : i32
    %dma_start3A_285 = tpu.memref_slice %arg5[%dma_start3A_274, %dma_start3A_283, %dma_start3A_284] : memref<2x32x128xi32, #tpu.memory_space<vmem>> -> memref<1x32x128xi32, #tpu.memory_space<vmem>>
    %dma_start3A_286 = tpu.memref_squeeze %dma_start3A_285 : memref<1x32x128xi32, #tpu.memory_space<vmem>> -> memref<32x128xi32, #tpu.memory_space<vmem>>
    %dma_start3A_287 = arith.constant 0 : i32
    %dma_start3A_288 = arith.constant 0 : i32
    %dma_start3A_289 = tpu.memref_slice %arg3[%select_n3A_257, %dma_start3A_287, %select_n3A_273, %dma_start3A_288] : memref<25x32x8x128xi32, #tpu.memory_space<hbm>> -> memref<1x32x1x128xi32, #tpu.memory_space<hbm>>
    %dma_start3A_290 = tpu.memref_squeeze %dma_start3A_289 : memref<1x32x1x128xi32, #tpu.memory_space<hbm>> -> memref<32x128xi32, #tpu.memory_space<hbm>>
    tpu.enqueue_dma source(%dma_start3A_290 : memref<32x128xi32, #tpu.memory_space<hbm>>) target(%dma_start3A_286 : memref<32x128xi32, #tpu.memory_space<vmem>>) target_semaphore(%arg8 : memref<!tpu.dma_semaphore, #tpu.memory_space<semaphore_mem>>)
    %add3A_291 = arith.constant 1 : i32
    %add3A_292 = arith.addi %mul3A_32, %add3A_291 : i32
    %jit3A_293 = arith.constant 8 : i32
    %div3A_294 = arith.divsi %add3A_292, %jit3A_293 : i32
    %sign3A_295 = arith.constant 0 : i32
    %sign3A_296 = arith.cmpi sgt, %add3A_292, %sign3A_295 : i32
    %sign3A_297 = arith.extui %sign3A_296 : i1 to i32
    %sign3A_298 = arith.constant 0 : i32
    %sign3A_299 = arith.cmpi slt, %add3A_292, %sign3A_298 : i32
    %sign3A_300 = arith.extui %sign3A_299 : i1 to i32
    %sign3A_301 = arith.subi %sign3A_297, %sign3A_300 : i32
    %sign3A_302 = arith.constant 0 : i32
    %sign3A_303 = arith.cmpi sgt, %jit3A_293, %sign3A_302 : i32
    %sign3A_304 = arith.extui %sign3A_303 : i1 to i32
    %sign3A_305 = arith.constant 0 : i32
    %sign3A_306 = arith.cmpi slt, %jit3A_293, %sign3A_305 : i32
    %sign3A_307 = arith.extui %sign3A_306 : i1 to i32
    %sign3A_308 = arith.subi %sign3A_304, %sign3A_307 : i32
    %ne3A_309 = arith.cmpi ne, %sign3A_301, %sign3A_308 : i32
    %rem3A_310 = arith.remsi %add3A_292, %jit3A_293 : i32
    %ne3A_311 = arith.constant 0 : i32
    %ne3A_312 = arith.cmpi ne, %rem3A_310, %ne3A_311 : i32
    %and3A_313 = arith.andi %ne3A_309, %ne3A_312 : i1
    %sub3A_314 = arith.constant 1 : i32
    %sub3A_315 = arith.subi %div3A_294, %sub3A_314 : i32
    %select_n3A_316 = arith.select %and3A_313, %sub3A_315, %div3A_294 : i32
    %jit3A_317 = arith.constant 8 : i32
    %eq3A_318 = arith.constant 0 : i32
    %eq3A_319 = arith.cmpi eq, %jit3A_317, %eq3A_318 : i32
    %jit3A_320 = arith.constant 1 : i32
    %select_n3A_321 = arith.select %eq3A_319, %jit3A_320, %jit3A_317 : i32
    %rem3A_322 = arith.remsi %add3A_292, %select_n3A_321 : i32
    %ne3A_323 = arith.constant 0 : i32
    %ne3A_324 = arith.cmpi ne, %rem3A_322, %ne3A_323 : i32
    %lt3A_325 = arith.constant 0 : i32
    %lt3A_326 = arith.cmpi slt, %rem3A_322, %lt3A_325 : i32
    %lt3A_327 = arith.constant 0 : i32
    %lt3A_328 = arith.cmpi slt, %select_n3A_321, %lt3A_327 : i32
    %ne3A_329 = arith.xori %lt3A_326, %lt3A_328 : i1
    %and3A_330 = arith.andi %ne3A_329, %ne3A_324 : i1
    %add3A_331 = arith.addi %rem3A_322, %select_n3A_321 : i32
    %select_n3A_332 = arith.select %and3A_330, %add3A_331, %rem3A_322 : i32
    %dma_wait3A_333 = arith.constant 1 : i32
    %dma_wait3A_334 = arith.constant 0 : i32
    %dma_wait3A_335 = arith.constant 0 : i32
    %dma_wait3A_336 = tpu.memref_slice %arg5[%dma_wait3A_333, %dma_wait3A_334, %dma_wait3A_335] : memref<2x32x128xi32, #tpu.memory_space<vmem>> -> memref<1x32x128xi32, #tpu.memory_space<vmem>>
    %dma_wait3A_337 = tpu.memref_squeeze %dma_wait3A_336 : memref<1x32x128xi32, #tpu.memory_space<vmem>> -> memref<32x128xi32, #tpu.memory_space<vmem>>
    %dma_wait3A_338 = arith.constant 0 : i32
    %dma_wait3A_339 = arith.constant 0 : i32
    %dma_wait3A_340 = tpu.memref_slice %arg3[%select_n3A_316, %dma_wait3A_338, %select_n3A_332, %dma_wait3A_339] : memref<25x32x8x128xi32, #tpu.memory_space<hbm>> -> memref<1x32x1x128xi32, #tpu.memory_space<hbm>>
    %dma_wait3A_341 = tpu.memref_squeeze %dma_wait3A_340 : memref<1x32x1x128xi32, #tpu.memory_space<hbm>> -> memref<32x128xi32, #tpu.memory_space<hbm>>
    %dma_wait3A_342 = arith.constant 0 : i32
    %dma_wait3A_343 = arith.constant 0 : i32
    %dma_wait3A_344 = tpu.memref_slice %arg5[%dma_wait3A_333, %dma_wait3A_342, %dma_wait3A_343] : memref<2x32x128xi32, #tpu.memory_space<vmem>> -> memref<1x32x128xi32, #tpu.memory_space<vmem>>
    %dma_wait3A_345 = tpu.memref_squeeze %dma_wait3A_344 : memref<1x32x128xi32, #tpu.memory_space<vmem>> -> memref<32x128xi32, #tpu.memory_space<vmem>>
    %dma_wait3A_346 = arith.constant 0 : i32
    %dma_wait3A_347 = arith.constant 0 : i32
    %dma_wait3A_348 = tpu.memref_slice %arg3[%select_n3A_316, %dma_wait3A_346, %select_n3A_332, %dma_wait3A_347] : memref<25x32x8x128xi32, #tpu.memory_space<hbm>> -> memref<1x32x1x128xi32, #tpu.memory_space<hbm>>
    %dma_wait3A_349 = tpu.memref_squeeze %dma_wait3A_348 : memref<1x32x1x128xi32, #tpu.memory_space<hbm>> -> memref<32x128xi32, #tpu.memory_space<hbm>>
    tpu.wait_dma2 semaphore(%arg9 : memref<!tpu.dma_semaphore, #tpu.memory_space<semaphore_mem>>) src(%dma_wait3A_349 : memref<32x128xi32, #tpu.memory_space<hbm>>) dst(%dma_wait3A_345 : memref<32x128xi32, #tpu.memory_space<vmem>>)
    %parallel_loop3A_350 = arith.constant 0 : i32
    %parallel_loop3A_351 = arith.constant 256 : i32
    %parallel_loop3A_352 = arith.constant 1 : i32
    %parallel_loop3A_353 = arith.constant 1 : i32
    %parallel_loop3A_354 = arith.constant 1 : i32
    scf.for %parallel_loop3A_568 = %parallel_loop3A_350 to %parallel_loop3A_351 step %parallel_loop3A_352  : i32 {
      %parallel_loop3A_569 = arith.constant 8 : i32
      %parallel_loop3A_570 = arith.divsi %parallel_loop3A_568, %parallel_loop3A_569 : i32
      %parallel_loop3A_571 = arith.constant 0 : i32
      %parallel_loop3A_572 = arith.cmpi sgt, %parallel_loop3A_568, %parallel_loop3A_571 : i32
      %parallel_loop3A_573 = arith.extui %parallel_loop3A_572 : i1 to i32
      %parallel_loop3A_574 = arith.constant 0 : i32
      %parallel_loop3A_575 = arith.cmpi slt, %parallel_loop3A_568, %parallel_loop3A_574 : i32
      %parallel_loop3A_576 = arith.extui %parallel_loop3A_575 : i1 to i32
      %parallel_loop3A_577 = arith.subi %parallel_loop3A_573, %parallel_loop3A_576 : i32
      %parallel_loop3A_578 = arith.constant 0 : i32
      %parallel_loop3A_579 = arith.cmpi sgt, %parallel_loop3A_569, %parallel_loop3A_578 : i32
      %parallel_loop3A_580 = arith.extui %parallel_loop3A_579 : i1 to i32
      %parallel_loop3A_581 = arith.constant 0 : i32
      %parallel_loop3A_582 = arith.cmpi slt, %parallel_loop3A_569, %parallel_loop3A_581 : i32
      %parallel_loop3A_583 = arith.extui %parallel_loop3A_582 : i1 to i32
      %parallel_loop3A_584 = arith.subi %parallel_loop3A_580, %parallel_loop3A_583 : i32
      %parallel_loop3A_585 = arith.cmpi ne, %parallel_loop3A_577, %parallel_loop3A_584 : i32
      %parallel_loop3A_586 = arith.remsi %parallel_loop3A_568, %parallel_loop3A_569 : i32
      %parallel_loop3A_587 = arith.constant 0 : i32
      %parallel_loop3A_588 = arith.cmpi ne, %parallel_loop3A_586, %parallel_loop3A_587 : i32
      %parallel_loop3A_589 = arith.andi %parallel_loop3A_585, %parallel_loop3A_588 : i1
      %parallel_loop3A_590 = arith.constant 1 : i32
      %parallel_loop3A_591 = arith.subi %parallel_loop3A_570, %parallel_loop3A_590 : i32
      %parallel_loop3A_592 = arith.select %parallel_loop3A_589, %parallel_loop3A_591, %parallel_loop3A_570 : i32
      %parallel_loop3A_593 = arith.constant 8 : i32
      %parallel_loop3A_594 = arith.constant 0 : i32
      %parallel_loop3A_595 = arith.cmpi eq, %parallel_loop3A_593, %parallel_loop3A_594 : i32
      %parallel_loop3A_596 = arith.constant 1 : i32
      %parallel_loop3A_597 = arith.select %parallel_loop3A_595, %parallel_loop3A_596, %parallel_loop3A_593 : i32
      %parallel_loop3A_598 = arith.remsi %parallel_loop3A_568, %parallel_loop3A_597 : i32
      %parallel_loop3A_599 = arith.constant 0 : i32
      %parallel_loop3A_600 = arith.cmpi ne, %parallel_loop3A_598, %parallel_loop3A_599 : i32
      %parallel_loop3A_601 = arith.constant 0 : i32
      %parallel_loop3A_602 = arith.cmpi slt, %parallel_loop3A_598, %parallel_loop3A_601 : i32
      %parallel_loop3A_603 = arith.constant 0 : i32
      %parallel_loop3A_604 = arith.cmpi slt, %parallel_loop3A_597, %parallel_loop3A_603 : i32
      %parallel_loop3A_605 = arith.xori %parallel_loop3A_602, %parallel_loop3A_604 : i1
      %parallel_loop3A_606 = arith.andi %parallel_loop3A_605, %parallel_loop3A_600 : i1
      %parallel_loop3A_607 = arith.addi %parallel_loop3A_598, %parallel_loop3A_597 : i32
      %parallel_loop3A_608 = arith.select %parallel_loop3A_606, %parallel_loop3A_607, %parallel_loop3A_598 : i32
      %parallel_loop3A_609 = arith.constant 16 : i32
      %parallel_loop3A_610 = arith.muli %parallel_loop3A_608, %parallel_loop3A_609 : i32
      %parallel_loop3A_611 = arith.constant 0 : i32
      %parallel_loop3A_612 = arith.constant 0 : i32
      %parallel_loop3A_613 = tpu.memref_slice %arg5[%parallel_loop3A_353, %parallel_loop3A_611, %parallel_loop3A_612] : memref<2x32x128xi32, #tpu.memory_space<vmem>> -> memref<1x32x128xi32, #tpu.memory_space<vmem>>
      %parallel_loop3A_614 = tpu.memref_squeeze %parallel_loop3A_613 : memref<1x32x128xi32, #tpu.memory_space<vmem>> -> memref<32x128xi32, #tpu.memory_space<vmem>>
      %parallel_loop3A_615 = arith.index_cast %parallel_loop3A_592 : i32 to index
      %parallel_loop3A_616 = arith.index_cast %parallel_loop3A_610 : i32 to index
      %parallel_loop3A_617 = tpu.vector_load %parallel_loop3A_614[%parallel_loop3A_615, %parallel_loop3A_616] {strides = array<i32>} : memref<32x128xi32, #tpu.memory_space<vmem>>, vector<16xi32>,
      %parallel_loop3A_618 = arith.constant 1024 : i32
      %parallel_loop3A_619 = arith.muli %parallel_loop3A_592, %parallel_loop3A_618 : i32
      %parallel_loop3A_620 = arith.constant 16 : i32
      %parallel_loop3A_621 = arith.muli %parallel_loop3A_608, %parallel_loop3A_620 : i32
      %parallel_loop3A_622 = arith.addi %parallel_loop3A_619, %parallel_loop3A_621 : i32
      %parallel_loop3A_623 = arith.constant 0 : i32
      %parallel_loop3A_624 = arith.addi %mul3A_36, %parallel_loop3A_623 : i32
      %parallel_loop3A_625 = vector.broadcast %parallel_loop3A_624 : i32 to vector<16xi32>
      %parallel_loop3A_626 = arith.addi %parallel_loop3A_617, %parallel_loop3A_625 : vector<16xi32>
      %parallel_loop3A_627 = tpu.vector_load_idx %arg7[%parallel_loop3A_626] : memref<32000xf32, #tpu.memory_space<vmem>>[vector<16xi32>], vector<16xf32>,
      %parallel_loop3A_628 = arith.constant 0 : i32
      %parallel_loop3A_629 = arith.addi %parallel_loop3A_622, %parallel_loop3A_628 : i32
      %parallel_loop3A_630 = arith.constant 0 : i32
      %parallel_loop3A_631 = tpu.memref_slice %arg6[%parallel_loop3A_354, %parallel_loop3A_630] : memref<2x32768xf32, #tpu.memory_space<vmem>> -> memref<1x32768xf32, #tpu.memory_space<vmem>>
      %parallel_loop3A_632 = tpu.memref_squeeze %parallel_loop3A_631 : memref<1x32768xf32, #tpu.memory_space<vmem>> -> memref<32768xf32, #tpu.memory_space<vmem>>
      %parallel_loop3A_633 = arith.index_cast %parallel_loop3A_629 : i32 to index
      %parallel_loop3A_634 = tpu.vector_load %parallel_loop3A_632[%parallel_loop3A_633] {strides = array<i32>} : memref<32768xf32, #tpu.memory_space<vmem>>, vector<16xf32>,
      tpu.vector_store %parallel_loop3A_632[%parallel_loop3A_633], %parallel_loop3A_627 {strides = array<i32>} : memref<32768xf32, #tpu.memory_space<vmem>>, vector<16xf32>,
      %parallel_loop3A_635 = arith.constant 1000 : i32
      %parallel_loop3A_636 = arith.addi %mul3A_36, %parallel_loop3A_635 : i32
      %parallel_loop3A_637 = vector.broadcast %parallel_loop3A_636 : i32 to vector<16xi32>
      %parallel_loop3A_638 = arith.addi %parallel_loop3A_617, %parallel_loop3A_637 : vector<16xi32>
      %parallel_loop3A_639 = tpu.vector_load_idx %arg7[%parallel_loop3A_638] : memref<32000xf32, #tpu.memory_space<vmem>>[vector<16xi32>], vector<16xf32>,
      %parallel_loop3A_640 = arith.constant 128 : i32
      %parallel_loop3A_641 = arith.addi %parallel_loop3A_622, %parallel_loop3A_640 : i32
      %parallel_loop3A_642 = arith.constant 0 : i32
      %parallel_loop3A_643 = tpu.memref_slice %arg6[%parallel_loop3A_354, %parallel_loop3A_642] : memref<2x32768xf32, #tpu.memory_space<vmem>> -> memref<1x32768xf32, #tpu.memory_space<vmem>>
      %parallel_loop3A_644 = tpu.memref_squeeze %parallel_loop3A_643 : memref<1x32768xf32, #tpu.memory_space<vmem>> -> memref<32768xf32, #tpu.memory_space<vmem>>
      %parallel_loop3A_645 = arith.index_cast %parallel_loop3A_641 : i32 to index
      %parallel_loop3A_646 = tpu.vector_load %parallel_loop3A_644[%parallel_loop3A_645] {strides = array<i32>} : memref<32768xf32, #tpu.memory_space<vmem>>, vector<16xf32>,
      tpu.vector_store %parallel_loop3A_644[%parallel_loop3A_645], %parallel_loop3A_639 {strides = array<i32>} : memref<32768xf32, #tpu.memory_space<vmem>>, vector<16xf32>,
      %parallel_loop3A_647 = arith.constant 2000 : i32
      %parallel_loop3A_648 = arith.addi %mul3A_36, %parallel_loop3A_647 : i32
      %parallel_loop3A_649 = vector.broadcast %parallel_loop3A_648 : i32 to vector<16xi32>
      %parallel_loop3A_650 = arith.addi %parallel_loop3A_617, %parallel_loop3A_649 : vector<16xi32>
      %parallel_loop3A_651 = tpu.vector_load_idx %arg7[%parallel_loop3A_650] : memref<32000xf32, #tpu.memory_space<vmem>>[vector<16xi32>], vector<16xf32>,
      %parallel_loop3A_652 = arith.constant 256 : i32
      %parallel_loop3A_653 = arith.addi %parallel_loop3A_622, %parallel_loop3A_652 : i32
      %parallel_loop3A_654 = arith.constant 0 : i32
      %parallel_loop3A_655 = tpu.memref_slice %arg6[%parallel_loop3A_354, %parallel_loop3A_654] : memref<2x32768xf32, #tpu.memory_space<vmem>> -> memref<1x32768xf32, #tpu.memory_space<vmem>>
      %parallel_loop3A_656 = tpu.memref_squeeze %parallel_loop3A_655 : memref<1x32768xf32, #tpu.memory_space<vmem>> -> memref<32768xf32, #tpu.memory_space<vmem>>
      %parallel_loop3A_657 = arith.index_cast %parallel_loop3A_653 : i32 to index
      %parallel_loop3A_658 = tpu.vector_load %parallel_loop3A_656[%parallel_loop3A_657] {strides = array<i32>} : memref<32768xf32, #tpu.memory_space<vmem>>, vector<16xf32>,
      tpu.vector_store %parallel_loop3A_656[%parallel_loop3A_657], %parallel_loop3A_651 {strides = array<i32>} : memref<32768xf32, #tpu.memory_space<vmem>>, vector<16xf32>,
      %parallel_loop3A_659 = arith.constant 3000 : i32
      %parallel_loop3A_660 = arith.addi %mul3A_36, %parallel_loop3A_659 : i32
      %parallel_loop3A_661 = vector.broadcast %parallel_loop3A_660 : i32 to vector<16xi32>
      %parallel_loop3A_662 = arith.addi %parallel_loop3A_617, %parallel_loop3A_661 : vector<16xi32>
      %parallel_loop3A_663 = tpu.vector_load_idx %arg7[%parallel_loop3A_662] : memref<32000xf32, #tpu.memory_space<vmem>>[vector<16xi32>], vector<16xf32>,
      %parallel_loop3A_664 = arith.constant 384 : i32
      %parallel_loop3A_665 = arith.addi %parallel_loop3A_622, %parallel_loop3A_664 : i32
      %parallel_loop3A_666 = arith.constant 0 : i32
      %parallel_loop3A_667 = tpu.memref_slice %arg6[%parallel_loop3A_354, %parallel_loop3A_666] : memref<2x32768xf32, #tpu.memory_space<vmem>> -> memref<1x32768xf32, #tpu.memory_space<vmem>>
      %parallel_loop3A_668 = tpu.memref_squeeze %parallel_loop3A_667 : memref<1x32768xf32, #tpu.memory_space<vmem>> -> memref<32768xf32, #tpu.memory_space<vmem>>
      %parallel_loop3A_669 = arith.index_cast %parallel_loop3A_665 : i32 to index
      %parallel_loop3A_670 = tpu.vector_load %parallel_loop3A_668[%parallel_loop3A_669] {strides = array<i32>} : memref<32768xf32, #tpu.memory_space<vmem>>, vector<16xf32>,
      tpu.vector_store %parallel_loop3A_668[%parallel_loop3A_669], %parallel_loop3A_663 {strides = array<i32>} : memref<32768xf32, #tpu.memory_space<vmem>>, vector<16xf32>,
      %parallel_loop3A_671 = arith.constant 4000 : i32
      %parallel_loop3A_672 = arith.addi %mul3A_36, %parallel_loop3A_671 : i32
      %parallel_loop3A_673 = vector.broadcast %parallel_loop3A_672 : i32 to vector<16xi32>
      %parallel_loop3A_674 = arith.addi %parallel_loop3A_617, %parallel_loop3A_673 : vector<16xi32>
      %parallel_loop3A_675 = tpu.vector_load_idx %arg7[%parallel_loop3A_674] : memref<32000xf32, #tpu.memory_space<vmem>>[vector<16xi32>], vector<16xf32>,
      %parallel_loop3A_676 = arith.constant 512 : i32
      %parallel_loop3A_677 = arith.addi %parallel_loop3A_622, %parallel_loop3A_676 : i32
      %parallel_loop3A_678 = arith.constant 0 : i32
      %parallel_loop3A_679 = tpu.memref_slice %arg6[%parallel_loop3A_354, %parallel_loop3A_678] : memref<2x32768xf32, #tpu.memory_space<vmem>> -> memref<1x32768xf32, #tpu.memory_space<vmem>>
      %parallel_loop3A_680 = tpu.memref_squeeze %parallel_loop3A_679 : memref<1x32768xf32, #tpu.memory_space<vmem>> -> memref<32768xf32, #tpu.memory_space<vmem>>
      %parallel_loop3A_681 = arith.index_cast %parallel_loop3A_677 : i32 to index
      %parallel_loop3A_682 = tpu.vector_load %parallel_loop3A_680[%parallel_loop3A_681] {strides = array<i32>} : memref<32768xf32, #tpu.memory_space<vmem>>, vector<16xf32>,
      tpu.vector_store %parallel_loop3A_680[%parallel_loop3A_681], %parallel_loop3A_675 {strides = array<i32>} : memref<32768xf32, #tpu.memory_space<vmem>>, vector<16xf32>,
      %parallel_loop3A_683 = arith.constant 5000 : i32
      %parallel_loop3A_684 = arith.addi %mul3A_36, %parallel_loop3A_683 : i32
      %parallel_loop3A_685 = vector.broadcast %parallel_loop3A_684 : i32 to vector<16xi32>
      %parallel_loop3A_686 = arith.addi %parallel_loop3A_617, %parallel_loop3A_685 : vector<16xi32>
      %parallel_loop3A_687 = tpu.vector_load_idx %arg7[%parallel_loop3A_686] : memref<32000xf32, #tpu.memory_space<vmem>>[vector<16xi32>], vector<16xf32>,
      %parallel_loop3A_688 = arith.constant 640 : i32
      %parallel_loop3A_689 = arith.addi %parallel_loop3A_622, %parallel_loop3A_688 : i32
      %parallel_loop3A_690 = arith.constant 0 : i32
      %parallel_loop3A_691 = tpu.memref_slice %arg6[%parallel_loop3A_354, %parallel_loop3A_690] : memref<2x32768xf32, #tpu.memory_space<vmem>> -> memref<1x32768xf32, #tpu.memory_space<vmem>>
      %parallel_loop3A_692 = tpu.memref_squeeze %parallel_loop3A_691 : memref<1x32768xf32, #tpu.memory_space<vmem>> -> memref<32768xf32, #tpu.memory_space<vmem>>
      %parallel_loop3A_693 = arith.index_cast %parallel_loop3A_689 : i32 to index
      %parallel_loop3A_694 = tpu.vector_load %parallel_loop3A_692[%parallel_loop3A_693] {strides = array<i32>} : memref<32768xf32, #tpu.memory_space<vmem>>, vector<16xf32>,
      tpu.vector_store %parallel_loop3A_692[%parallel_loop3A_693], %parallel_loop3A_687 {strides = array<i32>} : memref<32768xf32, #tpu.memory_space<vmem>>, vector<16xf32>,
      %parallel_loop3A_695 = arith.constant 6000 : i32
      %parallel_loop3A_696 = arith.addi %mul3A_36, %parallel_loop3A_695 : i32
      %parallel_loop3A_697 = vector.broadcast %parallel_loop3A_696 : i32 to vector<16xi32>
      %parallel_loop3A_698 = arith.addi %parallel_loop3A_617, %parallel_loop3A_697 : vector<16xi32>
      %parallel_loop3A_699 = tpu.vector_load_idx %arg7[%parallel_loop3A_698] : memref<32000xf32, #tpu.memory_space<vmem>>[vector<16xi32>], vector<16xf32>,
      %parallel_loop3A_700 = arith.constant 768 : i32
      %parallel_loop3A_701 = arith.addi %parallel_loop3A_622, %parallel_loop3A_700 : i32
      %parallel_loop3A_702 = arith.constant 0 : i32
      %parallel_loop3A_703 = tpu.memref_slice %arg6[%parallel_loop3A_354, %parallel_loop3A_702] : memref<2x32768xf32, #tpu.memory_space<vmem>> -> memref<1x32768xf32, #tpu.memory_space<vmem>>
      %parallel_loop3A_704 = tpu.memref_squeeze %parallel_loop3A_703 : memref<1x32768xf32, #tpu.memory_space<vmem>> -> memref<32768xf32, #tpu.memory_space<vmem>>
      %parallel_loop3A_705 = arith.index_cast %parallel_loop3A_701 : i32 to index
      %parallel_loop3A_706 = tpu.vector_load %parallel_loop3A_704[%parallel_loop3A_705] {strides = array<i32>} : memref<32768xf32, #tpu.memory_space<vmem>>, vector<16xf32>,
      tpu.vector_store %parallel_loop3A_704[%parallel_loop3A_705], %parallel_loop3A_699 {strides = array<i32>} : memref<32768xf32, #tpu.memory_space<vmem>>, vector<16xf32>,
      %parallel_loop3A_707 = arith.constant 7000 : i32
      %parallel_loop3A_708 = arith.addi %mul3A_36, %parallel_loop3A_707 : i32
      %parallel_loop3A_709 = vector.broadcast %parallel_loop3A_708 : i32 to vector<16xi32>
      %parallel_loop3A_710 = arith.addi %parallel_loop3A_617, %parallel_loop3A_709 : vector<16xi32>
      %parallel_loop3A_711 = tpu.vector_load_idx %arg7[%parallel_loop3A_710] : memref<32000xf32, #tpu.memory_space<vmem>>[vector<16xi32>], vector<16xf32>,
      %parallel_loop3A_712 = arith.constant 896 : i32
      %parallel_loop3A_713 = arith.addi %parallel_loop3A_622, %parallel_loop3A_712 : i32
      %parallel_loop3A_714 = arith.constant 0 : i32
      %parallel_loop3A_715 = tpu.memref_slice %arg6[%parallel_loop3A_354, %parallel_loop3A_714] : memref<2x32768xf32, #tpu.memory_space<vmem>> -> memref<1x32768xf32, #tpu.memory_space<vmem>>
      %parallel_loop3A_716 = tpu.memref_squeeze %parallel_loop3A_715 : memref<1x32768xf32, #tpu.memory_space<vmem>> -> memref<32768xf32, #tpu.memory_space<vmem>>
      %parallel_loop3A_717 = arith.index_cast %parallel_loop3A_713 : i32 to index
      %parallel_loop3A_718 = tpu.vector_load %parallel_loop3A_716[%parallel_loop3A_717] {strides = array<i32>} : memref<32768xf32, #tpu.memory_space<vmem>>, vector<16xf32>,
      tpu.vector_store %parallel_loop3A_716[%parallel_loop3A_717], %parallel_loop3A_711 {strides = array<i32>} : memref<32768xf32, #tpu.memory_space<vmem>>, vector<16xf32>,
    } {sc.loop_unroll_factor = 1 : i64, sc.parallel_access}
    %add3A_355 = arith.constant 1 : i32
    %add3A_356 = arith.addi %mul3A_32, %add3A_355 : i32
    %mul3A_357 = arith.constant 131072 : i32
    %mul3A_358 = arith.muli %add3A_356, %mul3A_357 : i32
    %mul3A_359 = arith.constant 32768 : i32
    %mul3A_360 = arith.muli %select_n3A, %mul3A_359 : i32
    %add3A_361 = arith.addi %mul3A_358, %mul3A_360 : i32
    %multiple_of3A_362 = tpu.assume_multiple %add3A_361, 8 : i32
    %dma_start3A_363 = arith.constant 1 : i32
    %dma_start3A_364 = arith.constant 0 : i32
    %dma_start3A_365 = tpu.memref_slice %arg6[%dma_start3A_363, %dma_start3A_364] : memref<2x32768xf32, #tpu.memory_space<vmem>> -> memref<1x32768xf32, #tpu.memory_space<vmem>>
    %dma_start3A_366 = tpu.memref_squeeze %dma_start3A_365 : memref<1x32768xf32, #tpu.memory_space<vmem>> -> memref<32768xf32, #tpu.memory_space<vmem>>
    %dma_start3A_367 = tpu.memref_slice %arg4[%multiple_of3A_362] : memref<26214400xf32, #tpu.memory_space<hbm>> -> memref<32768xf32, #tpu.memory_space<hbm>>
    %dma_start3A_368 = tpu.memref_slice %arg4[%multiple_of3A_362] : memref<26214400xf32, #tpu.memory_space<hbm>> -> memref<32768xf32, #tpu.memory_space<hbm>>
    %dma_start3A_369 = arith.constant 0 : i32
    %dma_start3A_370 = tpu.memref_slice %arg6[%dma_start3A_363, %dma_start3A_369] : memref<2x32768xf32, #tpu.memory_space<vmem>> -> memref<1x32768xf32, #tpu.memory_space<vmem>>
    %dma_start3A_371 = tpu.memref_squeeze %dma_start3A_370 : memref<1x32768xf32, #tpu.memory_space<vmem>> -> memref<32768xf32, #tpu.memory_space<vmem>>
    tpu.enqueue_dma source(%dma_start3A_371 : memref<32768xf32, #tpu.memory_space<vmem>>) target(%dma_start3A_368 : memref<32768xf32, #tpu.memory_space<hbm>>) target_semaphore(%arg11 : memref<!tpu.dma_semaphore, #tpu.memory_space<semaphore_mem>>)
    %add3A_372 = arith.constant 3 : i32
    %add3A_373 = arith.addi %mul3A_32, %add3A_372 : i32
    %jit3A_374 = arith.constant 8 : i32
    %div3A_375 = arith.divsi %add3A_373, %jit3A_374 : i32
    %sign3A_376 = arith.constant 0 : i32
    %sign3A_377 = arith.cmpi sgt, %add3A_373, %sign3A_376 : i32
    %sign3A_378 = arith.extui %sign3A_377 : i1 to i32
    %sign3A_379 = arith.constant 0 : i32
    %sign3A_380 = arith.cmpi slt, %add3A_373, %sign3A_379 : i32
    %sign3A_381 = arith.extui %sign3A_380 : i1 to i32
    %sign3A_382 = arith.subi %sign3A_378, %sign3A_381 : i32
    %sign3A_383 = arith.constant 0 : i32
    %sign3A_384 = arith.cmpi sgt, %jit3A_374, %sign3A_383 : i32
    %sign3A_385 = arith.extui %sign3A_384 : i1 to i32
    %sign3A_386 = arith.constant 0 : i32
    %sign3A_387 = arith.cmpi slt, %jit3A_374, %sign3A_386 : i32
    %sign3A_388 = arith.extui %sign3A_387 : i1 to i32
    %sign3A_389 = arith.subi %sign3A_385, %sign3A_388 : i32
    %ne3A_390 = arith.cmpi ne, %sign3A_382, %sign3A_389 : i32
    %rem3A_391 = arith.remsi %add3A_373, %jit3A_374 : i32
    %ne3A_392 = arith.constant 0 : i32
    %ne3A_393 = arith.cmpi ne, %rem3A_391, %ne3A_392 : i32
    %and3A_394 = arith.andi %ne3A_390, %ne3A_393 : i1
    %sub3A_395 = arith.constant 1 : i32
    %sub3A_396 = arith.subi %div3A_375, %sub3A_395 : i32
    %select_n3A_397 = arith.select %and3A_394, %sub3A_396, %div3A_375 : i32
    %jit3A_398 = arith.constant 8 : i32
    %eq3A_399 = arith.constant 0 : i32
    %eq3A_400 = arith.cmpi eq, %jit3A_398, %eq3A_399 : i32
    %jit3A_401 = arith.constant 1 : i32
    %select_n3A_402 = arith.select %eq3A_400, %jit3A_401, %jit3A_398 : i32
    %rem3A_403 = arith.remsi %add3A_373, %select_n3A_402 : i32
    %ne3A_404 = arith.constant 0 : i32
    %ne3A_405 = arith.cmpi ne, %rem3A_403, %ne3A_404 : i32
    %lt3A_406 = arith.constant 0 : i32
    %lt3A_407 = arith.cmpi slt, %rem3A_403, %lt3A_406 : i32
    %lt3A_408 = arith.constant 0 : i32
    %lt3A_409 = arith.cmpi slt, %select_n3A_402, %lt3A_408 : i32
    %ne3A_410 = arith.xori %lt3A_407, %lt3A_409 : i1
    %and3A_411 = arith.andi %ne3A_410, %ne3A_405 : i1
    %add3A_412 = arith.addi %rem3A_403, %select_n3A_402 : i32
    %select_n3A_413 = arith.select %and3A_411, %add3A_412, %rem3A_403 : i32
    %dma_start3A_414 = arith.constant 1 : i32
    %dma_start3A_415 = arith.constant 0 : i32
    %dma_start3A_416 = arith.constant 0 : i32
    %dma_start3A_417 = tpu.memref_slice %arg5[%dma_start3A_414, %dma_start3A_415, %dma_start3A_416] : memref<2x32x128xi32, #tpu.memory_space<vmem>> -> memref<1x32x128xi32, #tpu.memory_space<vmem>>
    %dma_start3A_418 = tpu.memref_squeeze %dma_start3A_417 : memref<1x32x128xi32, #tpu.memory_space<vmem>> -> memref<32x128xi32, #tpu.memory_space<vmem>>
    %dma_start3A_419 = arith.constant 0 : i32
    %dma_start3A_420 = arith.constant 0 : i32
    %dma_start3A_421 = tpu.memref_slice %arg3[%select_n3A_397, %dma_start3A_419, %select_n3A_413, %dma_start3A_420] : memref<25x32x8x128xi32, #tpu.memory_space<hbm>> -> memref<1x32x1x128xi32, #tpu.memory_space<hbm>>
    %dma_start3A_422 = tpu.memref_squeeze %dma_start3A_421 : memref<1x32x1x128xi32, #tpu.memory_space<hbm>> -> memref<32x128xi32, #tpu.memory_space<hbm>>
    %dma_start3A_423 = arith.constant 0 : i32
    %dma_start3A_424 = arith.constant 0 : i32
    %dma_start3A_425 = tpu.memref_slice %arg5[%dma_start3A_414, %dma_start3A_423, %dma_start3A_424] : memref<2x32x128xi32, #tpu.memory_space<vmem>> -> memref<1x32x128xi32, #tpu.memory_space<vmem>>
    %dma_start3A_426 = tpu.memref_squeeze %dma_start3A_425 : memref<1x32x128xi32, #tpu.memory_space<vmem>> -> memref<32x128xi32, #tpu.memory_space<vmem>>
    %dma_start3A_427 = arith.constant 0 : i32
    %dma_start3A_428 = arith.constant 0 : i32
    %dma_start3A_429 = tpu.memref_slice %arg3[%select_n3A_397, %dma_start3A_427, %select_n3A_413, %dma_start3A_428] : memref<25x32x8x128xi32, #tpu.memory_space<hbm>> -> memref<1x32x1x128xi32, #tpu.memory_space<hbm>>
    %dma_start3A_430 = tpu.memref_squeeze %dma_start3A_429 : memref<1x32x1x128xi32, #tpu.memory_space<hbm>> -> memref<32x128xi32, #tpu.memory_space<hbm>>
    tpu.enqueue_dma source(%dma_start3A_430 : memref<32x128xi32, #tpu.memory_space<hbm>>) target(%dma_start3A_426 : memref<32x128xi32, #tpu.memory_space<vmem>>) target_semaphore(%arg9 : memref<!tpu.dma_semaphore, #tpu.memory_space<semaphore_mem>>)
    %scan3A = arith.constant 0 : i32
    %scan3A_431 = arith.constant 0 : i32
    %scan3A_432 = arith.constant 11 : i32
    %scan3A_433 = arith.addi %scan3A_431, %scan3A_432 : i32
    %scan3A_434 = arith.constant 1 : i32
    scf.for %scan3A_568 = %scan3A_431 to %scan3A_433 step %scan3A_434  : i32 {
      %mul3A_569 = arith.constant 2 : i32
      %mul3A_570 = arith.muli %mul3A_569, %scan3A_568 : i32
      %add3A_571 = arith.constant 2 : i32
      %add3A_572 = arith.addi %add3A_571, %mul3A_570 : i32
      %add3A_573 = arith.constant 0 : i32
      %add3A_574 = arith.addi %add3A_572, %add3A_573 : i32
      %add3A_575 = arith.addi %mul3A_32, %add3A_574 : i32
      %jit3A_576 = arith.constant 8 : i32
      %div3A_577 = arith.divsi %add3A_575, %jit3A_576 : i32
      %sign3A_578 = arith.constant 0 : i32
      %sign3A_579 = arith.cmpi sgt, %add3A_575, %sign3A_578 : i32
      %sign3A_580 = arith.extui %sign3A_579 : i1 to i32
      %sign3A_581 = arith.constant 0 : i32
      %sign3A_582 = arith.cmpi slt, %add3A_575, %sign3A_581 : i32
      %sign3A_583 = arith.extui %sign3A_582 : i1 to i32
      %sign3A_584 = arith.subi %sign3A_580, %sign3A_583 : i32
      %sign3A_585 = arith.constant 0 : i32
      %sign3A_586 = arith.cmpi sgt, %jit3A_576, %sign3A_585 : i32
      %sign3A_587 = arith.extui %sign3A_586 : i1 to i32
      %sign3A_588 = arith.constant 0 : i32
      %sign3A_589 = arith.cmpi slt, %jit3A_576, %sign3A_588 : i32
      %sign3A_590 = arith.extui %sign3A_589 : i1 to i32
      %sign3A_591 = arith.subi %sign3A_587, %sign3A_590 : i32
      %ne3A_592 = arith.cmpi ne, %sign3A_584, %sign3A_591 : i32
      %rem3A_593 = arith.remsi %add3A_575, %jit3A_576 : i32
      %ne3A_594 = arith.constant 0 : i32
      %ne3A_595 = arith.cmpi ne, %rem3A_593, %ne3A_594 : i32
      %and3A_596 = arith.andi %ne3A_592, %ne3A_595 : i1
      %sub3A_597 = arith.constant 1 : i32
      %sub3A_598 = arith.subi %div3A_577, %sub3A_597 : i32
      %select_n3A_599 = arith.select %and3A_596, %sub3A_598, %div3A_577 : i32
      %jit3A_600 = arith.constant 8 : i32
      %eq3A_601 = arith.constant 0 : i32
      %eq3A_602 = arith.cmpi eq, %jit3A_600, %eq3A_601 : i32
      %jit3A_603 = arith.constant 1 : i32
      %select_n3A_604 = arith.select %eq3A_602, %jit3A_603, %jit3A_600 : i32
      %rem3A_605 = arith.remsi %add3A_575, %select_n3A_604 : i32
      %ne3A_606 = arith.constant 0 : i32
      %ne3A_607 = arith.cmpi ne, %rem3A_605, %ne3A_606 : i32
      %lt3A_608 = arith.constant 0 : i32
      %lt3A_609 = arith.cmpi slt, %rem3A_605, %lt3A_608 : i32
      %lt3A_610 = arith.constant 0 : i32
      %lt3A_611 = arith.cmpi slt, %select_n3A_604, %lt3A_610 : i32
      %ne3A_612 = arith.xori %lt3A_609, %lt3A_611 : i1
      %and3A_613 = arith.andi %ne3A_612, %ne3A_607 : i1
      %add3A_614 = arith.addi %rem3A_605, %select_n3A_604 : i32
      %select_n3A_615 = arith.select %and3A_613, %add3A_614, %rem3A_605 : i32
      %dma_wait3A_616 = arith.constant 0 : i32
      %dma_wait3A_617 = arith.constant 0 : i32
      %dma_wait3A_618 = arith.constant 0 : i32
      %dma_wait3A_619 = tpu.memref_slice %arg5[%dma_wait3A_616, %dma_wait3A_617, %dma_wait3A_618] : memref<2x32x128xi32, #tpu.memory_space<vmem>> -> memref<1x32x128xi32, #tpu.memory_space<vmem>>
      %dma_wait3A_620 = tpu.memref_squeeze %dma_wait3A_619 : memref<1x32x128xi32, #tpu.memory_space<vmem>> -> memref<32x128xi32, #tpu.memory_space<vmem>>
      %dma_wait3A_621 = arith.constant 0 : i32
      %dma_wait3A_622 = arith.constant 0 : i32
      %dma_wait3A_623 = tpu.memref_slice %arg3[%select_n3A_599, %dma_wait3A_621, %select_n3A_615, %dma_wait3A_622] : memref<25x32x8x128xi32, #tpu.memory_space<hbm>> -> memref<1x32x1x128xi32, #tpu.memory_space<hbm>>
      %dma_wait3A_624 = tpu.memref_squeeze %dma_wait3A_623 : memref<1x32x1x128xi32, #tpu.memory_space<hbm>> -> memref<32x128xi32, #tpu.memory_space<hbm>>
      %dma_wait3A_625 = arith.constant 0 : i32
      %dma_wait3A_626 = arith.constant 0 : i32
      %dma_wait3A_627 = tpu.memref_slice %arg5[%dma_wait3A_616, %dma_wait3A_625, %dma_wait3A_626] : memref<2x32x128xi32, #tpu.memory_space<vmem>> -> memref<1x32x128xi32, #tpu.memory_space<vmem>>
      %dma_wait3A_628 = tpu.memref_squeeze %dma_wait3A_627 : memref<1x32x128xi32, #tpu.memory_space<vmem>> -> memref<32x128xi32, #tpu.memory_space<vmem>>
      %dma_wait3A_629 = arith.constant 0 : i32
      %dma_wait3A_630 = arith.constant 0 : i32
      %dma_wait3A_631 = tpu.memref_slice %arg3[%select_n3A_599, %dma_wait3A_629, %select_n3A_615, %dma_wait3A_630] : memref<25x32x8x128xi32, #tpu.memory_space<hbm>> -> memref<1x32x1x128xi32, #tpu.memory_space<hbm>>
      %dma_wait3A_632 = tpu.memref_squeeze %dma_wait3A_631 : memref<1x32x1x128xi32, #tpu.memory_space<hbm>> -> memref<32x128xi32, #tpu.memory_space<hbm>>
      tpu.wait_dma2 semaphore(%arg8 : memref<!tpu.dma_semaphore, #tpu.memory_space<semaphore_mem>>) src(%dma_wait3A_632 : memref<32x128xi32, #tpu.memory_space<hbm>>) dst(%dma_wait3A_628 : memref<32x128xi32, #tpu.memory_space<vmem>>)
      %sub3A_633 = arith.constant 2 : i32
      %sub3A_634 = arith.subi %add3A_574, %sub3A_633 : i32
      %add3A_635 = arith.addi %mul3A_32, %sub3A_634 : i32
      %mul3A_636 = arith.constant 131072 : i32
      %mul3A_637 = arith.muli %add3A_635, %mul3A_636 : i32
      %mul3A_638 = arith.constant 32768 : i32
      %mul3A_639 = arith.muli %select_n3A, %mul3A_638 : i32
      %add3A_640 = arith.addi %mul3A_637, %mul3A_639 : i32
      %multiple_of3A_641 = tpu.assume_multiple %add3A_640, 8 : i32
      %dma_wait3A_642 = arith.constant 0 : i32
      %dma_wait3A_643 = arith.constant 0 : i32
      %dma_wait3A_644 = tpu.memref_slice %arg6[%dma_wait3A_642, %dma_wait3A_643] : memref<2x32768xf32, #tpu.memory_space<vmem>> -> memref<1x32768xf32, #tpu.memory_space<vmem>>
      %dma_wait3A_645 = tpu.memref_squeeze %dma_wait3A_644 : memref<1x32768xf32, #tpu.memory_space<vmem>> -> memref<32768xf32, #tpu.memory_space<vmem>>
      %dma_wait3A_646 = tpu.memref_slice %arg4[%multiple_of3A_641] : memref<26214400xf32, #tpu.memory_space<hbm>> -> memref<32768xf32, #tpu.memory_space<hbm>>
      %dma_wait3A_647 = tpu.memref_slice %arg4[%multiple_of3A_641] : memref<26214400xf32, #tpu.memory_space<hbm>> -> memref<32768xf32, #tpu.memory_space<hbm>>
      %dma_wait3A_648 = arith.constant 0 : i32
      %dma_wait3A_649 = tpu.memref_slice %arg6[%dma_wait3A_642, %dma_wait3A_648] : memref<2x32768xf32, #tpu.memory_space<vmem>> -> memref<1x32768xf32, #tpu.memory_space<vmem>>
      %dma_wait3A_650 = tpu.memref_squeeze %dma_wait3A_649 : memref<1x32768xf32, #tpu.memory_space<vmem>> -> memref<32768xf32, #tpu.memory_space<vmem>>
      tpu.wait_dma2 semaphore(%arg10 : memref<!tpu.dma_semaphore, #tpu.memory_space<semaphore_mem>>) src(%dma_wait3A_650 : memref<32768xf32, #tpu.memory_space<vmem>>) dst(%dma_wait3A_647 : memref<32768xf32, #tpu.memory_space<hbm>>)
      %parallel_loop3A_651 = arith.constant 0 : i32
      %parallel_loop3A_652 = arith.constant 256 : i32
      %parallel_loop3A_653 = arith.constant 1 : i32
      %parallel_loop3A_654 = arith.constant 0 : i32
      %parallel_loop3A_655 = arith.constant 0 : i32
      scf.for %parallel_loop3A_787 = %parallel_loop3A_651 to %parallel_loop3A_652 step %parallel_loop3A_653  : i32 {
        %parallel_loop3A_788 = arith.constant 8 : i32
        %parallel_loop3A_789 = arith.divsi %parallel_loop3A_787, %parallel_loop3A_788 : i32
        %parallel_loop3A_790 = arith.constant 0 : i32
        %parallel_loop3A_791 = arith.cmpi sgt, %parallel_loop3A_787, %parallel_loop3A_790 : i32
        %parallel_loop3A_792 = arith.extui %parallel_loop3A_791 : i1 to i32
        %parallel_loop3A_793 = arith.constant 0 : i32
        %parallel_loop3A_794 = arith.cmpi slt, %parallel_loop3A_787, %parallel_loop3A_793 : i32
        %parallel_loop3A_795 = arith.extui %parallel_loop3A_794 : i1 to i32
        %parallel_loop3A_796 = arith.subi %parallel_loop3A_792, %parallel_loop3A_795 : i32
        %parallel_loop3A_797 = arith.constant 0 : i32
        %parallel_loop3A_798 = arith.cmpi sgt, %parallel_loop3A_788, %parallel_loop3A_797 : i32
        %parallel_loop3A_799 = arith.extui %parallel_loop3A_798 : i1 to i32
        %parallel_loop3A_800 = arith.constant 0 : i32
        %parallel_loop3A_801 = arith.cmpi slt, %parallel_loop3A_788, %parallel_loop3A_800 : i32
        %parallel_loop3A_802 = arith.extui %parallel_loop3A_801 : i1 to i32
        %parallel_loop3A_803 = arith.subi %parallel_loop3A_799, %parallel_loop3A_802 : i32
        %parallel_loop3A_804 = arith.cmpi ne, %parallel_loop3A_796, %parallel_loop3A_803 : i32
        %parallel_loop3A_805 = arith.remsi %parallel_loop3A_787, %parallel_loop3A_788 : i32
        %parallel_loop3A_806 = arith.constant 0 : i32
        %parallel_loop3A_807 = arith.cmpi ne, %parallel_loop3A_805, %parallel_loop3A_806 : i32
        %parallel_loop3A_808 = arith.andi %parallel_loop3A_804, %parallel_loop3A_807 : i1
        %parallel_loop3A_809 = arith.constant 1 : i32
        %parallel_loop3A_810 = arith.subi %parallel_loop3A_789, %parallel_loop3A_809 : i32
        %parallel_loop3A_811 = arith.select %parallel_loop3A_808, %parallel_loop3A_810, %parallel_loop3A_789 : i32
        %parallel_loop3A_812 = arith.constant 8 : i32
        %parallel_loop3A_813 = arith.constant 0 : i32
        %parallel_loop3A_814 = arith.cmpi eq, %parallel_loop3A_812, %parallel_loop3A_813 : i32
        %parallel_loop3A_815 = arith.constant 1 : i32
        %parallel_loop3A_816 = arith.select %parallel_loop3A_814, %parallel_loop3A_815, %parallel_loop3A_812 : i32
        %parallel_loop3A_817 = arith.remsi %parallel_loop3A_787, %parallel_loop3A_816 : i32
        %parallel_loop3A_818 = arith.constant 0 : i32
        %parallel_loop3A_819 = arith.cmpi ne, %parallel_loop3A_817, %parallel_loop3A_818 : i32
        %parallel_loop3A_820 = arith.constant 0 : i32
        %parallel_loop3A_821 = arith.cmpi slt, %parallel_loop3A_817, %parallel_loop3A_820 : i32
        %parallel_loop3A_822 = arith.constant 0 : i32
        %parallel_loop3A_823 = arith.cmpi slt, %parallel_loop3A_816, %parallel_loop3A_822 : i32
        %parallel_loop3A_824 = arith.xori %parallel_loop3A_821, %parallel_loop3A_823 : i1
        %parallel_loop3A_825 = arith.andi %parallel_loop3A_824, %parallel_loop3A_819 : i1
        %parallel_loop3A_826 = arith.addi %parallel_loop3A_817, %parallel_loop3A_816 : i32
        %parallel_loop3A_827 = arith.select %parallel_loop3A_825, %parallel_loop3A_826, %parallel_loop3A_817 : i32
        %parallel_loop3A_828 = arith.constant 16 : i32
        %parallel_loop3A_829 = arith.muli %parallel_loop3A_827, %parallel_loop3A_828 : i32
        %parallel_loop3A_830 = arith.constant 0 : i32
        %parallel_loop3A_831 = arith.constant 0 : i32
        %parallel_loop3A_832 = tpu.memref_slice %arg5[%parallel_loop3A_654, %parallel_loop3A_830, %parallel_loop3A_831] : memref<2x32x128xi32, #tpu.memory_space<vmem>> -> memref<1x32x128xi32, #tpu.memory_space<vmem>>
        %parallel_loop3A_833 = tpu.memref_squeeze %parallel_loop3A_832 : memref<1x32x128xi32, #tpu.memory_space<vmem>> -> memref<32x128xi32, #tpu.memory_space<vmem>>
        %parallel_loop3A_834 = arith.index_cast %parallel_loop3A_811 : i32 to index
        %parallel_loop3A_835 = arith.index_cast %parallel_loop3A_829 : i32 to index
        %parallel_loop3A_836 = tpu.vector_load %parallel_loop3A_833[%parallel_loop3A_834, %parallel_loop3A_835] {strides = array<i32>} : memref<32x128xi32, #tpu.memory_space<vmem>>, vector<16xi32>,
        %parallel_loop3A_837 = arith.constant 1024 : i32
        %parallel_loop3A_838 = arith.muli %parallel_loop3A_811, %parallel_loop3A_837 : i32
        %parallel_loop3A_839 = arith.constant 16 : i32
        %parallel_loop3A_840 = arith.muli %parallel_loop3A_827, %parallel_loop3A_839 : i32
        %parallel_loop3A_841 = arith.addi %parallel_loop3A_838, %parallel_loop3A_840 : i32
        %parallel_loop3A_842 = arith.constant 0 : i32
        %parallel_loop3A_843 = arith.addi %mul3A_36, %parallel_loop3A_842 : i32
        %parallel_loop3A_844 = vector.broadcast %parallel_loop3A_843 : i32 to vector<16xi32>
        %parallel_loop3A_845 = arith.addi %parallel_loop3A_836, %parallel_loop3A_844 : vector<16xi32>
        %parallel_loop3A_846 = tpu.vector_load_idx %arg7[%parallel_loop3A_845] : memref<32000xf32, #tpu.memory_space<vmem>>[vector<16xi32>], vector<16xf32>,
        %parallel_loop3A_847 = arith.constant 0 : i32
        %parallel_loop3A_848 = arith.addi %parallel_loop3A_841, %parallel_loop3A_847 : i32
        %parallel_loop3A_849 = arith.constant 0 : i32
        %parallel_loop3A_850 = tpu.memref_slice %arg6[%parallel_loop3A_655, %parallel_loop3A_849] : memref<2x32768xf32, #tpu.memory_space<vmem>> -> memref<1x32768xf32, #tpu.memory_space<vmem>>
        %parallel_loop3A_851 = tpu.memref_squeeze %parallel_loop3A_850 : memref<1x32768xf32, #tpu.memory_space<vmem>> -> memref<32768xf32, #tpu.memory_space<vmem>>
        %parallel_loop3A_852 = arith.index_cast %parallel_loop3A_848 : i32 to index
        %parallel_loop3A_853 = tpu.vector_load %parallel_loop3A_851[%parallel_loop3A_852] {strides = array<i32>} : memref<32768xf32, #tpu.memory_space<vmem>>, vector<16xf32>,
        tpu.vector_store %parallel_loop3A_851[%parallel_loop3A_852], %parallel_loop3A_846 {strides = array<i32>} : memref<32768xf32, #tpu.memory_space<vmem>>, vector<16xf32>,
        %parallel_loop3A_854 = arith.constant 1000 : i32
        %parallel_loop3A_855 = arith.addi %mul3A_36, %parallel_loop3A_854 : i32
        %parallel_loop3A_856 = vector.broadcast %parallel_loop3A_855 : i32 to vector<16xi32>
        %parallel_loop3A_857 = arith.addi %parallel_loop3A_836, %parallel_loop3A_856 : vector<16xi32>
        %parallel_loop3A_858 = tpu.vector_load_idx %arg7[%parallel_loop3A_857] : memref<32000xf32, #tpu.memory_space<vmem>>[vector<16xi32>], vector<16xf32>,
        %parallel_loop3A_859 = arith.constant 128 : i32
        %parallel_loop3A_860 = arith.addi %parallel_loop3A_841, %parallel_loop3A_859 : i32
        %parallel_loop3A_861 = arith.constant 0 : i32
        %parallel_loop3A_862 = tpu.memref_slice %arg6[%parallel_loop3A_655, %parallel_loop3A_861] : memref<2x32768xf32, #tpu.memory_space<vmem>> -> memref<1x32768xf32, #tpu.memory_space<vmem>>
        %parallel_loop3A_863 = tpu.memref_squeeze %parallel_loop3A_862 : memref<1x32768xf32, #tpu.memory_space<vmem>> -> memref<32768xf32, #tpu.memory_space<vmem>>
        %parallel_loop3A_864 = arith.index_cast %parallel_loop3A_860 : i32 to index
        %parallel_loop3A_865 = tpu.vector_load %parallel_loop3A_863[%parallel_loop3A_864] {strides = array<i32>} : memref<32768xf32, #tpu.memory_space<vmem>>, vector<16xf32>,
        tpu.vector_store %parallel_loop3A_863[%parallel_loop3A_864], %parallel_loop3A_858 {strides = array<i32>} : memref<32768xf32, #tpu.memory_space<vmem>>, vector<16xf32>,
        %parallel_loop3A_866 = arith.constant 2000 : i32
        %parallel_loop3A_867 = arith.addi %mul3A_36, %parallel_loop3A_866 : i32
        %parallel_loop3A_868 = vector.broadcast %parallel_loop3A_867 : i32 to vector<16xi32>
        %parallel_loop3A_869 = arith.addi %parallel_loop3A_836, %parallel_loop3A_868 : vector<16xi32>
        %parallel_loop3A_870 = tpu.vector_load_idx %arg7[%parallel_loop3A_869] : memref<32000xf32, #tpu.memory_space<vmem>>[vector<16xi32>], vector<16xf32>,
        %parallel_loop3A_871 = arith.constant 256 : i32
        %parallel_loop3A_872 = arith.addi %parallel_loop3A_841, %parallel_loop3A_871 : i32
        %parallel_loop3A_873 = arith.constant 0 : i32
        %parallel_loop3A_874 = tpu.memref_slice %arg6[%parallel_loop3A_655, %parallel_loop3A_873] : memref<2x32768xf32, #tpu.memory_space<vmem>> -> memref<1x32768xf32, #tpu.memory_space<vmem>>
        %parallel_loop3A_875 = tpu.memref_squeeze %parallel_loop3A_874 : memref<1x32768xf32, #tpu.memory_space<vmem>> -> memref<32768xf32, #tpu.memory_space<vmem>>
        %parallel_loop3A_876 = arith.index_cast %parallel_loop3A_872 : i32 to index
        %parallel_loop3A_877 = tpu.vector_load %parallel_loop3A_875[%parallel_loop3A_876] {strides = array<i32>} : memref<32768xf32, #tpu.memory_space<vmem>>, vector<16xf32>,
        tpu.vector_store %parallel_loop3A_875[%parallel_loop3A_876], %parallel_loop3A_870 {strides = array<i32>} : memref<32768xf32, #tpu.memory_space<vmem>>, vector<16xf32>,
        %parallel_loop3A_878 = arith.constant 3000 : i32
        %parallel_loop3A_879 = arith.addi %mul3A_36, %parallel_loop3A_878 : i32
        %parallel_loop3A_880 = vector.broadcast %parallel_loop3A_879 : i32 to vector<16xi32>
        %parallel_loop3A_881 = arith.addi %parallel_loop3A_836, %parallel_loop3A_880 : vector<16xi32>
        %parallel_loop3A_882 = tpu.vector_load_idx %arg7[%parallel_loop3A_881] : memref<32000xf32, #tpu.memory_space<vmem>>[vector<16xi32>], vector<16xf32>,
        %parallel_loop3A_883 = arith.constant 384 : i32
        %parallel_loop3A_884 = arith.addi %parallel_loop3A_841, %parallel_loop3A_883 : i32
        %parallel_loop3A_885 = arith.constant 0 : i32
        %parallel_loop3A_886 = tpu.memref_slice %arg6[%parallel_loop3A_655, %parallel_loop3A_885] : memref<2x32768xf32, #tpu.memory_space<vmem>> -> memref<1x32768xf32, #tpu.memory_space<vmem>>
        %parallel_loop3A_887 = tpu.memref_squeeze %parallel_loop3A_886 : memref<1x32768xf32, #tpu.memory_space<vmem>> -> memref<32768xf32, #tpu.memory_space<vmem>>
        %parallel_loop3A_888 = arith.index_cast %parallel_loop3A_884 : i32 to index
        %parallel_loop3A_889 = tpu.vector_load %parallel_loop3A_887[%parallel_loop3A_888] {strides = array<i32>} : memref<32768xf32, #tpu.memory_space<vmem>>, vector<16xf32>,
        tpu.vector_store %parallel_loop3A_887[%parallel_loop3A_888], %parallel_loop3A_882 {strides = array<i32>} : memref<32768xf32, #tpu.memory_space<vmem>>, vector<16xf32>,
        %parallel_loop3A_890 = arith.constant 4000 : i32
        %parallel_loop3A_891 = arith.addi %mul3A_36, %parallel_loop3A_890 : i32
        %parallel_loop3A_892 = vector.broadcast %parallel_loop3A_891 : i32 to vector<16xi32>
        %parallel_loop3A_893 = arith.addi %parallel_loop3A_836, %parallel_loop3A_892 : vector<16xi32>
        %parallel_loop3A_894 = tpu.vector_load_idx %arg7[%parallel_loop3A_893] : memref<32000xf32, #tpu.memory_space<vmem>>[vector<16xi32>], vector<16xf32>,
        %parallel_loop3A_895 = arith.constant 512 : i32
        %parallel_loop3A_896 = arith.addi %parallel_loop3A_841, %parallel_loop3A_895 : i32
        %parallel_loop3A_897 = arith.constant 0 : i32
        %parallel_loop3A_898 = tpu.memref_slice %arg6[%parallel_loop3A_655, %parallel_loop3A_897] : memref<2x32768xf32, #tpu.memory_space<vmem>> -> memref<1x32768xf32, #tpu.memory_space<vmem>>
        %parallel_loop3A_899 = tpu.memref_squeeze %parallel_loop3A_898 : memref<1x32768xf32, #tpu.memory_space<vmem>> -> memref<32768xf32, #tpu.memory_space<vmem>>
        %parallel_loop3A_900 = arith.index_cast %parallel_loop3A_896 : i32 to index
        %parallel_loop3A_901 = tpu.vector_load %parallel_loop3A_899[%parallel_loop3A_900] {strides = array<i32>} : memref<32768xf32, #tpu.memory_space<vmem>>, vector<16xf32>,
        tpu.vector_store %parallel_loop3A_899[%parallel_loop3A_900], %parallel_loop3A_894 {strides = array<i32>} : memref<32768xf32, #tpu.memory_space<vmem>>, vector<16xf32>,
        %parallel_loop3A_902 = arith.constant 5000 : i32
        %parallel_loop3A_903 = arith.addi %mul3A_36, %parallel_loop3A_902 : i32
        %parallel_loop3A_904 = vector.broadcast %parallel_loop3A_903 : i32 to vector<16xi32>
        %parallel_loop3A_905 = arith.addi %parallel_loop3A_836, %parallel_loop3A_904 : vector<16xi32>
        %parallel_loop3A_906 = tpu.vector_load_idx %arg7[%parallel_loop3A_905] : memref<32000xf32, #tpu.memory_space<vmem>>[vector<16xi32>], vector<16xf32>,
        %parallel_loop3A_907 = arith.constant 640 : i32
        %parallel_loop3A_908 = arith.addi %parallel_loop3A_841, %parallel_loop3A_907 : i32
        %parallel_loop3A_909 = arith.constant 0 : i32
        %parallel_loop3A_910 = tpu.memref_slice %arg6[%parallel_loop3A_655, %parallel_loop3A_909] : memref<2x32768xf32, #tpu.memory_space<vmem>> -> memref<1x32768xf32, #tpu.memory_space<vmem>>
        %parallel_loop3A_911 = tpu.memref_squeeze %parallel_loop3A_910 : memref<1x32768xf32, #tpu.memory_space<vmem>> -> memref<32768xf32, #tpu.memory_space<vmem>>
        %parallel_loop3A_912 = arith.index_cast %parallel_loop3A_908 : i32 to index
        %parallel_loop3A_913 = tpu.vector_load %parallel_loop3A_911[%parallel_loop3A_912] {strides = array<i32>} : memref<32768xf32, #tpu.memory_space<vmem>>, vector<16xf32>,
        tpu.vector_store %parallel_loop3A_911[%parallel_loop3A_912], %parallel_loop3A_906 {strides = array<i32>} : memref<32768xf32, #tpu.memory_space<vmem>>, vector<16xf32>,
        %parallel_loop3A_914 = arith.constant 6000 : i32
        %parallel_loop3A_915 = arith.addi %mul3A_36, %parallel_loop3A_914 : i32
        %parallel_loop3A_916 = vector.broadcast %parallel_loop3A_915 : i32 to vector<16xi32>
        %parallel_loop3A_917 = arith.addi %parallel_loop3A_836, %parallel_loop3A_916 : vector<16xi32>
        %parallel_loop3A_918 = tpu.vector_load_idx %arg7[%parallel_loop3A_917] : memref<32000xf32, #tpu.memory_space<vmem>>[vector<16xi32>], vector<16xf32>,
        %parallel_loop3A_919 = arith.constant 768 : i32
        %parallel_loop3A_920 = arith.addi %parallel_loop3A_841, %parallel_loop3A_919 : i32
        %parallel_loop3A_921 = arith.constant 0 : i32
        %parallel_loop3A_922 = tpu.memref_slice %arg6[%parallel_loop3A_655, %parallel_loop3A_921] : memref<2x32768xf32, #tpu.memory_space<vmem>> -> memref<1x32768xf32, #tpu.memory_space<vmem>>
        %parallel_loop3A_923 = tpu.memref_squeeze %parallel_loop3A_922 : memref<1x32768xf32, #tpu.memory_space<vmem>> -> memref<32768xf32, #tpu.memory_space<vmem>>
        %parallel_loop3A_924 = arith.index_cast %parallel_loop3A_920 : i32 to index
        %parallel_loop3A_925 = tpu.vector_load %parallel_loop3A_923[%parallel_loop3A_924] {strides = array<i32>} : memref<32768xf32, #tpu.memory_space<vmem>>, vector<16xf32>,
        tpu.vector_store %parallel_loop3A_923[%parallel_loop3A_924], %parallel_loop3A_918 {strides = array<i32>} : memref<32768xf32, #tpu.memory_space<vmem>>, vector<16xf32>,
        %parallel_loop3A_926 = arith.constant 7000 : i32
        %parallel_loop3A_927 = arith.addi %mul3A_36, %parallel_loop3A_926 : i32
        %parallel_loop3A_928 = vector.broadcast %parallel_loop3A_927 : i32 to vector<16xi32>
        %parallel_loop3A_929 = arith.addi %parallel_loop3A_836, %parallel_loop3A_928 : vector<16xi32>
        %parallel_loop3A_930 = tpu.vector_load_idx %arg7[%parallel_loop3A_929] : memref<32000xf32, #tpu.memory_space<vmem>>[vector<16xi32>], vector<16xf32>,
        %parallel_loop3A_931 = arith.constant 896 : i32
        %parallel_loop3A_932 = arith.addi %parallel_loop3A_841, %parallel_loop3A_931 : i32
        %parallel_loop3A_933 = arith.constant 0 : i32
        %parallel_loop3A_934 = tpu.memref_slice %arg6[%parallel_loop3A_655, %parallel_loop3A_933] : memref<2x32768xf32, #tpu.memory_space<vmem>> -> memref<1x32768xf32, #tpu.memory_space<vmem>>
        %parallel_loop3A_935 = tpu.memref_squeeze %parallel_loop3A_934 : memref<1x32768xf32, #tpu.memory_space<vmem>> -> memref<32768xf32, #tpu.memory_space<vmem>>
        %parallel_loop3A_936 = arith.index_cast %parallel_loop3A_932 : i32 to index
        %parallel_loop3A_937 = tpu.vector_load %parallel_loop3A_935[%parallel_loop3A_936] {strides = array<i32>} : memref<32768xf32, #tpu.memory_space<vmem>>, vector<16xf32>,
        tpu.vector_store %parallel_loop3A_935[%parallel_loop3A_936], %parallel_loop3A_930 {strides = array<i32>} : memref<32768xf32, #tpu.memory_space<vmem>>, vector<16xf32>,
      } {sc.loop_unroll_factor = 1 : i64, sc.parallel_access}
      %add3A_656 = arith.addi %mul3A_32, %add3A_574 : i32
      %mul3A_657 = arith.constant 131072 : i32
      %mul3A_658 = arith.muli %add3A_656, %mul3A_657 : i32
      %mul3A_659 = arith.constant 32768 : i32
      %mul3A_660 = arith.muli %select_n3A, %mul3A_659 : i32
      %add3A_661 = arith.addi %mul3A_658, %mul3A_660 : i32
      %multiple_of3A_662 = tpu.assume_multiple %add3A_661, 8 : i32
      %dma_start3A_663 = arith.constant 0 : i32
      %dma_start3A_664 = arith.constant 0 : i32
      %dma_start3A_665 = tpu.memref_slice %arg6[%dma_start3A_663, %dma_start3A_664] : memref<2x32768xf32, #tpu.memory_space<vmem>> -> memref<1x32768xf32, #tpu.memory_space<vmem>>
      %dma_start3A_666 = tpu.memref_squeeze %dma_start3A_665 : memref<1x32768xf32, #tpu.memory_space<vmem>> -> memref<32768xf32, #tpu.memory_space<vmem>>
      %dma_start3A_667 = tpu.memref_slice %arg4[%multiple_of3A_662] : memref<26214400xf32, #tpu.memory_space<hbm>> -> memref<32768xf32, #tpu.memory_space<hbm>>
      %dma_start3A_668 = tpu.memref_slice %arg4[%multiple_of3A_662] : memref<26214400xf32, #tpu.memory_space<hbm>> -> memref<32768xf32, #tpu.memory_space<hbm>>
      %dma_start3A_669 = arith.constant 0 : i32
      %dma_start3A_670 = tpu.memref_slice %arg6[%dma_start3A_663, %dma_start3A_669] : memref<2x32768xf32, #tpu.memory_space<vmem>> -> memref<1x32768xf32, #tpu.memory_space<vmem>>
      %dma_start3A_671 = tpu.memref_squeeze %dma_start3A_670 : memref<1x32768xf32, #tpu.memory_space<vmem>> -> memref<32768xf32, #tpu.memory_space<vmem>>
      tpu.enqueue_dma source(%dma_start3A_671 : memref<32768xf32, #tpu.memory_space<vmem>>) target(%dma_start3A_668 : memref<32768xf32, #tpu.memory_space<hbm>>) target_semaphore(%arg10 : memref<!tpu.dma_semaphore, #tpu.memory_space<semaphore_mem>>)
      %add3A_672 = arith.constant 2 : i32
      %add3A_673 = arith.addi %add3A_574, %add3A_672 : i32
      %lt3A_674 = arith.constant 25 : i32
      %lt3A_675 = arith.cmpi slt, %add3A_673, %lt3A_674 : i32
      %convert_element_type3A = arith.extui %lt3A_675 : i1 to i32
      %cond3A = arith.constant 0 : i32
      %cond3A_676 = arith.cmpi ne, %convert_element_type3A, %cond3A : i32
      scf.if %cond3A_676 {
        %add3A_787 = arith.constant 2 : i32
        %add3A_788 = arith.addi %add3A_574, %add3A_787 : i32
        %add3A_789 = arith.addi %mul3A_32, %add3A_788 : i32
        %jit3A_790 = arith.constant 8 : i32
        %div3A_791 = arith.divsi %add3A_789, %jit3A_790 : i32
        %sign3A_792 = arith.constant 0 : i32
        %sign3A_793 = arith.cmpi sgt, %add3A_789, %sign3A_792 : i32
        %sign3A_794 = arith.extui %sign3A_793 : i1 to i32
        %sign3A_795 = arith.constant 0 : i32
        %sign3A_796 = arith.cmpi slt, %add3A_789, %sign3A_795 : i32
        %sign3A_797 = arith.extui %sign3A_796 : i1 to i32
        %sign3A_798 = arith.subi %sign3A_794, %sign3A_797 : i32
        %sign3A_799 = arith.constant 0 : i32
        %sign3A_800 = arith.cmpi sgt, %jit3A_790, %sign3A_799 : i32
        %sign3A_801 = arith.extui %sign3A_800 : i1 to i32
        %sign3A_802 = arith.constant 0 : i32
        %sign3A_803 = arith.cmpi slt, %jit3A_790, %sign3A_802 : i32
        %sign3A_804 = arith.extui %sign3A_803 : i1 to i32
        %sign3A_805 = arith.subi %sign3A_801, %sign3A_804 : i32
        %ne3A_806 = arith.cmpi ne, %sign3A_798, %sign3A_805 : i32
        %rem3A_807 = arith.remsi %add3A_789, %jit3A_790 : i32
        %ne3A_808 = arith.constant 0 : i32
        %ne3A_809 = arith.cmpi ne, %rem3A_807, %ne3A_808 : i32
        %and3A_810 = arith.andi %ne3A_806, %ne3A_809 : i1
        %sub3A_811 = arith.constant 1 : i32
        %sub3A_812 = arith.subi %div3A_791, %sub3A_811 : i32
        %select_n3A_813 = arith.select %and3A_810, %sub3A_812, %div3A_791 : i32
        %jit3A_814 = arith.constant 8 : i32
        %eq3A_815 = arith.constant 0 : i32
        %eq3A_816 = arith.cmpi eq, %jit3A_814, %eq3A_815 : i32
        %jit3A_817 = arith.constant 1 : i32
        %select_n3A_818 = arith.select %eq3A_816, %jit3A_817, %jit3A_814 : i32
        %rem3A_819 = arith.remsi %add3A_789, %select_n3A_818 : i32
        %ne3A_820 = arith.constant 0 : i32
        %ne3A_821 = arith.cmpi ne, %rem3A_819, %ne3A_820 : i32
        %lt3A_822 = arith.constant 0 : i32
        %lt3A_823 = arith.cmpi slt, %rem3A_819, %lt3A_822 : i32
        %lt3A_824 = arith.constant 0 : i32
        %lt3A_825 = arith.cmpi slt, %select_n3A_818, %lt3A_824 : i32
        %ne3A_826 = arith.xori %lt3A_823, %lt3A_825 : i1
        %and3A_827 = arith.andi %ne3A_826, %ne3A_821 : i1
        %add3A_828 = arith.addi %rem3A_819, %select_n3A_818 : i32
        %select_n3A_829 = arith.select %and3A_827, %add3A_828, %rem3A_819 : i32
        %dma_start3A_830 = arith.constant 0 : i32
        %dma_start3A_831 = arith.constant 0 : i32
        %dma_start3A_832 = arith.constant 0 : i32
        %dma_start3A_833 = tpu.memref_slice %arg5[%dma_start3A_830, %dma_start3A_831, %dma_start3A_832] : memref<2x32x128xi32, #tpu.memory_space<vmem>> -> memref<1x32x128xi32, #tpu.memory_space<vmem>>
        %dma_start3A_834 = tpu.memref_squeeze %dma_start3A_833 : memref<1x32x128xi32, #tpu.memory_space<vmem>> -> memref<32x128xi32, #tpu.memory_space<vmem>>
        %dma_start3A_835 = arith.constant 0 : i32
        %dma_start3A_836 = arith.constant 0 : i32
        %dma_start3A_837 = tpu.memref_slice %arg3[%select_n3A_813, %dma_start3A_835, %select_n3A_829, %dma_start3A_836] : memref<25x32x8x128xi32, #tpu.memory_space<hbm>> -> memref<1x32x1x128xi32, #tpu.memory_space<hbm>>
        %dma_start3A_838 = tpu.memref_squeeze %dma_start3A_837 : memref<1x32x1x128xi32, #tpu.memory_space<hbm>> -> memref<32x128xi32, #tpu.memory_space<hbm>>
        %dma_start3A_839 = arith.constant 0 : i32
        %dma_start3A_840 = arith.constant 0 : i32
        %dma_start3A_841 = tpu.memref_slice %arg5[%dma_start3A_830, %dma_start3A_839, %dma_start3A_840] : memref<2x32x128xi32, #tpu.memory_space<vmem>> -> memref<1x32x128xi32, #tpu.memory_space<vmem>>
        %dma_start3A_842 = tpu.memref_squeeze %dma_start3A_841 : memref<1x32x128xi32, #tpu.memory_space<vmem>> -> memref<32x128xi32, #tpu.memory_space<vmem>>
        %dma_start3A_843 = arith.constant 0 : i32
        %dma_start3A_844 = arith.constant 0 : i32
        %dma_start3A_845 = tpu.memref_slice %arg3[%select_n3A_813, %dma_start3A_843, %select_n3A_829, %dma_start3A_844] : memref<25x32x8x128xi32, #tpu.memory_space<hbm>> -> memref<1x32x1x128xi32, #tpu.memory_space<hbm>>
        %dma_start3A_846 = tpu.memref_squeeze %dma_start3A_845 : memref<1x32x1x128xi32, #tpu.memory_space<hbm>> -> memref<32x128xi32, #tpu.memory_space<hbm>>
        tpu.enqueue_dma source(%dma_start3A_846 : memref<32x128xi32, #tpu.memory_space<hbm>>) target(%dma_start3A_842 : memref<32x128xi32, #tpu.memory_space<vmem>>) target_semaphore(%arg8 : memref<!tpu.dma_semaphore, #tpu.memory_space<semaphore_mem>>)
      } else {
      }
      %mul3A_677 = arith.constant 2 : i32
      %mul3A_678 = arith.muli %mul3A_677, %scan3A_568 : i32
      %add3A_679 = arith.constant 2 : i32
      %add3A_680 = arith.addi %add3A_679, %mul3A_678 : i32
      %add3A_681 = arith.constant 1 : i32
      %add3A_682 = arith.addi %add3A_680, %add3A_681 : i32
      %add3A_683 = arith.addi %mul3A_32, %add3A_682 : i32
      %jit3A_684 = arith.constant 8 : i32
      %div3A_685 = arith.divsi %add3A_683, %jit3A_684 : i32
      %sign3A_686 = arith.constant 0 : i32
      %sign3A_687 = arith.cmpi sgt, %add3A_683, %sign3A_686 : i32
      %sign3A_688 = arith.extui %sign3A_687 : i1 to i32
      %sign3A_689 = arith.constant 0 : i32
      %sign3A_690 = arith.cmpi slt, %add3A_683, %sign3A_689 : i32
      %sign3A_691 = arith.extui %sign3A_690 : i1 to i32
      %sign3A_692 = arith.subi %sign3A_688, %sign3A_691 : i32
      %sign3A_693 = arith.constant 0 : i32
      %sign3A_694 = arith.cmpi sgt, %jit3A_684, %sign3A_693 : i32
      %sign3A_695 = arith.extui %sign3A_694 : i1 to i32
      %sign3A_696 = arith.constant 0 : i32
      %sign3A_697 = arith.cmpi slt, %jit3A_684, %sign3A_696 : i32
      %sign3A_698 = arith.extui %sign3A_697 : i1 to i32
      %sign3A_699 = arith.subi %sign3A_695, %sign3A_698 : i32
      %ne3A_700 = arith.cmpi ne, %sign3A_692, %sign3A_699 : i32
      %rem3A_701 = arith.remsi %add3A_683, %jit3A_684 : i32
      %ne3A_702 = arith.constant 0 : i32
      %ne3A_703 = arith.cmpi ne, %rem3A_701, %ne3A_702 : i32
      %and3A_704 = arith.andi %ne3A_700, %ne3A_703 : i1
      %sub3A_705 = arith.constant 1 : i32
      %sub3A_706 = arith.subi %div3A_685, %sub3A_705 : i32
      %select_n3A_707 = arith.select %and3A_704, %sub3A_706, %div3A_685 : i32
      %jit3A_708 = arith.constant 8 : i32
      %eq3A_709 = arith.constant 0 : i32
      %eq3A_710 = arith.cmpi eq, %jit3A_708, %eq3A_709 : i32
      %jit3A_711 = arith.constant 1 : i32
      %select_n3A_712 = arith.select %eq3A_710, %jit3A_711, %jit3A_708 : i32
      %rem3A_713 = arith.remsi %add3A_683, %select_n3A_712 : i32
      %ne3A_714 = arith.constant 0 : i32
      %ne3A_715 = arith.cmpi ne, %rem3A_713, %ne3A_714 : i32
      %lt3A_716 = arith.constant 0 : i32
      %lt3A_717 = arith.cmpi slt, %rem3A_713, %lt3A_716 : i32
      %lt3A_718 = arith.constant 0 : i32
      %lt3A_719 = arith.cmpi slt, %select_n3A_712, %lt3A_718 : i32
      %ne3A_720 = arith.xori %lt3A_717, %lt3A_719 : i1
      %and3A_721 = arith.andi %ne3A_720, %ne3A_715 : i1
      %add3A_722 = arith.addi %rem3A_713, %select_n3A_712 : i32
      %select_n3A_723 = arith.select %and3A_721, %add3A_722, %rem3A_713 : i32
      %dma_wait3A_724 = arith.constant 1 : i32
      %dma_wait3A_725 = arith.constant 0 : i32
      %dma_wait3A_726 = arith.constant 0 : i32
      %dma_wait3A_727 = tpu.memref_slice %arg5[%dma_wait3A_724, %dma_wait3A_725, %dma_wait3A_726] : memref<2x32x128xi32, #tpu.memory_space<vmem>> -> memref<1x32x128xi32, #tpu.memory_space<vmem>>
      %dma_wait3A_728 = tpu.memref_squeeze %dma_wait3A_727 : memref<1x32x128xi32, #tpu.memory_space<vmem>> -> memref<32x128xi32, #tpu.memory_space<vmem>>
      %dma_wait3A_729 = arith.constant 0 : i32
      %dma_wait3A_730 = arith.constant 0 : i32
      %dma_wait3A_731 = tpu.memref_slice %arg3[%select_n3A_707, %dma_wait3A_729, %select_n3A_723, %dma_wait3A_730] : memref<25x32x8x128xi32, #tpu.memory_space<hbm>> -> memref<1x32x1x128xi32, #tpu.memory_space<hbm>>
      %dma_wait3A_732 = tpu.memref_squeeze %dma_wait3A_731 : memref<1x32x1x128xi32, #tpu.memory_space<hbm>> -> memref<32x128xi32, #tpu.memory_space<hbm>>
      %dma_wait3A_733 = arith.constant 0 : i32
      %dma_wait3A_734 = arith.constant 0 : i32
      %dma_wait3A_735 = tpu.memref_slice %arg5[%dma_wait3A_724, %dma_wait3A_733, %dma_wait3A_734] : memref<2x32x128xi32, #tpu.memory_space<vmem>> -> memref<1x32x128xi32, #tpu.memory_space<vmem>>
      %dma_wait3A_736 = tpu.memref_squeeze %dma_wait3A_735 : memref<1x32x128xi32, #tpu.memory_space<vmem>> -> memref<32x128xi32, #tpu.memory_space<vmem>>
      %dma_wait3A_737 = arith.constant 0 : i32
      %dma_wait3A_738 = arith.constant 0 : i32
      %dma_wait3A_739 = tpu.memref_slice %arg3[%select_n3A_707, %dma_wait3A_737, %select_n3A_723, %dma_wait3A_738] : memref<25x32x8x128xi32, #tpu.memory_space<hbm>> -> memref<1x32x1x128xi32, #tpu.memory_space<hbm>>
      %dma_wait3A_740 = tpu.memref_squeeze %dma_wait3A_739 : memref<1x32x1x128xi32, #tpu.memory_space<hbm>> -> memref<32x128xi32, #tpu.memory_space<hbm>>
      tpu.wait_dma2 semaphore(%arg9 : memref<!tpu.dma_semaphore, #tpu.memory_space<semaphore_mem>>) src(%dma_wait3A_740 : memref<32x128xi32, #tpu.memory_space<hbm>>) dst(%dma_wait3A_736 : memref<32x128xi32, #tpu.memory_space<vmem>>)
      %sub3A_741 = arith.constant 2 : i32
      %sub3A_742 = arith.subi %add3A_682, %sub3A_741 : i32
      %add3A_743 = arith.addi %mul3A_32, %sub3A_742 : i32
      %mul3A_744 = arith.constant 131072 : i32
      %mul3A_745 = arith.muli %add3A_743, %mul3A_744 : i32
      %mul3A_746 = arith.constant 32768 : i32
      %mul3A_747 = arith.muli %select_n3A, %mul3A_746 : i32
      %add3A_748 = arith.addi %mul3A_745, %mul3A_747 : i32
      %multiple_of3A_749 = tpu.assume_multiple %add3A_748, 8 : i32
      %dma_wait3A_750 = arith.constant 1 : i32
      %dma_wait3A_751 = arith.constant 0 : i32
      %dma_wait3A_752 = tpu.memref_slice %arg6[%dma_wait3A_750, %dma_wait3A_751] : memref<2x32768xf32, #tpu.memory_space<vmem>> -> memref<1x32768xf32, #tpu.memory_space<vmem>>
      %dma_wait3A_753 = tpu.memref_squeeze %dma_wait3A_752 : memref<1x32768xf32, #tpu.memory_space<vmem>> -> memref<32768xf32, #tpu.memory_space<vmem>>
      %dma_wait3A_754 = tpu.memref_slice %arg4[%multiple_of3A_749] : memref<26214400xf32, #tpu.memory_space<hbm>> -> memref<32768xf32, #tpu.memory_space<hbm>>
      %dma_wait3A_755 = tpu.memref_slice %arg4[%multiple_of3A_749] : memref<26214400xf32, #tpu.memory_space<hbm>> -> memref<32768xf32, #tpu.memory_space<hbm>>
      %dma_wait3A_756 = arith.constant 0 : i32
      %dma_wait3A_757 = tpu.memref_slice %arg6[%dma_wait3A_750, %dma_wait3A_756] : memref<2x32768xf32, #tpu.memory_space<vmem>> -> memref<1x32768xf32, #tpu.memory_space<vmem>>
      %dma_wait3A_758 = tpu.memref_squeeze %dma_wait3A_757 : memref<1x32768xf32, #tpu.memory_space<vmem>> -> memref<32768xf32, #tpu.memory_space<vmem>>
      tpu.wait_dma2 semaphore(%arg11 : memref<!tpu.dma_semaphore, #tpu.memory_space<semaphore_mem>>) src(%dma_wait3A_758 : memref<32768xf32, #tpu.memory_space<vmem>>) dst(%dma_wait3A_755 : memref<32768xf32, #tpu.memory_space<hbm>>)
      %parallel_loop3A_759 = arith.constant 0 : i32
      %parallel_loop3A_760 = arith.constant 256 : i32
      %parallel_loop3A_761 = arith.constant 1 : i32
      %parallel_loop3A_762 = arith.constant 1 : i32
      %parallel_loop3A_763 = arith.constant 1 : i32
      scf.for %parallel_loop3A_787 = %parallel_loop3A_759 to %parallel_loop3A_760 step %parallel_loop3A_761  : i32 {
        %parallel_loop3A_788 = arith.constant 8 : i32
        %parallel_loop3A_789 = arith.divsi %parallel_loop3A_787, %parallel_loop3A_788 : i32
        %parallel_loop3A_790 = arith.constant 0 : i32
        %parallel_loop3A_791 = arith.cmpi sgt, %parallel_loop3A_787, %parallel_loop3A_790 : i32
        %parallel_loop3A_792 = arith.extui %parallel_loop3A_791 : i1 to i32
        %parallel_loop3A_793 = arith.constant 0 : i32
        %parallel_loop3A_794 = arith.cmpi slt, %parallel_loop3A_787, %parallel_loop3A_793 : i32
        %parallel_loop3A_795 = arith.extui %parallel_loop3A_794 : i1 to i32
        %parallel_loop3A_796 = arith.subi %parallel_loop3A_792, %parallel_loop3A_795 : i32
        %parallel_loop3A_797 = arith.constant 0 : i32
        %parallel_loop3A_798 = arith.cmpi sgt, %parallel_loop3A_788, %parallel_loop3A_797 : i32
        %parallel_loop3A_799 = arith.extui %parallel_loop3A_798 : i1 to i32
        %parallel_loop3A_800 = arith.constant 0 : i32
        %parallel_loop3A_801 = arith.cmpi slt, %parallel_loop3A_788, %parallel_loop3A_800 : i32
        %parallel_loop3A_802 = arith.extui %parallel_loop3A_801 : i1 to i32
        %parallel_loop3A_803 = arith.subi %parallel_loop3A_799, %parallel_loop3A_802 : i32
        %parallel_loop3A_804 = arith.cmpi ne, %parallel_loop3A_796, %parallel_loop3A_803 : i32
        %parallel_loop3A_805 = arith.remsi %parallel_loop3A_787, %parallel_loop3A_788 : i32
        %parallel_loop3A_806 = arith.constant 0 : i32
        %parallel_loop3A_807 = arith.cmpi ne, %parallel_loop3A_805, %parallel_loop3A_806 : i32
        %parallel_loop3A_808 = arith.andi %parallel_loop3A_804, %parallel_loop3A_807 : i1
        %parallel_loop3A_809 = arith.constant 1 : i32
        %parallel_loop3A_810 = arith.subi %parallel_loop3A_789, %parallel_loop3A_809 : i32
        %parallel_loop3A_811 = arith.select %parallel_loop3A_808, %parallel_loop3A_810, %parallel_loop3A_789 : i32
        %parallel_loop3A_812 = arith.constant 8 : i32
        %parallel_loop3A_813 = arith.constant 0 : i32
        %parallel_loop3A_814 = arith.cmpi eq, %parallel_loop3A_812, %parallel_loop3A_813 : i32
        %parallel_loop3A_815 = arith.constant 1 : i32
        %parallel_loop3A_816 = arith.select %parallel_loop3A_814, %parallel_loop3A_815, %parallel_loop3A_812 : i32
        %parallel_loop3A_817 = arith.remsi %parallel_loop3A_787, %parallel_loop3A_816 : i32
        %parallel_loop3A_818 = arith.constant 0 : i32
        %parallel_loop3A_819 = arith.cmpi ne, %parallel_loop3A_817, %parallel_loop3A_818 : i32
        %parallel_loop3A_820 = arith.constant 0 : i32
        %parallel_loop3A_821 = arith.cmpi slt, %parallel_loop3A_817, %parallel_loop3A_820 : i32
        %parallel_loop3A_822 = arith.constant 0 : i32
        %parallel_loop3A_823 = arith.cmpi slt, %parallel_loop3A_816, %parallel_loop3A_822 : i32
        %parallel_loop3A_824 = arith.xori %parallel_loop3A_821, %parallel_loop3A_823 : i1
        %parallel_loop3A_825 = arith.andi %parallel_loop3A_824, %parallel_loop3A_819 : i1
        %parallel_loop3A_826 = arith.addi %parallel_loop3A_817, %parallel_loop3A_816 : i32
        %parallel_loop3A_827 = arith.select %parallel_loop3A_825, %parallel_loop3A_826, %parallel_loop3A_817 : i32
        %parallel_loop3A_828 = arith.constant 16 : i32
        %parallel_loop3A_829 = arith.muli %parallel_loop3A_827, %parallel_loop3A_828 : i32
        %parallel_loop3A_830 = arith.constant 0 : i32
        %parallel_loop3A_831 = arith.constant 0 : i32
        %parallel_loop3A_832 = tpu.memref_slice %arg5[%parallel_loop3A_762, %parallel_loop3A_830, %parallel_loop3A_831] : memref<2x32x128xi32, #tpu.memory_space<vmem>> -> memref<1x32x128xi32, #tpu.memory_space<vmem>>
        %parallel_loop3A_833 = tpu.memref_squeeze %parallel_loop3A_832 : memref<1x32x128xi32, #tpu.memory_space<vmem>> -> memref<32x128xi32, #tpu.memory_space<vmem>>
        %parallel_loop3A_834 = arith.index_cast %parallel_loop3A_811 : i32 to index
        %parallel_loop3A_835 = arith.index_cast %parallel_loop3A_829 : i32 to index
        %parallel_loop3A_836 = tpu.vector_load %parallel_loop3A_833[%parallel_loop3A_834, %parallel_loop3A_835] {strides = array<i32>} : memref<32x128xi32, #tpu.memory_space<vmem>>, vector<16xi32>,
        %parallel_loop3A_837 = arith.constant 1024 : i32
        %parallel_loop3A_838 = arith.muli %parallel_loop3A_811, %parallel_loop3A_837 : i32
        %parallel_loop3A_839 = arith.constant 16 : i32
        %parallel_loop3A_840 = arith.muli %parallel_loop3A_827, %parallel_loop3A_839 : i32
        %parallel_loop3A_841 = arith.addi %parallel_loop3A_838, %parallel_loop3A_840 : i32
        %parallel_loop3A_842 = arith.constant 0 : i32
        %parallel_loop3A_843 = arith.addi %mul3A_36, %parallel_loop3A_842 : i32
        %parallel_loop3A_844 = vector.broadcast %parallel_loop3A_843 : i32 to vector<16xi32>
        %parallel_loop3A_845 = arith.addi %parallel_loop3A_836, %parallel_loop3A_844 : vector<16xi32>
        %parallel_loop3A_846 = tpu.vector_load_idx %arg7[%parallel_loop3A_845] : memref<32000xf32, #tpu.memory_space<vmem>>[vector<16xi32>], vector<16xf32>,
        %parallel_loop3A_847 = arith.constant 0 : i32
        %parallel_loop3A_848 = arith.addi %parallel_loop3A_841, %parallel_loop3A_847 : i32
        %parallel_loop3A_849 = arith.constant 0 : i32
        %parallel_loop3A_850 = tpu.memref_slice %arg6[%parallel_loop3A_763, %parallel_loop3A_849] : memref<2x32768xf32, #tpu.memory_space<vmem>> -> memref<1x32768xf32, #tpu.memory_space<vmem>>
        %parallel_loop3A_851 = tpu.memref_squeeze %parallel_loop3A_850 : memref<1x32768xf32, #tpu.memory_space<vmem>> -> memref<32768xf32, #tpu.memory_space<vmem>>
        %parallel_loop3A_852 = arith.index_cast %parallel_loop3A_848 : i32 to index
        %parallel_loop3A_853 = tpu.vector_load %parallel_loop3A_851[%parallel_loop3A_852] {strides = array<i32>} : memref<32768xf32, #tpu.memory_space<vmem>>, vector<16xf32>,
        tpu.vector_store %parallel_loop3A_851[%parallel_loop3A_852], %parallel_loop3A_846 {strides = array<i32>} : memref<32768xf32, #tpu.memory_space<vmem>>, vector<16xf32>,
        %parallel_loop3A_854 = arith.constant 1000 : i32
        %parallel_loop3A_855 = arith.addi %mul3A_36, %parallel_loop3A_854 : i32
        %parallel_loop3A_856 = vector.broadcast %parallel_loop3A_855 : i32 to vector<16xi32>
        %parallel_loop3A_857 = arith.addi %parallel_loop3A_836, %parallel_loop3A_856 : vector<16xi32>
        %parallel_loop3A_858 = tpu.vector_load_idx %arg7[%parallel_loop3A_857] : memref<32000xf32, #tpu.memory_space<vmem>>[vector<16xi32>], vector<16xf32>,
        %parallel_loop3A_859 = arith.constant 128 : i32
        %parallel_loop3A_860 = arith.addi %parallel_loop3A_841, %parallel_loop3A_859 : i32
        %parallel_loop3A_861 = arith.constant 0 : i32
        %parallel_loop3A_862 = tpu.memref_slice %arg6[%parallel_loop3A_763, %parallel_loop3A_861] : memref<2x32768xf32, #tpu.memory_space<vmem>> -> memref<1x32768xf32, #tpu.memory_space<vmem>>
        %parallel_loop3A_863 = tpu.memref_squeeze %parallel_loop3A_862 : memref<1x32768xf32, #tpu.memory_space<vmem>> -> memref<32768xf32, #tpu.memory_space<vmem>>
        %parallel_loop3A_864 = arith.index_cast %parallel_loop3A_860 : i32 to index
        %parallel_loop3A_865 = tpu.vector_load %parallel_loop3A_863[%parallel_loop3A_864] {strides = array<i32>} : memref<32768xf32, #tpu.memory_space<vmem>>, vector<16xf32>,
        tpu.vector_store %parallel_loop3A_863[%parallel_loop3A_864], %parallel_loop3A_858 {strides = array<i32>} : memref<32768xf32, #tpu.memory_space<vmem>>, vector<16xf32>,
        %parallel_loop3A_866 = arith.constant 2000 : i32
        %parallel_loop3A_867 = arith.addi %mul3A_36, %parallel_loop3A_866 : i32
        %parallel_loop3A_868 = vector.broadcast %parallel_loop3A_867 : i32 to vector<16xi32>
        %parallel_loop3A_869 = arith.addi %parallel_loop3A_836, %parallel_loop3A_868 : vector<16xi32>
        %parallel_loop3A_870 = tpu.vector_load_idx %arg7[%parallel_loop3A_869] : memref<32000xf32, #tpu.memory_space<vmem>>[vector<16xi32>], vector<16xf32>,
        %parallel_loop3A_871 = arith.constant 256 : i32
        %parallel_loop3A_872 = arith.addi %parallel_loop3A_841, %parallel_loop3A_871 : i32
        %parallel_loop3A_873 = arith.constant 0 : i32
        %parallel_loop3A_874 = tpu.memref_slice %arg6[%parallel_loop3A_763, %parallel_loop3A_873] : memref<2x32768xf32, #tpu.memory_space<vmem>> -> memref<1x32768xf32, #tpu.memory_space<vmem>>
        %parallel_loop3A_875 = tpu.memref_squeeze %parallel_loop3A_874 : memref<1x32768xf32, #tpu.memory_space<vmem>> -> memref<32768xf32, #tpu.memory_space<vmem>>
        %parallel_loop3A_876 = arith.index_cast %parallel_loop3A_872 : i32 to index
        %parallel_loop3A_877 = tpu.vector_load %parallel_loop3A_875[%parallel_loop3A_876] {strides = array<i32>} : memref<32768xf32, #tpu.memory_space<vmem>>, vector<16xf32>,
        tpu.vector_store %parallel_loop3A_875[%parallel_loop3A_876], %parallel_loop3A_870 {strides = array<i32>} : memref<32768xf32, #tpu.memory_space<vmem>>, vector<16xf32>,
        %parallel_loop3A_878 = arith.constant 3000 : i32
        %parallel_loop3A_879 = arith.addi %mul3A_36, %parallel_loop3A_878 : i32
        %parallel_loop3A_880 = vector.broadcast %parallel_loop3A_879 : i32 to vector<16xi32>
        %parallel_loop3A_881 = arith.addi %parallel_loop3A_836, %parallel_loop3A_880 : vector<16xi32>
        %parallel_loop3A_882 = tpu.vector_load_idx %arg7[%parallel_loop3A_881] : memref<32000xf32, #tpu.memory_space<vmem>>[vector<16xi32>], vector<16xf32>,
        %parallel_loop3A_883 = arith.constant 384 : i32
        %parallel_loop3A_884 = arith.addi %parallel_loop3A_841, %parallel_loop3A_883 : i32
        %parallel_loop3A_885 = arith.constant 0 : i32
        %parallel_loop3A_886 = tpu.memref_slice %arg6[%parallel_loop3A_763, %parallel_loop3A_885] : memref<2x32768xf32, #tpu.memory_space<vmem>> -> memref<1x32768xf32, #tpu.memory_space<vmem>>
        %parallel_loop3A_887 = tpu.memref_squeeze %parallel_loop3A_886 : memref<1x32768xf32, #tpu.memory_space<vmem>> -> memref<32768xf32, #tpu.memory_space<vmem>>
        %parallel_loop3A_888 = arith.index_cast %parallel_loop3A_884 : i32 to index
        %parallel_loop3A_889 = tpu.vector_load %parallel_loop3A_887[%parallel_loop3A_888] {strides = array<i32>} : memref<32768xf32, #tpu.memory_space<vmem>>, vector<16xf32>,
        tpu.vector_store %parallel_loop3A_887[%parallel_loop3A_888], %parallel_loop3A_882 {strides = array<i32>} : memref<32768xf32, #tpu.memory_space<vmem>>, vector<16xf32>,
        %parallel_loop3A_890 = arith.constant 4000 : i32
        %parallel_loop3A_891 = arith.addi %mul3A_36, %parallel_loop3A_890 : i32
        %parallel_loop3A_892 = vector.broadcast %parallel_loop3A_891 : i32 to vector<16xi32>
        %parallel_loop3A_893 = arith.addi %parallel_loop3A_836, %parallel_loop3A_892 : vector<16xi32>
        %parallel_loop3A_894 = tpu.vector_load_idx %arg7[%parallel_loop3A_893] : memref<32000xf32, #tpu.memory_space<vmem>>[vector<16xi32>], vector<16xf32>,
        %parallel_loop3A_895 = arith.constant 512 : i32
        %parallel_loop3A_896 = arith.addi %parallel_loop3A_841, %parallel_loop3A_895 : i32
        %parallel_loop3A_897 = arith.constant 0 : i32
        %parallel_loop3A_898 = tpu.memref_slice %arg6[%parallel_loop3A_763, %parallel_loop3A_897] : memref<2x32768xf32, #tpu.memory_space<vmem>> -> memref<1x32768xf32, #tpu.memory_space<vmem>>
        %parallel_loop3A_899 = tpu.memref_squeeze %parallel_loop3A_898 : memref<1x32768xf32, #tpu.memory_space<vmem>> -> memref<32768xf32, #tpu.memory_space<vmem>>
        %parallel_loop3A_900 = arith.index_cast %parallel_loop3A_896 : i32 to index
        %parallel_loop3A_901 = tpu.vector_load %parallel_loop3A_899[%parallel_loop3A_900] {strides = array<i32>} : memref<32768xf32, #tpu.memory_space<vmem>>, vector<16xf32>,
        tpu.vector_store %parallel_loop3A_899[%parallel_loop3A_900], %parallel_loop3A_894 {strides = array<i32>} : memref<32768xf32, #tpu.memory_space<vmem>>, vector<16xf32>,
        %parallel_loop3A_902 = arith.constant 5000 : i32
        %parallel_loop3A_903 = arith.addi %mul3A_36, %parallel_loop3A_902 : i32
        %parallel_loop3A_904 = vector.broadcast %parallel_loop3A_903 : i32 to vector<16xi32>
        %parallel_loop3A_905 = arith.addi %parallel_loop3A_836, %parallel_loop3A_904 : vector<16xi32>
        %parallel_loop3A_906 = tpu.vector_load_idx %arg7[%parallel_loop3A_905] : memref<32000xf32, #tpu.memory_space<vmem>>[vector<16xi32>], vector<16xf32>,
        %parallel_loop3A_907 = arith.constant 640 : i32
        %parallel_loop3A_908 = arith.addi %parallel_loop3A_841, %parallel_loop3A_907 : i32
        %parallel_loop3A_909 = arith.constant 0 : i32
        %parallel_loop3A_910 = tpu.memref_slice %arg6[%parallel_loop3A_763, %parallel_loop3A_909] : memref<2x32768xf32, #tpu.memory_space<vmem>> -> memref<1x32768xf32, #tpu.memory_space<vmem>>
        %parallel_loop3A_911 = tpu.memref_squeeze %parallel_loop3A_910 : memref<1x32768xf32, #tpu.memory_space<vmem>> -> memref<32768xf32, #tpu.memory_space<vmem>>
        %parallel_loop3A_912 = arith.index_cast %parallel_loop3A_908 : i32 to index
        %parallel_loop3A_913 = tpu.vector_load %parallel_loop3A_911[%parallel_loop3A_912] {strides = array<i32>} : memref<32768xf32, #tpu.memory_space<vmem>>, vector<16xf32>,
        tpu.vector_store %parallel_loop3A_911[%parallel_loop3A_912], %parallel_loop3A_906 {strides = array<i32>} : memref<32768xf32, #tpu.memory_space<vmem>>, vector<16xf32>,
        %parallel_loop3A_914 = arith.constant 6000 : i32
        %parallel_loop3A_915 = arith.addi %mul3A_36, %parallel_loop3A_914 : i32
        %parallel_loop3A_916 = vector.broadcast %parallel_loop3A_915 : i32 to vector<16xi32>
        %parallel_loop3A_917 = arith.addi %parallel_loop3A_836, %parallel_loop3A_916 : vector<16xi32>
        %parallel_loop3A_918 = tpu.vector_load_idx %arg7[%parallel_loop3A_917] : memref<32000xf32, #tpu.memory_space<vmem>>[vector<16xi32>], vector<16xf32>,
        %parallel_loop3A_919 = arith.constant 768 : i32
        %parallel_loop3A_920 = arith.addi %parallel_loop3A_841, %parallel_loop3A_919 : i32
        %parallel_loop3A_921 = arith.constant 0 : i32
        %parallel_loop3A_922 = tpu.memref_slice %arg6[%parallel_loop3A_763, %parallel_loop3A_921] : memref<2x32768xf32, #tpu.memory_space<vmem>> -> memref<1x32768xf32, #tpu.memory_space<vmem>>
        %parallel_loop3A_923 = tpu.memref_squeeze %parallel_loop3A_922 : memref<1x32768xf32, #tpu.memory_space<vmem>> -> memref<32768xf32, #tpu.memory_space<vmem>>
        %parallel_loop3A_924 = arith.index_cast %parallel_loop3A_920 : i32 to index
        %parallel_loop3A_925 = tpu.vector_load %parallel_loop3A_923[%parallel_loop3A_924] {strides = array<i32>} : memref<32768xf32, #tpu.memory_space<vmem>>, vector<16xf32>,
        tpu.vector_store %parallel_loop3A_923[%parallel_loop3A_924], %parallel_loop3A_918 {strides = array<i32>} : memref<32768xf32, #tpu.memory_space<vmem>>, vector<16xf32>,
        %parallel_loop3A_926 = arith.constant 7000 : i32
        %parallel_loop3A_927 = arith.addi %mul3A_36, %parallel_loop3A_926 : i32
        %parallel_loop3A_928 = vector.broadcast %parallel_loop3A_927 : i32 to vector<16xi32>
        %parallel_loop3A_929 = arith.addi %parallel_loop3A_836, %parallel_loop3A_928 : vector<16xi32>
        %parallel_loop3A_930 = tpu.vector_load_idx %arg7[%parallel_loop3A_929] : memref<32000xf32, #tpu.memory_space<vmem>>[vector<16xi32>], vector<16xf32>,
        %parallel_loop3A_931 = arith.constant 896 : i32
        %parallel_loop3A_932 = arith.addi %parallel_loop3A_841, %parallel_loop3A_931 : i32
        %parallel_loop3A_933 = arith.constant 0 : i32
        %parallel_loop3A_934 = tpu.memref_slice %arg6[%parallel_loop3A_763, %parallel_loop3A_933] : memref<2x32768xf32, #tpu.memory_space<vmem>> -> memref<1x32768xf32, #tpu.memory_space<vmem>>
        %parallel_loop3A_935 = tpu.memref_squeeze %parallel_loop3A_934 : memref<1x32768xf32, #tpu.memory_space<vmem>> -> memref<32768xf32, #tpu.memory_space<vmem>>
        %parallel_loop3A_936 = arith.index_cast %parallel_loop3A_932 : i32 to index
        %parallel_loop3A_937 = tpu.vector_load %parallel_loop3A_935[%parallel_loop3A_936] {strides = array<i32>} : memref<32768xf32, #tpu.memory_space<vmem>>, vector<16xf32>,
        tpu.vector_store %parallel_loop3A_935[%parallel_loop3A_936], %parallel_loop3A_930 {strides = array<i32>} : memref<32768xf32, #tpu.memory_space<vmem>>, vector<16xf32>,
      } {sc.loop_unroll_factor = 1 : i64, sc.parallel_access}
      %add3A_764 = arith.addi %mul3A_32, %add3A_682 : i32
      %mul3A_765 = arith.constant 131072 : i32
      %mul3A_766 = arith.muli %add3A_764, %mul3A_765 : i32
      %mul3A_767 = arith.constant 32768 : i32
      %mul3A_768 = arith.muli %select_n3A, %mul3A_767 : i32
      %add3A_769 = arith.addi %mul3A_766, %mul3A_768 : i32
      %multiple_of3A_770 = tpu.assume_multiple %add3A_769, 8 : i32
      %dma_start3A_771 = arith.constant 1 : i32
      %dma_start3A_772 = arith.constant 0 : i32
      %dma_start3A_773 = tpu.memref_slice %arg6[%dma_start3A_771, %dma_start3A_772] : memref<2x32768xf32, #tpu.memory_space<vmem>> -> memref<1x32768xf32, #tpu.memory_space<vmem>>
      %dma_start3A_774 = tpu.memref_squeeze %dma_start3A_773 : memref<1x32768xf32, #tpu.memory_space<vmem>> -> memref<32768xf32, #tpu.memory_space<vmem>>
      %dma_start3A_775 = tpu.memref_slice %arg4[%multiple_of3A_770] : memref<26214400xf32, #tpu.memory_space<hbm>> -> memref<32768xf32, #tpu.memory_space<hbm>>
      %dma_start3A_776 = tpu.memref_slice %arg4[%multiple_of3A_770] : memref<26214400xf32, #tpu.memory_space<hbm>> -> memref<32768xf32, #tpu.memory_space<hbm>>
      %dma_start3A_777 = arith.constant 0 : i32
      %dma_start3A_778 = tpu.memref_slice %arg6[%dma_start3A_771, %dma_start3A_777] : memref<2x32768xf32, #tpu.memory_space<vmem>> -> memref<1x32768xf32, #tpu.memory_space<vmem>>
      %dma_start3A_779 = tpu.memref_squeeze %dma_start3A_778 : memref<1x32768xf32, #tpu.memory_space<vmem>> -> memref<32768xf32, #tpu.memory_space<vmem>>
      tpu.enqueue_dma source(%dma_start3A_779 : memref<32768xf32, #tpu.memory_space<vmem>>) target(%dma_start3A_776 : memref<32768xf32, #tpu.memory_space<hbm>>) target_semaphore(%arg11 : memref<!tpu.dma_semaphore, #tpu.memory_space<semaphore_mem>>)
      %add3A_780 = arith.constant 2 : i32
      %add3A_781 = arith.addi %add3A_682, %add3A_780 : i32
      %lt3A_782 = arith.constant 25 : i32
      %lt3A_783 = arith.cmpi slt, %add3A_781, %lt3A_782 : i32
      %convert_element_type3A_784 = arith.extui %lt3A_783 : i1 to i32
      %cond3A_785 = arith.constant 0 : i32
      %cond3A_786 = arith.cmpi ne, %convert_element_type3A_784, %cond3A_785 : i32
      scf.if %cond3A_786 {
        %add3A_787 = arith.constant 2 : i32
        %add3A_788 = arith.addi %add3A_682, %add3A_787 : i32
        %add3A_789 = arith.addi %mul3A_32, %add3A_788 : i32
        %jit3A_790 = arith.constant 8 : i32
        %div3A_791 = arith.divsi %add3A_789, %jit3A_790 : i32
        %sign3A_792 = arith.constant 0 : i32
        %sign3A_793 = arith.cmpi sgt, %add3A_789, %sign3A_792 : i32
        %sign3A_794 = arith.extui %sign3A_793 : i1 to i32
        %sign3A_795 = arith.constant 0 : i32
        %sign3A_796 = arith.cmpi slt, %add3A_789, %sign3A_795 : i32
        %sign3A_797 = arith.extui %sign3A_796 : i1 to i32
        %sign3A_798 = arith.subi %sign3A_794, %sign3A_797 : i32
        %sign3A_799 = arith.constant 0 : i32
        %sign3A_800 = arith.cmpi sgt, %jit3A_790, %sign3A_799 : i32
        %sign3A_801 = arith.extui %sign3A_800 : i1 to i32
        %sign3A_802 = arith.constant 0 : i32
        %sign3A_803 = arith.cmpi slt, %jit3A_790, %sign3A_802 : i32
        %sign3A_804 = arith.extui %sign3A_803 : i1 to i32
        %sign3A_805 = arith.subi %sign3A_801, %sign3A_804 : i32
        %ne3A_806 = arith.cmpi ne, %sign3A_798, %sign3A_805 : i32
        %rem3A_807 = arith.remsi %add3A_789, %jit3A_790 : i32
        %ne3A_808 = arith.constant 0 : i32
        %ne3A_809 = arith.cmpi ne, %rem3A_807, %ne3A_808 : i32
        %and3A_810 = arith.andi %ne3A_806, %ne3A_809 : i1
        %sub3A_811 = arith.constant 1 : i32
        %sub3A_812 = arith.subi %div3A_791, %sub3A_811 : i32
        %select_n3A_813 = arith.select %and3A_810, %sub3A_812, %div3A_791 : i32
        %jit3A_814 = arith.constant 8 : i32
        %eq3A_815 = arith.constant 0 : i32
        %eq3A_816 = arith.cmpi eq, %jit3A_814, %eq3A_815 : i32
        %jit3A_817 = arith.constant 1 : i32
        %select_n3A_818 = arith.select %eq3A_816, %jit3A_817, %jit3A_814 : i32
        %rem3A_819 = arith.remsi %add3A_789, %select_n3A_818 : i32
        %ne3A_820 = arith.constant 0 : i32
        %ne3A_821 = arith.cmpi ne, %rem3A_819, %ne3A_820 : i32
        %lt3A_822 = arith.constant 0 : i32
        %lt3A_823 = arith.cmpi slt, %rem3A_819, %lt3A_822 : i32
        %lt3A_824 = arith.constant 0 : i32
        %lt3A_825 = arith.cmpi slt, %select_n3A_818, %lt3A_824 : i32
        %ne3A_826 = arith.xori %lt3A_823, %lt3A_825 : i1
        %and3A_827 = arith.andi %ne3A_826, %ne3A_821 : i1
        %add3A_828 = arith.addi %rem3A_819, %select_n3A_818 : i32
        %select_n3A_829 = arith.select %and3A_827, %add3A_828, %rem3A_819 : i32
        %dma_start3A_830 = arith.constant 1 : i32
        %dma_start3A_831 = arith.constant 0 : i32
        %dma_start3A_832 = arith.constant 0 : i32
        %dma_start3A_833 = tpu.memref_slice %arg5[%dma_start3A_830, %dma_start3A_831, %dma_start3A_832] : memref<2x32x128xi32, #tpu.memory_space<vmem>> -> memref<1x32x128xi32, #tpu.memory_space<vmem>>
        %dma_start3A_834 = tpu.memref_squeeze %dma_start3A_833 : memref<1x32x128xi32, #tpu.memory_space<vmem>> -> memref<32x128xi32, #tpu.memory_space<vmem>>
        %dma_start3A_835 = arith.constant 0 : i32
        %dma_start3A_836 = arith.constant 0 : i32
        %dma_start3A_837 = tpu.memref_slice %arg3[%select_n3A_813, %dma_start3A_835, %select_n3A_829, %dma_start3A_836] : memref<25x32x8x128xi32, #tpu.memory_space<hbm>> -> memref<1x32x1x128xi32, #tpu.memory_space<hbm>>
        %dma_start3A_838 = tpu.memref_squeeze %dma_start3A_837 : memref<1x32x1x128xi32, #tpu.memory_space<hbm>> -> memref<32x128xi32, #tpu.memory_space<hbm>>
        %dma_start3A_839 = arith.constant 0 : i32
        %dma_start3A_840 = arith.constant 0 : i32
        %dma_start3A_841 = tpu.memref_slice %arg5[%dma_start3A_830, %dma_start3A_839, %dma_start3A_840] : memref<2x32x128xi32, #tpu.memory_space<vmem>> -> memref<1x32x128xi32, #tpu.memory_space<vmem>>
        %dma_start3A_842 = tpu.memref_squeeze %dma_start3A_841 : memref<1x32x128xi32, #tpu.memory_space<vmem>> -> memref<32x128xi32, #tpu.memory_space<vmem>>
        %dma_start3A_843 = arith.constant 0 : i32
        %dma_start3A_844 = arith.constant 0 : i32
        %dma_start3A_845 = tpu.memref_slice %arg3[%select_n3A_813, %dma_start3A_843, %select_n3A_829, %dma_start3A_844] : memref<25x32x8x128xi32, #tpu.memory_space<hbm>> -> memref<1x32x1x128xi32, #tpu.memory_space<hbm>>
        %dma_start3A_846 = tpu.memref_squeeze %dma_start3A_845 : memref<1x32x1x128xi32, #tpu.memory_space<hbm>> -> memref<32x128xi32, #tpu.memory_space<hbm>>
        tpu.enqueue_dma source(%dma_start3A_846 : memref<32x128xi32, #tpu.memory_space<hbm>>) target(%dma_start3A_842 : memref<32x128xi32, #tpu.memory_space<vmem>>) target_semaphore(%arg9 : memref<!tpu.dma_semaphore, #tpu.memory_space<semaphore_mem>>)
      } else {
      }
    }
    %scan3A_435 = arith.constant 11 : i32
    %add3A_436 = arith.constant 24 : i32
    %add3A_437 = arith.addi %mul3A_32, %add3A_436 : i32
    %jit3A_438 = arith.constant 8 : i32
    %div3A_439 = arith.divsi %add3A_437, %jit3A_438 : i32
    %sign3A_440 = arith.constant 0 : i32
    %sign3A_441 = arith.cmpi sgt, %add3A_437, %sign3A_440 : i32
    %sign3A_442 = arith.extui %sign3A_441 : i1 to i32
    %sign3A_443 = arith.constant 0 : i32
    %sign3A_444 = arith.cmpi slt, %add3A_437, %sign3A_443 : i32
    %sign3A_445 = arith.extui %sign3A_444 : i1 to i32
    %sign3A_446 = arith.subi %sign3A_442, %sign3A_445 : i32
    %sign3A_447 = arith.constant 0 : i32
    %sign3A_448 = arith.cmpi sgt, %jit3A_438, %sign3A_447 : i32
    %sign3A_449 = arith.extui %sign3A_448 : i1 to i32
    %sign3A_450 = arith.constant 0 : i32
    %sign3A_451 = arith.cmpi slt, %jit3A_438, %sign3A_450 : i32
    %sign3A_452 = arith.extui %sign3A_451 : i1 to i32
    %sign3A_453 = arith.subi %sign3A_449, %sign3A_452 : i32
    %ne3A_454 = arith.cmpi ne, %sign3A_446, %sign3A_453 : i32
    %rem3A_455 = arith.remsi %add3A_437, %jit3A_438 : i32
    %ne3A_456 = arith.constant 0 : i32
    %ne3A_457 = arith.cmpi ne, %rem3A_455, %ne3A_456 : i32
    %and3A_458 = arith.andi %ne3A_454, %ne3A_457 : i1
    %sub3A_459 = arith.constant 1 : i32
    %sub3A_460 = arith.subi %div3A_439, %sub3A_459 : i32
    %select_n3A_461 = arith.select %and3A_458, %sub3A_460, %div3A_439 : i32
    %jit3A_462 = arith.constant 8 : i32
    %eq3A_463 = arith.constant 0 : i32
    %eq3A_464 = arith.cmpi eq, %jit3A_462, %eq3A_463 : i32
    %jit3A_465 = arith.constant 1 : i32
    %select_n3A_466 = arith.select %eq3A_464, %jit3A_465, %jit3A_462 : i32
    %rem3A_467 = arith.remsi %add3A_437, %select_n3A_466 : i32
    %ne3A_468 = arith.constant 0 : i32
    %ne3A_469 = arith.cmpi ne, %rem3A_467, %ne3A_468 : i32
    %lt3A_470 = arith.constant 0 : i32
    %lt3A_471 = arith.cmpi slt, %rem3A_467, %lt3A_470 : i32
    %lt3A_472 = arith.constant 0 : i32
    %lt3A_473 = arith.cmpi slt, %select_n3A_466, %lt3A_472 : i32
    %ne3A_474 = arith.xori %lt3A_471, %lt3A_473 : i1
    %and3A_475 = arith.andi %ne3A_474, %ne3A_469 : i1
    %add3A_476 = arith.addi %rem3A_467, %select_n3A_466 : i32
    %select_n3A_477 = arith.select %and3A_475, %add3A_476, %rem3A_467 : i32
    %dma_wait3A_478 = arith.constant 0 : i32
    %dma_wait3A_479 = arith.constant 0 : i32
    %dma_wait3A_480 = arith.constant 0 : i32
    %dma_wait3A_481 = tpu.memref_slice %arg5[%dma_wait3A_478, %dma_wait3A_479, %dma_wait3A_480] : memref<2x32x128xi32, #tpu.memory_space<vmem>> -> memref<1x32x128xi32, #tpu.memory_space<vmem>>
    %dma_wait3A_482 = tpu.memref_squeeze %dma_wait3A_481 : memref<1x32x128xi32, #tpu.memory_space<vmem>> -> memref<32x128xi32, #tpu.memory_space<vmem>>
    %dma_wait3A_483 = arith.constant 0 : i32
    %dma_wait3A_484 = arith.constant 0 : i32
    %dma_wait3A_485 = tpu.memref_slice %arg3[%select_n3A_461, %dma_wait3A_483, %select_n3A_477, %dma_wait3A_484] : memref<25x32x8x128xi32, #tpu.memory_space<hbm>> -> memref<1x32x1x128xi32, #tpu.memory_space<hbm>>
    %dma_wait3A_486 = tpu.memref_squeeze %dma_wait3A_485 : memref<1x32x1x128xi32, #tpu.memory_space<hbm>> -> memref<32x128xi32, #tpu.memory_space<hbm>>
    %dma_wait3A_487 = arith.constant 0 : i32
    %dma_wait3A_488 = arith.constant 0 : i32
    %dma_wait3A_489 = tpu.memref_slice %arg5[%dma_wait3A_478, %dma_wait3A_487, %dma_wait3A_488] : memref<2x32x128xi32, #tpu.memory_space<vmem>> -> memref<1x32x128xi32, #tpu.memory_space<vmem>>
    %dma_wait3A_490 = tpu.memref_squeeze %dma_wait3A_489 : memref<1x32x128xi32, #tpu.memory_space<vmem>> -> memref<32x128xi32, #tpu.memory_space<vmem>>
    %dma_wait3A_491 = arith.constant 0 : i32
    %dma_wait3A_492 = arith.constant 0 : i32
    %dma_wait3A_493 = tpu.memref_slice %arg3[%select_n3A_461, %dma_wait3A_491, %select_n3A_477, %dma_wait3A_492] : memref<25x32x8x128xi32, #tpu.memory_space<hbm>> -> memref<1x32x1x128xi32, #tpu.memory_space<hbm>>
    %dma_wait3A_494 = tpu.memref_squeeze %dma_wait3A_493 : memref<1x32x1x128xi32, #tpu.memory_space<hbm>> -> memref<32x128xi32, #tpu.memory_space<hbm>>
    tpu.wait_dma2 semaphore(%arg8 : memref<!tpu.dma_semaphore, #tpu.memory_space<semaphore_mem>>) src(%dma_wait3A_494 : memref<32x128xi32, #tpu.memory_space<hbm>>) dst(%dma_wait3A_490 : memref<32x128xi32, #tpu.memory_space<vmem>>)
    %add3A_495 = arith.constant 22 : i32
    %add3A_496 = arith.addi %mul3A_32, %add3A_495 : i32
    %mul3A_497 = arith.constant 131072 : i32
    %mul3A_498 = arith.muli %add3A_496, %mul3A_497 : i32
    %mul3A_499 = arith.constant 32768 : i32
    %mul3A_500 = arith.muli %select_n3A, %mul3A_499 : i32
    %add3A_501 = arith.addi %mul3A_498, %mul3A_500 : i32
    %multiple_of3A_502 = tpu.assume_multiple %add3A_501, 8 : i32
    %dma_wait3A_503 = arith.constant 0 : i32
    %dma_wait3A_504 = arith.constant 0 : i32
    %dma_wait3A_505 = tpu.memref_slice %arg6[%dma_wait3A_503, %dma_wait3A_504] : memref<2x32768xf32, #tpu.memory_space<vmem>> -> memref<1x32768xf32, #tpu.memory_space<vmem>>
    %dma_wait3A_506 = tpu.memref_squeeze %dma_wait3A_505 : memref<1x32768xf32, #tpu.memory_space<vmem>> -> memref<32768xf32, #tpu.memory_space<vmem>>
    %dma_wait3A_507 = tpu.memref_slice %arg4[%multiple_of3A_502] : memref<26214400xf32, #tpu.memory_space<hbm>> -> memref<32768xf32, #tpu.memory_space<hbm>>
    %dma_wait3A_508 = tpu.memref_slice %arg4[%multiple_of3A_502] : memref<26214400xf32, #tpu.memory_space<hbm>> -> memref<32768xf32, #tpu.memory_space<hbm>>
    %dma_wait3A_509 = arith.constant 0 : i32
    %dma_wait3A_510 = tpu.memref_slice %arg6[%dma_wait3A_503, %dma_wait3A_509] : memref<2x32768xf32, #tpu.memory_space<vmem>> -> memref<1x32768xf32, #tpu.memory_space<vmem>>
    %dma_wait3A_511 = tpu.memref_squeeze %dma_wait3A_510 : memref<1x32768xf32, #tpu.memory_space<vmem>> -> memref<32768xf32, #tpu.memory_space<vmem>>
    tpu.wait_dma2 semaphore(%arg10 : memref<!tpu.dma_semaphore, #tpu.memory_space<semaphore_mem>>) src(%dma_wait3A_511 : memref<32768xf32, #tpu.memory_space<vmem>>) dst(%dma_wait3A_508 : memref<32768xf32, #tpu.memory_space<hbm>>)
    %parallel_loop3A_512 = arith.constant 0 : i32
    %parallel_loop3A_513 = arith.constant 256 : i32
    %parallel_loop3A_514 = arith.constant 1 : i32
    %parallel_loop3A_515 = arith.constant 0 : i32
    %parallel_loop3A_516 = arith.constant 0 : i32
    scf.for %parallel_loop3A_568 = %parallel_loop3A_512 to %parallel_loop3A_513 step %parallel_loop3A_514  : i32 {
      %parallel_loop3A_569 = arith.constant 8 : i32
      %parallel_loop3A_570 = arith.divsi %parallel_loop3A_568, %parallel_loop3A_569 : i32
      %parallel_loop3A_571 = arith.constant 0 : i32
      %parallel_loop3A_572 = arith.cmpi sgt, %parallel_loop3A_568, %parallel_loop3A_571 : i32
      %parallel_loop3A_573 = arith.extui %parallel_loop3A_572 : i1 to i32
      %parallel_loop3A_574 = arith.constant 0 : i32
      %parallel_loop3A_575 = arith.cmpi slt, %parallel_loop3A_568, %parallel_loop3A_574 : i32
      %parallel_loop3A_576 = arith.extui %parallel_loop3A_575 : i1 to i32
      %parallel_loop3A_577 = arith.subi %parallel_loop3A_573, %parallel_loop3A_576 : i32
      %parallel_loop3A_578 = arith.constant 0 : i32
      %parallel_loop3A_579 = arith.cmpi sgt, %parallel_loop3A_569, %parallel_loop3A_578 : i32
      %parallel_loop3A_580 = arith.extui %parallel_loop3A_579 : i1 to i32
      %parallel_loop3A_581 = arith.constant 0 : i32
      %parallel_loop3A_582 = arith.cmpi slt, %parallel_loop3A_569, %parallel_loop3A_581 : i32
      %parallel_loop3A_583 = arith.extui %parallel_loop3A_582 : i1 to i32
      %parallel_loop3A_584 = arith.subi %parallel_loop3A_580, %parallel_loop3A_583 : i32
      %parallel_loop3A_585 = arith.cmpi ne, %parallel_loop3A_577, %parallel_loop3A_584 : i32
      %parallel_loop3A_586 = arith.remsi %parallel_loop3A_568, %parallel_loop3A_569 : i32
      %parallel_loop3A_587 = arith.constant 0 : i32
      %parallel_loop3A_588 = arith.cmpi ne, %parallel_loop3A_586, %parallel_loop3A_587 : i32
      %parallel_loop3A_589 = arith.andi %parallel_loop3A_585, %parallel_loop3A_588 : i1
      %parallel_loop3A_590 = arith.constant 1 : i32
      %parallel_loop3A_591 = arith.subi %parallel_loop3A_570, %parallel_loop3A_590 : i32
      %parallel_loop3A_592 = arith.select %parallel_loop3A_589, %parallel_loop3A_591, %parallel_loop3A_570 : i32
      %parallel_loop3A_593 = arith.constant 8 : i32
      %parallel_loop3A_594 = arith.constant 0 : i32
      %parallel_loop3A_595 = arith.cmpi eq, %parallel_loop3A_593, %parallel_loop3A_594 : i32
      %parallel_loop3A_596 = arith.constant 1 : i32
      %parallel_loop3A_597 = arith.select %parallel_loop3A_595, %parallel_loop3A_596, %parallel_loop3A_593 : i32
      %parallel_loop3A_598 = arith.remsi %parallel_loop3A_568, %parallel_loop3A_597 : i32
      %parallel_loop3A_599 = arith.constant 0 : i32
      %parallel_loop3A_600 = arith.cmpi ne, %parallel_loop3A_598, %parallel_loop3A_599 : i32
      %parallel_loop3A_601 = arith.constant 0 : i32
      %parallel_loop3A_602 = arith.cmpi slt, %parallel_loop3A_598, %parallel_loop3A_601 : i32
      %parallel_loop3A_603 = arith.constant 0 : i32
      %parallel_loop3A_604 = arith.cmpi slt, %parallel_loop3A_597, %parallel_loop3A_603 : i32
      %parallel_loop3A_605 = arith.xori %parallel_loop3A_602, %parallel_loop3A_604 : i1
      %parallel_loop3A_606 = arith.andi %parallel_loop3A_605, %parallel_loop3A_600 : i1
      %parallel_loop3A_607 = arith.addi %parallel_loop3A_598, %parallel_loop3A_597 : i32
      %parallel_loop3A_608 = arith.select %parallel_loop3A_606, %parallel_loop3A_607, %parallel_loop3A_598 : i32
      %parallel_loop3A_609 = arith.constant 16 : i32
      %parallel_loop3A_610 = arith.muli %parallel_loop3A_608, %parallel_loop3A_609 : i32
      %parallel_loop3A_611 = arith.constant 0 : i32
      %parallel_loop3A_612 = arith.constant 0 : i32
      %parallel_loop3A_613 = tpu.memref_slice %arg5[%parallel_loop3A_515, %parallel_loop3A_611, %parallel_loop3A_612] : memref<2x32x128xi32, #tpu.memory_space<vmem>> -> memref<1x32x128xi32, #tpu.memory_space<vmem>>
      %parallel_loop3A_614 = tpu.memref_squeeze %parallel_loop3A_613 : memref<1x32x128xi32, #tpu.memory_space<vmem>> -> memref<32x128xi32, #tpu.memory_space<vmem>>
      %parallel_loop3A_615 = arith.index_cast %parallel_loop3A_592 : i32 to index
      %parallel_loop3A_616 = arith.index_cast %parallel_loop3A_610 : i32 to index
      %parallel_loop3A_617 = tpu.vector_load %parallel_loop3A_614[%parallel_loop3A_615, %parallel_loop3A_616] {strides = array<i32>} : memref<32x128xi32, #tpu.memory_space<vmem>>, vector<16xi32>,
      %parallel_loop3A_618 = arith.constant 1024 : i32
      %parallel_loop3A_619 = arith.muli %parallel_loop3A_592, %parallel_loop3A_618 : i32
      %parallel_loop3A_620 = arith.constant 16 : i32
      %parallel_loop3A_621 = arith.muli %parallel_loop3A_608, %parallel_loop3A_620 : i32
      %parallel_loop3A_622 = arith.addi %parallel_loop3A_619, %parallel_loop3A_621 : i32
      %parallel_loop3A_623 = arith.constant 0 : i32
      %parallel_loop3A_624 = arith.addi %mul3A_36, %parallel_loop3A_623 : i32
      %parallel_loop3A_625 = vector.broadcast %parallel_loop3A_624 : i32 to vector<16xi32>
      %parallel_loop3A_626 = arith.addi %parallel_loop3A_617, %parallel_loop3A_625 : vector<16xi32>
      %parallel_loop3A_627 = tpu.vector_load_idx %arg7[%parallel_loop3A_626] : memref<32000xf32, #tpu.memory_space<vmem>>[vector<16xi32>], vector<16xf32>,
      %parallel_loop3A_628 = arith.constant 0 : i32
      %parallel_loop3A_629 = arith.addi %parallel_loop3A_622, %parallel_loop3A_628 : i32
      %parallel_loop3A_630 = arith.constant 0 : i32
      %parallel_loop3A_631 = tpu.memref_slice %arg6[%parallel_loop3A_516, %parallel_loop3A_630] : memref<2x32768xf32, #tpu.memory_space<vmem>> -> memref<1x32768xf32, #tpu.memory_space<vmem>>
      %parallel_loop3A_632 = tpu.memref_squeeze %parallel_loop3A_631 : memref<1x32768xf32, #tpu.memory_space<vmem>> -> memref<32768xf32, #tpu.memory_space<vmem>>
      %parallel_loop3A_633 = arith.index_cast %parallel_loop3A_629 : i32 to index
      %parallel_loop3A_634 = tpu.vector_load %parallel_loop3A_632[%parallel_loop3A_633] {strides = array<i32>} : memref<32768xf32, #tpu.memory_space<vmem>>, vector<16xf32>,
      tpu.vector_store %parallel_loop3A_632[%parallel_loop3A_633], %parallel_loop3A_627 {strides = array<i32>} : memref<32768xf32, #tpu.memory_space<vmem>>, vector<16xf32>,
      %parallel_loop3A_635 = arith.constant 1000 : i32
      %parallel_loop3A_636 = arith.addi %mul3A_36, %parallel_loop3A_635 : i32
      %parallel_loop3A_637 = vector.broadcast %parallel_loop3A_636 : i32 to vector<16xi32>
      %parallel_loop3A_638 = arith.addi %parallel_loop3A_617, %parallel_loop3A_637 : vector<16xi32>
      %parallel_loop3A_639 = tpu.vector_load_idx %arg7[%parallel_loop3A_638] : memref<32000xf32, #tpu.memory_space<vmem>>[vector<16xi32>], vector<16xf32>,
      %parallel_loop3A_640 = arith.constant 128 : i32
      %parallel_loop3A_641 = arith.addi %parallel_loop3A_622, %parallel_loop3A_640 : i32
      %parallel_loop3A_642 = arith.constant 0 : i32
      %parallel_loop3A_643 = tpu.memref_slice %arg6[%parallel_loop3A_516, %parallel_loop3A_642] : memref<2x32768xf32, #tpu.memory_space<vmem>> -> memref<1x32768xf32, #tpu.memory_space<vmem>>
      %parallel_loop3A_644 = tpu.memref_squeeze %parallel_loop3A_643 : memref<1x32768xf32, #tpu.memory_space<vmem>> -> memref<32768xf32, #tpu.memory_space<vmem>>
      %parallel_loop3A_645 = arith.index_cast %parallel_loop3A_641 : i32 to index
      %parallel_loop3A_646 = tpu.vector_load %parallel_loop3A_644[%parallel_loop3A_645] {strides = array<i32>} : memref<32768xf32, #tpu.memory_space<vmem>>, vector<16xf32>,
      tpu.vector_store %parallel_loop3A_644[%parallel_loop3A_645], %parallel_loop3A_639 {strides = array<i32>} : memref<32768xf32, #tpu.memory_space<vmem>>, vector<16xf32>,
      %parallel_loop3A_647 = arith.constant 2000 : i32
      %parallel_loop3A_648 = arith.addi %mul3A_36, %parallel_loop3A_647 : i32
      %parallel_loop3A_649 = vector.broadcast %parallel_loop3A_648 : i32 to vector<16xi32>
      %parallel_loop3A_650 = arith.addi %parallel_loop3A_617, %parallel_loop3A_649 : vector<16xi32>
      %parallel_loop3A_651 = tpu.vector_load_idx %arg7[%parallel_loop3A_650] : memref<32000xf32, #tpu.memory_space<vmem>>[vector<16xi32>], vector<16xf32>,
      %parallel_loop3A_652 = arith.constant 256 : i32
      %parallel_loop3A_653 = arith.addi %parallel_loop3A_622, %parallel_loop3A_652 : i32
      %parallel_loop3A_654 = arith.constant 0 : i32
      %parallel_loop3A_655 = tpu.memref_slice %arg6[%parallel_loop3A_516, %parallel_loop3A_654] : memref<2x32768xf32, #tpu.memory_space<vmem>> -> memref<1x32768xf32, #tpu.memory_space<vmem>>
      %parallel_loop3A_656 = tpu.memref_squeeze %parallel_loop3A_655 : memref<1x32768xf32, #tpu.memory_space<vmem>> -> memref<32768xf32, #tpu.memory_space<vmem>>
      %parallel_loop3A_657 = arith.index_cast %parallel_loop3A_653 : i32 to index
      %parallel_loop3A_658 = tpu.vector_load %parallel_loop3A_656[%parallel_loop3A_657] {strides = array<i32>} : memref<32768xf32, #tpu.memory_space<vmem>>, vector<16xf32>,
      tpu.vector_store %parallel_loop3A_656[%parallel_loop3A_657], %parallel_loop3A_651 {strides = array<i32>} : memref<32768xf32, #tpu.memory_space<vmem>>, vector<16xf32>,
      %parallel_loop3A_659 = arith.constant 3000 : i32
      %parallel_loop3A_660 = arith.addi %mul3A_36, %parallel_loop3A_659 : i32
      %parallel_loop3A_661 = vector.broadcast %parallel_loop3A_660 : i32 to vector<16xi32>
      %parallel_loop3A_662 = arith.addi %parallel_loop3A_617, %parallel_loop3A_661 : vector<16xi32>
      %parallel_loop3A_663 = tpu.vector_load_idx %arg7[%parallel_loop3A_662] : memref<32000xf32, #tpu.memory_space<vmem>>[vector<16xi32>], vector<16xf32>,
      %parallel_loop3A_664 = arith.constant 384 : i32
      %parallel_loop3A_665 = arith.addi %parallel_loop3A_622, %parallel_loop3A_664 : i32
      %parallel_loop3A_666 = arith.constant 0 : i32
      %parallel_loop3A_667 = tpu.memref_slice %arg6[%parallel_loop3A_516, %parallel_loop3A_666] : memref<2x32768xf32, #tpu.memory_space<vmem>> -> memref<1x32768xf32, #tpu.memory_space<vmem>>
      %parallel_loop3A_668 = tpu.memref_squeeze %parallel_loop3A_667 : memref<1x32768xf32, #tpu.memory_space<vmem>> -> memref<32768xf32, #tpu.memory_space<vmem>>
      %parallel_loop3A_669 = arith.index_cast %parallel_loop3A_665 : i32 to index
      %parallel_loop3A_670 = tpu.vector_load %parallel_loop3A_668[%parallel_loop3A_669] {strides = array<i32>} : memref<32768xf32, #tpu.memory_space<vmem>>, vector<16xf32>,
      tpu.vector_store %parallel_loop3A_668[%parallel_loop3A_669], %parallel_loop3A_663 {strides = array<i32>} : memref<32768xf32, #tpu.memory_space<vmem>>, vector<16xf32>,
      %parallel_loop3A_671 = arith.constant 4000 : i32
      %parallel_loop3A_672 = arith.addi %mul3A_36, %parallel_loop3A_671 : i32
      %parallel_loop3A_673 = vector.broadcast %parallel_loop3A_672 : i32 to vector<16xi32>
      %parallel_loop3A_674 = arith.addi %parallel_loop3A_617, %parallel_loop3A_673 : vector<16xi32>
      %parallel_loop3A_675 = tpu.vector_load_idx %arg7[%parallel_loop3A_674] : memref<32000xf32, #tpu.memory_space<vmem>>[vector<16xi32>], vector<16xf32>,
      %parallel_loop3A_676 = arith.constant 512 : i32
      %parallel_loop3A_677 = arith.addi %parallel_loop3A_622, %parallel_loop3A_676 : i32
      %parallel_loop3A_678 = arith.constant 0 : i32
      %parallel_loop3A_679 = tpu.memref_slice %arg6[%parallel_loop3A_516, %parallel_loop3A_678] : memref<2x32768xf32, #tpu.memory_space<vmem>> -> memref<1x32768xf32, #tpu.memory_space<vmem>>
      %parallel_loop3A_680 = tpu.memref_squeeze %parallel_loop3A_679 : memref<1x32768xf32, #tpu.memory_space<vmem>> -> memref<32768xf32, #tpu.memory_space<vmem>>
      %parallel_loop3A_681 = arith.index_cast %parallel_loop3A_677 : i32 to index
      %parallel_loop3A_682 = tpu.vector_load %parallel_loop3A_680[%parallel_loop3A_681] {strides = array<i32>} : memref<32768xf32, #tpu.memory_space<vmem>>, vector<16xf32>,
      tpu.vector_store %parallel_loop3A_680[%parallel_loop3A_681], %parallel_loop3A_675 {strides = array<i32>} : memref<32768xf32, #tpu.memory_space<vmem>>, vector<16xf32>,
      %parallel_loop3A_683 = arith.constant 5000 : i32
      %parallel_loop3A_684 = arith.addi %mul3A_36, %parallel_loop3A_683 : i32
      %parallel_loop3A_685 = vector.broadcast %parallel_loop3A_684 : i32 to vector<16xi32>
      %parallel_loop3A_686 = arith.addi %parallel_loop3A_617, %parallel_loop3A_685 : vector<16xi32>
      %parallel_loop3A_687 = tpu.vector_load_idx %arg7[%parallel_loop3A_686] : memref<32000xf32, #tpu.memory_space<vmem>>[vector<16xi32>], vector<16xf32>,
      %parallel_loop3A_688 = arith.constant 640 : i32
      %parallel_loop3A_689 = arith.addi %parallel_loop3A_622, %parallel_loop3A_688 : i32
      %parallel_loop3A_690 = arith.constant 0 : i32
      %parallel_loop3A_691 = tpu.memref_slice %arg6[%parallel_loop3A_516, %parallel_loop3A_690] : memref<2x32768xf32, #tpu.memory_space<vmem>> -> memref<1x32768xf32, #tpu.memory_space<vmem>>
      %parallel_loop3A_692 = tpu.memref_squeeze %parallel_loop3A_691 : memref<1x32768xf32, #tpu.memory_space<vmem>> -> memref<32768xf32, #tpu.memory_space<vmem>>
      %parallel_loop3A_693 = arith.index_cast %parallel_loop3A_689 : i32 to index
      %parallel_loop3A_694 = tpu.vector_load %parallel_loop3A_692[%parallel_loop3A_693] {strides = array<i32>} : memref<32768xf32, #tpu.memory_space<vmem>>, vector<16xf32>,
      tpu.vector_store %parallel_loop3A_692[%parallel_loop3A_693], %parallel_loop3A_687 {strides = array<i32>} : memref<32768xf32, #tpu.memory_space<vmem>>, vector<16xf32>,
      %parallel_loop3A_695 = arith.constant 6000 : i32
      %parallel_loop3A_696 = arith.addi %mul3A_36, %parallel_loop3A_695 : i32
      %parallel_loop3A_697 = vector.broadcast %parallel_loop3A_696 : i32 to vector<16xi32>
      %parallel_loop3A_698 = arith.addi %parallel_loop3A_617, %parallel_loop3A_697 : vector<16xi32>
      %parallel_loop3A_699 = tpu.vector_load_idx %arg7[%parallel_loop3A_698] : memref<32000xf32, #tpu.memory_space<vmem>>[vector<16xi32>], vector<16xf32>,
      %parallel_loop3A_700 = arith.constant 768 : i32
      %parallel_loop3A_701 = arith.addi %parallel_loop3A_622, %parallel_loop3A_700 : i32
      %parallel_loop3A_702 = arith.constant 0 : i32
      %parallel_loop3A_703 = tpu.memref_slice %arg6[%parallel_loop3A_516, %parallel_loop3A_702] : memref<2x32768xf32, #tpu.memory_space<vmem>> -> memref<1x32768xf32, #tpu.memory_space<vmem>>
      %parallel_loop3A_704 = tpu.memref_squeeze %parallel_loop3A_703 : memref<1x32768xf32, #tpu.memory_space<vmem>> -> memref<32768xf32, #tpu.memory_space<vmem>>
      %parallel_loop3A_705 = arith.index_cast %parallel_loop3A_701 : i32 to index
      %parallel_loop3A_706 = tpu.vector_load %parallel_loop3A_704[%parallel_loop3A_705] {strides = array<i32>} : memref<32768xf32, #tpu.memory_space<vmem>>, vector<16xf32>,
      tpu.vector_store %parallel_loop3A_704[%parallel_loop3A_705], %parallel_loop3A_699 {strides = array<i32>} : memref<32768xf32, #tpu.memory_space<vmem>>, vector<16xf32>,
      %parallel_loop3A_707 = arith.constant 7000 : i32
      %parallel_loop3A_708 = arith.addi %mul3A_36, %parallel_loop3A_707 : i32
      %parallel_loop3A_709 = vector.broadcast %parallel_loop3A_708 : i32 to vector<16xi32>
      %parallel_loop3A_710 = arith.addi %parallel_loop3A_617, %parallel_loop3A_709 : vector<16xi32>
      %parallel_loop3A_711 = tpu.vector_load_idx %arg7[%parallel_loop3A_710] : memref<32000xf32, #tpu.memory_space<vmem>>[vector<16xi32>], vector<16xf32>,
      %parallel_loop3A_712 = arith.constant 896 : i32
      %parallel_loop3A_713 = arith.addi %parallel_loop3A_622, %parallel_loop3A_712 : i32
      %parallel_loop3A_714 = arith.constant 0 : i32
      %parallel_loop3A_715 = tpu.memref_slice %arg6[%parallel_loop3A_516, %parallel_loop3A_714] : memref<2x32768xf32, #tpu.memory_space<vmem>> -> memref<1x32768xf32, #tpu.memory_space<vmem>>
      %parallel_loop3A_716 = tpu.memref_squeeze %parallel_loop3A_715 : memref<1x32768xf32, #tpu.memory_space<vmem>> -> memref<32768xf32, #tpu.memory_space<vmem>>
      %parallel_loop3A_717 = arith.index_cast %parallel_loop3A_713 : i32 to index
      %parallel_loop3A_718 = tpu.vector_load %parallel_loop3A_716[%parallel_loop3A_717] {strides = array<i32>} : memref<32768xf32, #tpu.memory_space<vmem>>, vector<16xf32>,
      tpu.vector_store %parallel_loop3A_716[%parallel_loop3A_717], %parallel_loop3A_711 {strides = array<i32>} : memref<32768xf32, #tpu.memory_space<vmem>>, vector<16xf32>,
    } {sc.loop_unroll_factor = 1 : i64, sc.parallel_access}
    %add3A_517 = arith.constant 24 : i32
    %add3A_518 = arith.addi %mul3A_32, %add3A_517 : i32
    %mul3A_519 = arith.constant 131072 : i32
    %mul3A_520 = arith.muli %add3A_518, %mul3A_519 : i32
    %mul3A_521 = arith.constant 32768 : i32
    %mul3A_522 = arith.muli %select_n3A, %mul3A_521 : i32
    %add3A_523 = arith.addi %mul3A_520, %mul3A_522 : i32
    %multiple_of3A_524 = tpu.assume_multiple %add3A_523, 8 : i32
    %dma_start3A_525 = arith.constant 0 : i32
    %dma_start3A_526 = arith.constant 0 : i32
    %dma_start3A_527 = tpu.memref_slice %arg6[%dma_start3A_525, %dma_start3A_526] : memref<2x32768xf32, #tpu.memory_space<vmem>> -> memref<1x32768xf32, #tpu.memory_space<vmem>>
    %dma_start3A_528 = tpu.memref_squeeze %dma_start3A_527 : memref<1x32768xf32, #tpu.memory_space<vmem>> -> memref<32768xf32, #tpu.memory_space<vmem>>
    %dma_start3A_529 = tpu.memref_slice %arg4[%multiple_of3A_524] : memref<26214400xf32, #tpu.memory_space<hbm>> -> memref<32768xf32, #tpu.memory_space<hbm>>
    %dma_start3A_530 = tpu.memref_slice %arg4[%multiple_of3A_524] : memref<26214400xf32, #tpu.memory_space<hbm>> -> memref<32768xf32, #tpu.memory_space<hbm>>
    %dma_start3A_531 = arith.constant 0 : i32
    %dma_start3A_532 = tpu.memref_slice %arg6[%dma_start3A_525, %dma_start3A_531] : memref<2x32768xf32, #tpu.memory_space<vmem>> -> memref<1x32768xf32, #tpu.memory_space<vmem>>
    %dma_start3A_533 = tpu.memref_squeeze %dma_start3A_532 : memref<1x32768xf32, #tpu.memory_space<vmem>> -> memref<32768xf32, #tpu.memory_space<vmem>>
    tpu.enqueue_dma source(%dma_start3A_533 : memref<32768xf32, #tpu.memory_space<vmem>>) target(%dma_start3A_530 : memref<32768xf32, #tpu.memory_space<hbm>>) target_semaphore(%arg10 : memref<!tpu.dma_semaphore, #tpu.memory_space<semaphore_mem>>)
    %add3A_534 = arith.constant 23 : i32
    %add3A_535 = arith.addi %mul3A_32, %add3A_534 : i32
    %mul3A_536 = arith.constant 131072 : i32
    %mul3A_537 = arith.muli %add3A_535, %mul3A_536 : i32
    %mul3A_538 = arith.constant 32768 : i32
    %mul3A_539 = arith.muli %select_n3A, %mul3A_538 : i32
    %add3A_540 = arith.addi %mul3A_537, %mul3A_539 : i32
    %multiple_of3A_541 = tpu.assume_multiple %add3A_540, 8 : i32
    %dma_wait3A_542 = arith.constant 1 : i32
    %dma_wait3A_543 = arith.constant 0 : i32
    %dma_wait3A_544 = tpu.memref_slice %arg6[%dma_wait3A_542, %dma_wait3A_543] : memref<2x32768xf32, #tpu.memory_space<vmem>> -> memref<1x32768xf32, #tpu.memory_space<vmem>>
    %dma_wait3A_545 = tpu.memref_squeeze %dma_wait3A_544 : memref<1x32768xf32, #tpu.memory_space<vmem>> -> memref<32768xf32, #tpu.memory_space<vmem>>
    %dma_wait3A_546 = tpu.memref_slice %arg4[%multiple_of3A_541] : memref<26214400xf32, #tpu.memory_space<hbm>> -> memref<32768xf32, #tpu.memory_space<hbm>>
    %dma_wait3A_547 = tpu.memref_slice %arg4[%multiple_of3A_541] : memref<26214400xf32, #tpu.memory_space<hbm>> -> memref<32768xf32, #tpu.memory_space<hbm>>
    %dma_wait3A_548 = arith.constant 0 : i32
    %dma_wait3A_549 = tpu.memref_slice %arg6[%dma_wait3A_542, %dma_wait3A_548] : memref<2x32768xf32, #tpu.memory_space<vmem>> -> memref<1x32768xf32, #tpu.memory_space<vmem>>
    %dma_wait3A_550 = tpu.memref_squeeze %dma_wait3A_549 : memref<1x32768xf32, #tpu.memory_space<vmem>> -> memref<32768xf32, #tpu.memory_space<vmem>>
    tpu.wait_dma2 semaphore(%arg11 : memref<!tpu.dma_semaphore, #tpu.memory_space<semaphore_mem>>) src(%dma_wait3A_550 : memref<32768xf32, #tpu.memory_space<vmem>>) dst(%dma_wait3A_547 : memref<32768xf32, #tpu.memory_space<hbm>>)
    %add3A_551 = arith.constant 24 : i32
    %add3A_552 = arith.addi %mul3A_32, %add3A_551 : i32
    %mul3A_553 = arith.constant 131072 : i32
    %mul3A_554 = arith.muli %add3A_552, %mul3A_553 : i32
    %mul3A_555 = arith.constant 32768 : i32
    %mul3A_556 = arith.muli %select_n3A, %mul3A_555 : i32
    %add3A_557 = arith.addi %mul3A_554, %mul3A_556 : i32
    %multiple_of3A_558 = tpu.assume_multiple %add3A_557, 8 : i32
    %dma_wait3A_559 = arith.constant 0 : i32
    %dma_wait3A_560 = arith.constant 0 : i32
    %dma_wait3A_561 = tpu.memref_slice %arg6[%dma_wait3A_559, %dma_wait3A_560] : memref<2x32768xf32, #tpu.memory_space<vmem>> -> memref<1x32768xf32, #tpu.memory_space<vmem>>
    %dma_wait3A_562 = tpu.memref_squeeze %dma_wait3A_561 : memref<1x32768xf32, #tpu.memory_space<vmem>> -> memref<32768xf32, #tpu.memory_space<vmem>>
    %dma_wait3A_563 = tpu.memref_slice %arg4[%multiple_of3A_558] : memref<26214400xf32, #tpu.memory_space<hbm>> -> memref<32768xf32, #tpu.memory_space<hbm>>
    %dma_wait3A_564 = tpu.memref_slice %arg4[%multiple_of3A_558] : memref<26214400xf32, #tpu.memory_space<hbm>> -> memref<32768xf32, #tpu.memory_space<hbm>>
    %dma_wait3A_565 = arith.constant 0 : i32
    %dma_wait3A_566 = tpu.memref_slice %arg6[%dma_wait3A_559, %dma_wait3A_565] : memref<2x32768xf32, #tpu.memory_space<vmem>> -> memref<1x32768xf32, #tpu.memory_space<vmem>>
    %dma_wait3A_567 = tpu.memref_squeeze %dma_wait3A_566 : memref<1x32768xf32, #tpu.memory_space<vmem>> -> memref<32768xf32, #tpu.memory_space<vmem>>
    tpu.wait_dma2 semaphore(%arg10 : memref<!tpu.dma_semaphore, #tpu.memory_space<semaphore_mem>>) src(%dma_wait3A_567 : memref<32768xf32, #tpu.memory_space<vmem>>) dst(%dma_wait3A_564 : memref<32768xf32, #tpu.memory_space<hbm>>)
    return
  }
}

</mosaic_0001>

<sc_bundles>
// kernel: kernel.3.cloned.1.call-start
scs
__scs_entry_jumppad:
0x0: {  	(pc) =	sbr.rel $0x88, $3  }
0x1: {  	(tag) =	ssettag $0x0;
	lr =	simm.s32 $0x1  }
0x2: {  	[smem:$0x3F9F] =	sst lr;
	_ =	strace $0xD0000000  }
0x3: {  	_ = 	snop  }
0x4: {  	_ = 	snop  }
0x5: {  	_ = 	snop  }
0x6: {  	_ = 	snop  }
0x7: {  	_ = 	snop  }
__scs_overlays_trampoline_lowered:
0x8: {  	[smem:$0x3FAE] =	sst s0  }
0x9: {  	[smem:$0x3FAF] =	sst s1  }
0xa: {  	[smem:$0x3FB0] =	sst s2  }
0xb: {  	[smem:$0x3FB1] =	sst s3  }
0xc: {  	[smem:$0x3FB2] =	sst s4  }
0xd: {  	[smem:$0x3FB3] =	sst s5  }
0xe: {  	[smem:$0x3FB4] =	sst s6  }
0xf: {  	[smem:$0x3FB5] =	sst s7  }
0x10: {  	[smem:$0x3FB6] =	sst s8  }
0x11: {  	[smem:$0x3FB7] =	sst s9;
	s0 =	simm.s32 @!p0 $0x0  }
0x12: {  	s1 =	sld [smem:$0x3F9D];
	s0 =	simm.s32 @p0 $0x1  }
0x13: {  	[smem:$0x3FB8] =	sst s0;
	s0 =	simm.s32 @!p1 $0x0  }
0x14: {  	s2 =	sld [smem:$0x3F9C];
	s0 =	simm.s32 @p1 $0x1  }
0x15: {  	[smem:$0x3FB9] =	sst s0;
	s0 =	simm.s32 @!p2 $0x0  }
0x16: {  	s3 =	sld [smem:$0x3FDB];
	s0 =	simm.s32 @p2 $0x1  }
0x17: {  	s4 =	simm.s32 $0x1BF5;
	[smem:$0x3FBB] =	sst s0  }
0x18: {  	s0 =	sld [smem:$0x3F9E];
	_ =	swait.ge [sflag:s4], $0x0  }
0x19: {  	s7 =	sld [smem:$0x3F9F]  }
0x1a: {  	s8 =	sadd.s32 $0xFFFFE003, lr  }
0x1b: {  	s9 =	sadd.s32 $0xFFFFFEF7, lr;
	s5 =	simm.s32 $0xFFFFFFFF;
	p2 =	slt.u32 s8, $0xFFFFF086  }
0x1c: {  	p1 =	slt.u32 s9, $0xF7A;
	s5 =	simm.s32 @!p2 $0x0  }
0x1d: {  	s5 =	simm.s32 @p1 $0x1;
	p0 =	seq.s32 s7, s2  }
0x1e: {  	s7 =	smul.u32 @!p0 $0xF7A, s2;
	p2 =	seq.s32 @!p0 s5, $0x0  }
0x1f: {  	s9 =	smul.u32 $0xF7A, s1;
	s8 =	simm.s32 @!p0 $0x1BF5;
	p2 =	por !p2, p0  }
0x20: {  	[sflag:s8] =	ssyncset.s32 @!p0 $0xFFFFF086;
	s6 =	sadd.s32 @!p0 s3, s7;
	s7 =	simm.s32 @!p0 $0x108  }
0x21: {  	s3 =	sadd.s32 s3, s9;
	s6 =	sadd.s32 @!p0 $0x88, s6;
	s7 =	simm.s32 @p2 $0x1082  }
0x22: {  	[simem:s7], [sflag:s8] =	dma.local @!p0 [hbm:s6], $0xF7A  }
0x23: {  	s9 =	sor.u32 $0xD0000000, s2;
	s6 =	simm.s32 $0x108;
	_ =	swait.ge @!p0 [sflag:s8], $0x0  }
0x24: {  	s3 =	sadd.s32 $0x88, s3;
	s6 =	simm.s32 @!p1 $0x1082;
	[sflag:s4] =	ssyncset.s32 $0xFFFFF086  }
0x25: {  	[simem:s6], [sflag:s4] =	dma.local [hbm:s3], $0xF7A  }
0x26: {  	[smem:$0x3F9F] =	sst s1;
	(tag) =	ssettag s2;
	_ =	strace s9  }
0x27: {  	s1 =	sld [smem:$0x3FAF]  }
0x28: {  	s2 =	sld [smem:$0x3FB0]  }
0x29: {  	s4 =	sld [smem:$0x3FB2]  }
0x2a: {  	p0 =	seq.s32 s5, $0x0;
	s5 =	sld [smem:$0x3FB3]  }
0x2b: {  	s6 =	sld [smem:$0x3FB4]  }
0x2c: {  	s7 =	sld [smem:$0x3FB5]  }
0x2d: {  	s3 =	simm.s32 $0x108;
	s8 =	sld [smem:$0x3FB6]  }
0x2e: {  	s3 =	simm.s32 @!p0 $0x1082;
	s9 =	sld [smem:$0x3FB7]  }
0x2f: {  	lr =	sadd.s32 s0, s3;
	s0 =	sld [smem:$0x3FAE]  }
0x30: {  	s3 =	sld [smem:$0x3FB1]  }
0x31: {  	[smem:$0x3FBA] =	sst s10  }
0x32: {  	s10 =	sld [smem:$0x3FB8];
	_ =	sdelay $0x3  }
0x33: {  	p0 =	seq.s32 s10, $0x1;
	s10 =	sld [smem:$0x3FBA];
	_ =	sdelay $0x3  }
0x34: {  	[smem:$0x3FBA] =	sst s10  }
0x35: {  	s10 =	sld [smem:$0x3FB9];
	_ =	sdelay $0x3  }
0x36: {  	p1 =	seq.s32 s10, $0x1;
	s10 =	sld [smem:$0x3FBA];
	_ =	sdelay $0x3  }
0x37: {  	[smem:$0x3FBA] =	sst s10  }
0x38: {  	s10 =	sld [smem:$0x3FBB]  }
0x39: {  	_ = 	snop;
	(pc) =	sbr.ind lr, $3  }
0x3a: {  	_ = 	snop  }
0x3b: {  	_ = 	snop  }
0x3c: {  	p2 =	seq.s32 s10, $0x1;
	s10 =	sld [smem:$0x3FBA]  }
0x3d: {  	_ =	shalt  }
0x3e: {  	_ =	shalt  }
0x3f: {  	_ =	shalt  }
0x40: {  	_ =	shalt  }
0x41: {  	_ =	shalt  }
0x42: {  	_ =	shalt  }
0x43: {  	_ =	shalt  }
0x44: {  	_ =	shalt  }
0x45: {  	_ =	shalt  }
0x46: {  	_ =	shalt  }
0x47: {  	_ =	shalt  }
0x48: {  	_ =	shalt  }
0x49: {  	_ =	shalt  }
0x4a: {  	_ =	shalt  }
0x4b: {  	_ =	shalt  }
0x4c: {  	_ =	shalt  }
0x4d: {  	_ =	shalt  }
0x4e: {  	_ =	shalt  }
0x4f: {  	_ =	shalt  }
0x50: {  	_ =	shalt  }
0x51: {  	_ =	shalt  }
0x52: {  	_ =	shalt  }
0x53: {  	_ =	shalt  }
0x54: {  	_ =	shalt  }
0x55: {  	_ =	shalt  }
0x56: {  	_ =	shalt  }
0x57: {  	_ =	shalt  }
0x58: {  	_ =	shalt  }
0x59: {  	_ =	shalt  }
0x5a: {  	_ =	shalt  }
0x5b: {  	_ =	shalt  }
0x5c: {  	_ =	shalt  }
0x5d: {  	_ =	shalt  }
0x5e: {  	_ =	shalt  }
0x5f: {  	_ =	shalt  }
0x60: {  	_ =	shalt  }
0x61: {  	_ =	shalt  }
0x62: {  	_ =	shalt  }
0x63: {  	_ =	shalt  }
0x64: {  	_ =	shalt  }
0x65: {  	_ =	shalt  }
0x66: {  	_ =	shalt  }
0x67: {  	_ =	shalt  }
0x68: {  	_ =	shalt  }
0x69: {  	_ =	shalt  }
0x6a: {  	_ =	shalt  }
0x6b: {  	_ =	shalt  }
0x6c: {  	_ =	shalt  }
0x6d: {  	_ =	shalt  }
0x6e: {  	_ =	shalt  }
0x6f: {  	_ =	shalt  }
0x70: {  	_ =	shalt  }
0x71: {  	_ =	shalt  }
0x72: {  	_ =	shalt  }
0x73: {  	_ =	shalt  }
0x74: {  	_ =	shalt  }
0x75: {  	_ =	shalt  }
0x76: {  	_ =	shalt  }
0x77: {  	_ =	shalt  }
0x78: {  	_ =	shalt  }
0x79: {  	_ =	shalt  }
0x7a: {  	_ =	shalt  }
0x7b: {  	_ =	shalt  }
0x7c: {  	_ =	shalt  }
0x7d: {  	_ =	shalt  }
0x7e: {  	_ =	shalt  }
0x7f: {  	_ =	shalt  }
0x80: {  	_ =	shalt  }
0x81: {  	_ =	shalt  }
0x82: {  	_ =	shalt  }
0x83: {  	_ =	shalt  }
0x84: {  	_ =	shalt  }
0x85: {  	_ =	shalt  }
0x86: {  	_ =	shalt  }
0x87: {  	_ =	shalt  }
.Lfunc_end0:
.L_simem_size_0:
called_computation_lowered:
.L_overlay_start_0:
0x88: {  	s2 =	sld [smem:$0x3FD9]  }
0x89: {  	s3 =	sld [smem:$0x3FFE];
	_ =	sdelay $0x1  }
0x8a: {  	s1 =	srdreg.scid  }
0x8b: {  	s0 =	sand.u32 $0x1, s1  }
0x8c: {  	s17 =	sshll.u32 s0, $0xA;
	s2 =	sadd.s32 s3, s2  }
0x8d: {  	s2 =	sadd.s32 s2, s17  }
0x8e: {  	[smem:$0x3FC6] =	sst s2  }
0x8f: {  	_ = 	snop  }
0x90: {  	s2 =	sld [smem:$0x3FC9]  }
0x91: {  	s18 =	sld [smem:$0x3FD0];
	(tm) =	ssettm $0x1  }
0x92: {  	s4 =	sld [smem:$0x3FFB];
	_ =	sdelay $0x3  }
0x93: {  	_ =	strace s4  }
0x94: {  	s4 =	sld [smem:$0x3FFC];
	_ =	sdelay $0x3  }
0x95: {  	_ =	strace s4  }
0x96: {  	s4 =	sld [smem:$0x3FFD];
	_ =	sdelay $0x3  }
0x97: {  	_ =	strace s4  }
0x98: {  	_ =	strace $0x8FFFFFFF  }
0x99: {  	s19 =	sld [smem:$0x3FDB];
	_ =	sdelay $0x1  }
0x9a: {  	s5 =	simm.s32 $_scs_section_size  }
0x9b: {  	s6 =	simm.s32 $_size__tile_overlayer_lowered;
	s7 =	simm.s32 $_tile_overlayer_lowered  }
0x9c: {  	s22 =	simm.s32 $0x1BFF;
	s21 =	sshll.u32 s7, $0x1;
	s4 =	sadd.s32 s5, s19  }
0x9d: {  	s8 =	simm.s32 $0x0;
	s20 =	sshll.u32 s6, $0x1;
	s6 =	sadd.s32 s21, s4  }
0x9e: {  	[timem:s8], [sflag:s22] =	dma.local [hbm:s6], s20  }
0x9f: {  	_ =	swait.ge [sflag:s22], s20  }
0xa0: {  	s5 =	ssub.s32 $0x0, s20;
	[sflag:s22] =	ssyncset.done $0x0  }
0xa1: {  	[sflag:s22] =	ssyncadd.s32 s5;
	_ =	sdelay $0x1  }
0xa2: {  	s23 =	simm.s32 $0x1B8B  }
0xa3: {  	_ =	swait.ge [sflag:s23], $0x1  }
0xa4: {  	[sflag:s23] =	ssyncset.done $0x0  }
0xa5: {  	s25 =	simm.s32 $0x1B8E;
	s24 =	sld [smem:$0x3FFE];
	[sflag:s23] =	ssyncadd.s32 $0xFFFFFFFF  }
0xa6: {  	s26 =	simm.s32 $execute0_lowered;
	[smem:$0x3FD2] =	sst s25  }
0xa7: {  	s6 =	sshll.u32 s26, $0x1;
	_ =	strace $0x80000046;
	[dreg:$0x1] =	wrdreg $0xFFFFFFFF  }
0xa8: {  	s28 =	simm.s32 $_size_execute0_lowered;
	s4 =	sadd.s32 s4, s6;
	[dreg:$0x0] =	wrdreg $0x0  }
0xa9: {  	s6 =	sshll.u32 s28, $0x1;
	[dreg:$0x2] =	wrdreg s4  }
0xaa: {  	[dreg:$0x3] =	wrdreg s6  }
0xab: {  	[dreg:$0x4] =	wrdreg $0xC0  }
0xac: {  	_ =	task [dreg:s8], $0x5FFFF  }
0xad: {  	[dreg:$0x1] =	wrdreg $0xFFFFFFFF  }
0xae: {  	[dreg:$0x0] =	wrdreg $0x60  }
0xaf: {  	[dreg:$0x2] =	wrdreg s24  }
0xb0: {  	[dreg:$0x3] =	wrdreg s2  }
0xb1: {  	[dreg:$0x4] =	wrdreg s18  }
0xb2: {  	[dreg:$0x5] =	wrdreg $0x9  }
0xb3: {  	_ =	task.clear_ibuf [dreg:s8], $0x6FFFF;
	_ =	strace $0x90000046  }
0xb4: {  	s29 =	simm.s32 $0x9;
	_ =	strace $0x80000048  }
0xb5: {  	_ =	swait.ge [sflag:s29], $0x1  }
0xb6: {  	[sflag:s29] =	ssyncadd.s32 $0xFFFFFFFF  }
0xb7: {  	_ =	strace $0x90000048  }
0xb8: {  	_ =	sfence  }
0xb9: {  	s30 =	sld [smem:$0x0];
	_ =	sdelay $0x2  }
0xba: {  	s31 =	sshll.u32 s1, $0xD;
	s1 =	sshrl.u32 s1, $0x2  }
0xbb: {  	s3 =	sand.u32 $0x4000, s31;
	s1 =	sadd.s32 s1, s30  }
0xbc: {  	s0 =	sor.u32 s3, s0;
	s1 =	sshll.u32 s1, $0x11  }
0xbd: {  	s0 =	sor.u32 s1, s0  }
0xbe: {  	s0 =	sadd.s32 $0x8F2B, s0  }
0xbf: {  	[sflag:s0] =	ssyncadd.remote.s32 $0x1  }
0xc0: {  	_ =	sfence.sel $0xFFFF  }
0xc1: {  	[dreg:$0x0] =	wrdreg $0xFFFFFFFF;
	(pc) =	sbr.abs _section_cstart, $3  }
0xc2: {  	[dreg:$0x1] =	wrdreg $0xFFFFFFFF  }
0xc3: {  	_ =	task.clear_ibuf [dreg:s8], $0x2FFFF;
	_ =	strace $0x9FFFFFFF  }
0xc4: {  	(tm) =	ssettm $0x7FFFFFFF  }
0xc5: {  	_ =	shalt  }
tec
execute0_lowered:
.L_overlay_start_1:
0x0: {  	(tag) =	ssettag $0x1  }
0x1: {  	s0 =	rddreg [dreg:$0x0]  }
0x2: {  	s2 =	rddreg [dreg:$0x1]  }
0x3: {  	s3 =	rddreg [dreg:$0x2];
	s4 =	stileid.u32  }
0x4: {  	s1 =	srdreg.scid;
	s25 =	simm.s32 $0x0;
	s29 =	simm.s32 $0x3  }
0x5: {  	s5 =	sshll.u32 s4, $0x1;
	s1 =	sand.u32 $0x1, s1;
	[smem:$0x7FF] =	sst s25  }
0x6: {  	s0 =	sadd.s32 $0x400, s0;
	s6 =	sshrl.u32 s4, $0x2;
	s5 =	sand.u32 $0x6, s5  }
0x7: {  	_ =	strace $0x80000047;
	s10 =	smul.u32 $0x1F40, s6;
	s5 =	sor.u32 s1, s5  }
0x8: {  	[dreg:$0x4] =	wrdreg s0;
	s1 =	ssub.s32 $0x2, s1;
	s0 =	smul.u32 $0x19, s5  }
0x9: {  	s30 =	simm.s32 $0x4;
	s7 =	smul.u32 $0x19000, s5;
	s8 =	sshrl.u32 s1, $0x1  }
0xa: {  	s9 =	sshll.u32 s5, $0x7;
	s13 =	sadd.s32 $0x7D0, s10;
	s5 =	smul.u32 $0x320000, s5  }
0xb: {  	s14 =	sadd.s32 $0xBB8, s10;
	s17 =	sadd.s32 $0xFA0, s10;
	s18 =	sadd.s32 $0x1770, s10  }
0xc: {  	s1 =	ssub.s32 s1, s8;
	s8 =	sshll.u32 s6, $0xF;
	s6 =	sadd.s32 $0x1388, s10  }
0xd: {  	s12 =	sadd.s32 $0x1, s0;
	s7 =	sand.u32 $0xF8000, s7;
	s5 =	sor.u32 s8, s5  }
0xe: {  	s11 =	sshll.u32 s12, $0x4;
	s7 =	sor.u32 s9, s7;
	s26 =	sshll.u32 s12, $0x9  }
0xf: {  	s4 =	sshrl.u32 s5, $0x3;
	s12 =	sshll.u32 s12, $0x11;
	s5 =	sadd.s32 $0x300000, s5  }
0x10: {  	s11 =	sand.u32 $0x70, s11;
	s7 =	sshrl.u32 s7, $0x3;
	s9 =	sand.u32 $0x3F000, s26  }
0x11: {  	s16 =	sadd.s32 s3, s4;
	s12 =	sor.u32 s8, s12;
	s26 =	sshrl.u32 s5, $0x3  }
0x12: {  	s11 =	sadd.s32 s2, s11;
	s28 =	sadd.s32 s2, s7;
	[dreg:$0x7] =	wrdreg s16  }
0x13: {  	s7 =	sadd.s32 $0x3E8, s10;
	s12 =	sshrl.u32 s12, $0x3;
	[dreg:$0x5] =	wrdreg s28  }
0x14: {  	s31 =	sadd.s32 s9, s11;
	s9 =	sadd.s32 $0x2, s0;
	s11 =	sadd.s32 $0x3, s0  }
0x15: {  	s23 =	sadd.s32 s3, s12;
	s28 =	smax.u32 s1, $0x1;
	s1 =	simm.s32 $0x0  }
0x16: {  	[dreg:$0x6] =	wrdreg s31;
	s15 =	sshll.u32 s9, $0x4;
	s19 =	sshll.u32 s9, $0x9  }
0x17: {  	s21 =	sshll.u32 s11, $0x4;
	s22 =	sshll.u32 s11, $0x9;
	[dreg:$0x9] =	wrdreg s23  }
0x18: {  	[dreg:$0xc] =	wrdreg s28;
	s31 =	sadd.s32 $0x1B58, s10;
	s15 =	sand.u32 $0x70, s15  }
0x19: {  	s16 =	sand.u32 $0x3F000, s19;
	s19 =	simm.s32 $0x12000;
	s15 =	sadd.s32 s2, s15  }
0x1a: {  	s20 =	sadd.s32 s16, s15;
	s15 =	sand.u32 $0x70, s21;
	s16 =	sand.u32 $0x3F000, s22  }
0x1b: {  	s21 =	simm.s32 $0x400;
	[dreg:$0x8] =	wrdreg s20;
	s15 =	sadd.s32 s2, s15  }
0x1c: {  	v0 =	vmov s10;
	v2 =	vmov s13;
	s20 =	simm.s32 $0x80;
	s24 =	sadd.s32 s16, s15;
	s15 =	sadd.s32 $0x4, s0  }
0x1d: {  	v3 =	vmov s14;
	v4 =	vmov s17;
	v6 =	vmov s18;
	s16 =	sadd.s32 $0x5, s0;
	s0 =	sadd.s32 s3, s26;
	[dreg:$0xa] =	wrdreg s24  }
0x1e: {  	v5 =	vmov s6;
	v1 =	vmov s7;
	v7 =	vmov s31;
	s26 =	simm.s32 $0x2;
	[dreg:$0xb] =	wrdreg s0;
	s24 =	simm.s32 $0x1  }
.LBB2_1:
0x1f: {  	[dreg:$0xd] =	wrdreg s1  }
0x20: {  	s0 =	rddreg [dreg:$0x4]  }
0x21: {  	[tilespmem:s19], [sflag:$0x5] =	stream.linear.gather [hbm4b:s0+s25], $0x7D00, $0x38;
	[tilespmem:$0x19D00] =	vst v63  }
0x22: {  	s22 =	rddreg [dreg:$0x5]  }
0x23: {  	[tilespmem:s25], [sflag:$0x1] =	stream.strided.gather [hbm4b:s22+s20], $0x1000, s21, s20, $0x38;
	[tilespmem:$0x19D00] =	vst v63  }
0x24: {  	s23 =	rddreg [dreg:$0x6];
	s28 =	simm.s32 $0x1000;
	s31 =	simm.s32 $0x5  }
0x25: {  	[tilespmem:s28], [sflag:$0x2] =	stream.strided.gather [hbm4b:s23+s20], $0x1000, s21, s20, $0x38;
	[tilespmem:$0x19D00] =	vst v63  }
0x26: {  	_ =	swait.ge [sflag:s31], $0x7D00  }
0x27: {  	[sflag:s31] =	ssyncset.done $0x0  }
0x28: {  	[sflag:s31] =	ssyncadd.s32 $0xFFFF8300  }
0x29: {  	s1 =	simm.s32 $0x0;
	_ =	swait.ge [sflag:s24], $0x1000  }
0x2a: {  	s4 =	sand.u32 $0x70, s25;
	s0 =	sand.u32 $0x3FFFFF80, s1;
	[sflag:s24] =	ssyncset.done $0x0  }
0x2b: {  	s0 =	sor.u32 s4, s0;
	[sflag:s24] =	ssyncadd.s32 $0xFFFFF000  }
0x2c: {  	v14 =	vld [tilespmem:s0+$0x0]  }
0x2d: {  	s12 =	simm.s32 $0x10;
	s5 =	simm.s32 $0x10  }
0x2e: {  	s5 =	sand.u32 $0x70, s5;
	s0 =	sand.u32 $0x3FFFFF80, s12  }
0x2f: {  	s0 =	sor.u32 s5, s0  }
0x30: {  	v10 =	vld [tilespmem:s0+$0x0]  }
0x31: {  	v8 =	vadd.s32 v0, v14;
	_ =	sdelay $0x2  }
0x32: {  	s13 =	simm.s32 $0x20;
	s6 =	simm.s32 $0x20  }
0x33: {  	s6 =	sand.u32 $0x3FFFFF80, s6;
	s0 =	sand.u32 $0x70, s13;
	v12 =	vadd.s32 v0, v10  }
0x34: {  	s10 =	sor.u32 s0, s6;
	v9 =	vld.idx.msk [tilespmem:v8+s19+$0x0], $0xffff  }
0x35: {  	v8 =	vld [tilespmem:s10+$0x0]  }
0x36: {  	v11 =	vadd.s32 v1, v14  }
0x37: {  	s7 =	simm.s32 $0x0  }
0x38: {  	s7 =	sand.u32 $0x3FFFFC00, s7;
	v12 =	vld.idx.msk [tilespmem:v12+s19+$0x0], $0xffff  }
0x39: {  	s6 =	sor.u32 s4, s7;
	v13 =	vadd.s32 v1, v10  }
0x3a: {  	s18 =	simm.s32 $0x80;
	[tilespmem:s6+$0x2000] =	vst v9;
	v15 =	vadd.s32 v0, v8  }
0x3b: {  	s1 =	sand.u32 $0x3FFFFC00, s18;
	v9 =	vld.idx.msk [tilespmem:v11+s19+$0x0], $0xffff  }
0x3c: {  	s1 =	sor.u32 s5, s1;
	v11 =	vadd.s32 v2, v14  }
0x3d: {  	s14 =	simm.s32 $0x30;
	s17 =	simm.s32 $0x30;
	[tilespmem:s1+$0x2000] =	vst v12  }
0x3e: {  	s12 =	sand.u32 $0x70, s14;
	s7 =	sand.u32 $0x3FFFFF80, s17;
	v13 =	vld.idx.msk [tilespmem:v13+s19+$0x0], $0xffff  }
0x3f: {  	s7 =	sor.u32 s12, s7;
	v16 =	vadd.s32 v2, v10;
	v15 =	vld.idx.msk [tilespmem:v15+s19+$0x0], $0xffff  }
0x40: {  	v17 =	vadd.s32 v1, v8;
	[tilespmem:s6+$0x2080] =	vst v9;
	v9 =	vld [tilespmem:s7+$0x0]  }
0x41: {  	s25 =	simm.s32 $0x100;
	v11 =	vld.idx.msk [tilespmem:v11+s19+$0x0], $0xffff  }
0x42: {  	s5 =	sand.u32 $0x3FFFFC00, s25;
	v12 =	vadd.s32 v3, v14  }
0x43: {  	s22 =	simm.s32 $0x40;
	s23 =	simm.s32 $0x40;
	s0 =	sor.u32 s0, s5;
	[tilespmem:s1+$0x2080] =	vst v13  }
0x44: {  	s13 =	sand.u32 $0x70, s22;
	s7 =	sand.u32 $0x3FFFFF80, s23;
	v16 =	vld.idx.msk [tilespmem:v16+s19+$0x0], $0xffff;
	[tilespmem:s0+$0x2000] =	vst v15  }
0x45: {  	s7 =	sor.u32 s13, s7;
	v18 =	vadd.s32 v0, v9;
	v17 =	vld.idx.msk [tilespmem:v17+s19+$0x0], $0xffff  }
0x46: {  	v15 =	vadd.s32 v3, v10;
	[tilespmem:s6+$0x2100] =	vst v11;
	v11 =	vld [tilespmem:s7+$0x0]  }
0x47: {  	v19 =	vadd.s32 v2, v8;
	v12 =	vld.idx.msk [tilespmem:v12+s19+$0x0], $0xffff  }
0x48: {  	v13 =	vadd.s32 v4, v14;
	_ =	sdelay $0x1  }
0x49: {  	[tilespmem:s1+$0x2100] =	vst v16;
	v18 =	vld.idx.msk [tilespmem:v18+s19+$0x0], $0xffff  }
0x4a: {  	s28 =	simm.s32 $0x50;
	s31 =	simm.s32 $0x50;
	v20 =	vadd.s32 v1, v9;
	v15 =	vld.idx.msk [tilespmem:v15+s19+$0x0], $0xffff;
	[tilespmem:s0+$0x2080] =	vst v17  }
0x4b: {  	s4 =	sand.u32 $0x70, s31;
	s5 =	sand.u32 $0x3FFFFF80, s28;
	s23 =	simm.s32 $0x180;
	v21 =	vadd.s32 v0, v11;
	v19 =	vld.idx.msk [tilespmem:v19+s19+$0x0], $0xffff;
	[tilespmem:s6+$0x2180] =	vst v12  }
0x4c: {  	s5 =	sor.u32 s4, s5;
	s7 =	sand.u32 $0x3FFFFC00, s23;
	v17 =	vadd.s32 v4, v10;
	v13 =	vld.idx.msk [tilespmem:v13+s19+$0x0], $0xffff  }
0x4d: {  	v16 =	vadd.s32 v5, v14;
	v12 =	vld [tilespmem:s5+$0x0];
	s5 =	sor.u32 s12, s7  }
0x4e: {  	[tilespmem:s5+$0x2000] =	vst v18  }
0x4f: {  	v18 =	vld.idx.msk [tilespmem:v20+s19+$0x0], $0xffff;
	v20 =	vadd.s32 v3, v8  }
0x50: {  	s25 =	simm.s32 $0x60;
	s28 =	simm.s32 $0x60;
	v22 =	vadd.s32 v2, v9;
	[tilespmem:s1+$0x2180] =	vst v15;
	v21 =	vld.idx.msk [tilespmem:v21+s19+$0x0], $0xffff  }
0x51: {  	v23 =	vadd.s32 v1, v11;
	s12 =	sand.u32 $0x70, s28;
	s7 =	sand.u32 $0x3FFFFF80, s25;
	v17 =	vld.idx.msk [tilespmem:v17+s19+$0x0], $0xffff;
	[tilespmem:s6+$0x2200] =	vst v13  }
0x52: {  	s31 =	simm.s32 $0x200;
	s7 =	sor.u32 s12, s7;
	[tilespmem:s0+$0x2100] =	vst v19;
	v19 =	vadd.s32 v5, v10;
	v16 =	vld.idx.msk [tilespmem:v16+s19+$0x0], $0xffff  }
0x53: {  	v15 =	vadd.s32 v6, v14;
	v13 =	vld [tilespmem:s7+$0x0];
	s7 =	sand.u32 $0x3FFFFC00, s31  }
0x54: {  	v24 =	vadd.s32 v0, v12;
	s7 =	sor.u32 s13, s7;
	v20 =	vld.idx.msk [tilespmem:v20+s19+$0x0], $0xffff;
	[tilespmem:s5+$0x2080] =	vst v18  }
0x55: {  	v25 =	vadd.s32 v4, v8;
	[tilespmem:s7+$0x2000] =	vst v21;
	v18 =	vld.idx.msk [tilespmem:v22+s19+$0x0], $0xffff  }
0x56: {  	[tilespmem:s1+$0x2200] =	vst v17;
	v21 =	vld.idx.msk [tilespmem:v23+s19+$0x0], $0xffff;
	v23 =	vadd.s32 v3, v9  }
0x57: {  	v26 =	vld.idx.msk [tilespmem:v19+s19+$0x0], $0xffff;
	[tilespmem:s6+$0x2280] =	vst v16  }
0x58: {  	v28 =	vadd.s32 v2, v11;
	v15 =	vld.idx.msk [tilespmem:v15+s19+$0x0], $0xffff  }
0x59: {  	s17 =	simm.s32 $0x70;
	v27 =	vadd.s32 v7, v14;
	s13 =	simm.s32 $0x70;
	v22 =	vld.idx.msk [tilespmem:v24+s19+$0x0], $0xffff;
	[tilespmem:s0+$0x2180] =	vst v20  }
0x5a: {  	s17 =	sand.u32 $0x3FFFFF80, s17;
	s14 =	sand.u32 $0x70, s13;
	v19 =	vadd.s32 v6, v10;
	v16 =	vld.idx.msk [tilespmem:v25+s19+$0x0], $0xffff;
	[tilespmem:s5+$0x2100] =	vst v18  }
0x5b: {  	s17 =	sor.u32 s14, s17;
	v17 =	vld.idx.msk [tilespmem:v23+s19+$0x0], $0xffff;
	v23 =	vadd.s32 v1, v12  }
0x5c: {  	s18 =	simm.s32 $0x280;
	v14 =	vld [tilespmem:s17+$0x0];
	v18 =	vadd.s32 v5, v8;
	[tilespmem:s7+$0x2080] =	vst v21  }
0x5d: {  	s22 =	simm.s32 $0x8;
	s23 =	sand.u32 $0x3FFFFC00, s18;
	v24 =	vadd.s32 v0, v13;
	v21 =	vld.idx.msk [tilespmem:v28+s19+$0x0], $0xffff;
	[tilespmem:s6+$0x2300] =	vst v15  }
0x5e: {  	s18 =	simm.s32 $0x7;
	s10 =	sor.u32 s4, s23;
	s17 =	simm.s32 $0x6;
	v20 =	vadd.s32 v4, v9;
	[tilespmem:s1+$0x2280] =	vst v26;
	v15 =	vld.idx.msk [tilespmem:v27+s19+$0x0], $0xffff  }
.LBB2_2:
0x5f: {  	p0 =	sne.s32 s22, $0xFF;
	[tilespmem:s10+$0x2000] =	vst v22;
	v25 =	vld.idx.msk [tilespmem:v19+s19+$0x0], $0xffff;
	s23 =	smov.u32 s14  }
0x60: {  	v27 =	vadd.s32 v3, v11;
	v26 =	vld.idx.msk [tilespmem:v23+s19+$0x0], $0xffff;
	[tilespmem:s0+$0x2200] =	vst v16  }
0x61: {  	s28 =	sshll.u32 s22, $0x4;
	s13 =	sadd.s32 $0x10, s13;
	v29 =	vadd.s32 v7, v10;
	v10 =	vmovc v8;
	v8 =	vmovc v9;
	v9 =	vmov v11;
	v11 =	vmov v12;
	v28 =	vld.idx.msk [tilespmem:v18+s19+$0x0], $0xffff  }
0x62: {  	v12 =	vmov v13;
	s14 =	sand.u32 $0x70, s13;
	s28 =	sand.u32 $0x3FFFFF80, s28;
	v30 =	vadd.s32 v2, v11;
	v13 =	vmov v14;
	v22 =	vld.idx.msk [tilespmem:v24+s19+$0x0], $0xffff;
	[tilespmem:s5+$0x2180] =	vst v17  }
.Ltmp0:
0x63: {  	v19 =	vadd.s32 v6, v10;
	s28 =	sor.u32 s14, s28;
	v16 =	vld.idx.msk [tilespmem:v20+s19+$0x0], $0xffff;
	[tilespmem:s6+$0x2380] =	vst v15;
	s6 =	smov.u32 s1;
	(pc) =	sbr.rel @p0 .LBB2_2-.Ltmp0, $4  }
0x64: {  	v23 =	vadd.s32 v1, v12;
	s1 =	smov.u32 s0;
	s0 =	smov.u32 s5;
	s5 =	smov.u32 s7;
	v14 =	vld [tilespmem:s28+$0x0];
	[tilespmem:s7+$0x2100] =	vst v21  }
0x65: {  	v18 =	vadd.s32 v5, v8;
	s7 =	sshll.u32 s17, $0x7;
	s17 =	smov.u32 s18;
	s18 =	smov.u32 s22;
	v17 =	vld.idx.msk [tilespmem:v27+s19+$0x0], $0xffff;
	[tilespmem:s6+$0x2300] =	vst v25  }
0x66: {  	v24 =	vadd.s32 v0, v13;
	s28 =	sand.u32 $0x3FFFFC00, s7;
	s7 =	smov.u32 s10;
	[tilespmem:s10+$0x2080] =	vst v26;
	v15 =	vld.idx.msk [tilespmem:v29+s19+$0x0], $0xffff  }
0x67: {  	v20 =	vadd.s32 v4, v9;
	s22 =	sadd.s32 $0x1, s22;
	s10 =	sor.u32 s12, s28;
	s12 =	smov.u32 s23;
	v21 =	vld.idx.msk [tilespmem:v30+s19+$0x0], $0xffff;
	[tilespmem:s1+$0x2280] =	vst v28  }
0x68: {  	_ = 	snop  }
0x69: {  	v25 =	vadd.s32 v0, v14;
	_ =	sdelay $0x3  }
0x6a: {  	v24 =	vld.idx.msk [tilespmem:v24+s19+$0x0], $0xffff  }
0x6b: {  	v26 =	vadd.s32 v1, v13;
	v25 =	vld.idx.msk [tilespmem:v25+s19+$0x0], $0xffff  }
0x6c: {  	s13 =	sshll.u32 s17, $0x7;
	v27 =	vadd.s32 v1, v14  }
0x6d: {  	s22 =	sshll.u32 s18, $0x7;
	s13 =	sand.u32 $0x3FFFFC00, s13  }
0x6e: {  	[tilespmem:s10+$0x2000] =	vst v22;
	s23 =	sand.u32 $0x3FFFFC00, s22;
	s12 =	sor.u32 s12, s13  }
0x6f: {  	v22 =	vld.idx.msk [tilespmem:v23+s19+$0x0], $0xffff;
	s13 =	sor.u32 s14, s23;
	[tilespmem:s12+$0x2000] =	vst v24  }
0x70: {  	v23 =	vadd.s32 v2, v12;
	v24 =	vld.idx.msk [tilespmem:v26+s19+$0x0], $0xffff;
	[tilespmem:s13+$0x2000] =	vst v25  }
0x71: {  	v25 =	vadd.s32 v2, v13;
	v26 =	vld.idx.msk [tilespmem:v27+s19+$0x0], $0xffff  }
0x72: {  	v27 =	vadd.s32 v2, v14;
	_ =	sdelay $0x1  }
0x73: {  	[tilespmem:s10+$0x2080] =	vst v22  }
0x74: {  	v22 =	vadd.s32 v3, v11;
	v23 =	vld.idx.msk [tilespmem:v23+s19+$0x0], $0xffff;
	[tilespmem:s12+$0x2080] =	vst v24  }
0x75: {  	v24 =	vadd.s32 v3, v12;
	v25 =	vld.idx.msk [tilespmem:v25+s19+$0x0], $0xffff;
	[tilespmem:s13+$0x2080] =	vst v26  }
0x76: {  	[tilespmem:s0+$0x2200] =	vst v16;
	v16 =	vadd.s32 v3, v13;
	v26 =	vld.idx.msk [tilespmem:v27+s19+$0x0], $0xffff  }
0x77: {  	[tilespmem:s5+$0x2180] =	vst v17;
	v17 =	vadd.s32 v3, v14  }
0x78: {  	v19 =	vld.idx.msk [tilespmem:v19+s19+$0x0], $0xffff;
	[tilespmem:s7+$0x2100] =	vst v21  }
0x79: {  	v21 =	vld.idx.msk [tilespmem:v22+s19+$0x0], $0xffff;
	[tilespmem:s10+$0x2100] =	vst v23  }
0x7a: {  	v22 =	vadd.s32 v4, v11;
	v23 =	vld.idx.msk [tilespmem:v24+s19+$0x0], $0xffff;
	[tilespmem:s12+$0x2100] =	vst v25  }
0x7b: {  	v24 =	vadd.s32 v4, v12;
	v16 =	vld.idx.msk [tilespmem:v16+s19+$0x0], $0xffff;
	[tilespmem:s13+$0x2100] =	vst v26  }
0x7c: {  	[tilespmem:s6+$0x2380] =	vst v15;
	v15 =	vadd.s32 v4, v13;
	v17 =	vld.idx.msk [tilespmem:v17+s19+$0x0], $0xffff  }
0x7d: {  	v18 =	vld.idx.msk [tilespmem:v18+s19+$0x0], $0xffff;
	[tilespmem:s1+$0x2300] =	vst v19;
	v19 =	vadd.s32 v4, v14  }
0x7e: {  	v10 =	vadd.s32 v7, v10;
	v20 =	vld.idx.msk [tilespmem:v20+s19+$0x0], $0xffff;
	[tilespmem:s7+$0x2180] =	vst v21  }
0x7f: {  	v21 =	vadd.s32 v5, v9;
	v22 =	vld.idx.msk [tilespmem:v22+s19+$0x0], $0xffff;
	[tilespmem:s10+$0x2180] =	vst v23  }
0x80: {  	v23 =	vadd.s32 v5, v11;
	v24 =	vld.idx.msk [tilespmem:v24+s19+$0x0], $0xffff;
	[tilespmem:s12+$0x2180] =	vst v16  }
0x81: {  	v16 =	vadd.s32 v5, v12;
	v15 =	vld.idx.msk [tilespmem:v15+s19+$0x0], $0xffff;
	[tilespmem:s13+$0x2180] =	vst v17  }
0x82: {  	[tilespmem:s0+$0x2280] =	vst v18;
	v17 =	vadd.s32 v5, v13;
	v18 =	vld.idx.msk [tilespmem:v19+s19+$0x0], $0xffff  }
0x83: {  	v10 =	vld.idx.msk [tilespmem:v10+s19+$0x0], $0xffff;
	[tilespmem:s5+$0x2200] =	vst v20;
	v19 =	vadd.s32 v5, v14  }
0x84: {  	v20 =	vadd.s32 v6, v8;
	v21 =	vld.idx.msk [tilespmem:v21+s19+$0x0], $0xffff;
	[tilespmem:s7+$0x2200] =	vst v22  }
0x85: {  	v22 =	vadd.s32 v6, v9;
	v23 =	vld.idx.msk [tilespmem:v23+s19+$0x0], $0xffff;
	[tilespmem:s10+$0x2200] =	vst v24  }
0x86: {  	v24 =	vadd.s32 v6, v11;
	v16 =	vld.idx.msk [tilespmem:v16+s19+$0x0], $0xffff;
	[tilespmem:s12+$0x2200] =	vst v15  }
0x87: {  	v15 =	vadd.s32 v6, v12;
	v17 =	vld.idx.msk [tilespmem:v17+s19+$0x0], $0xffff;
	[tilespmem:s13+$0x2200] =	vst v18  }
0x88: {  	[tilespmem:s1+$0x2380] =	vst v10;
	v10 =	vadd.s32 v6, v13;
	v18 =	vld.idx.msk [tilespmem:v19+s19+$0x0], $0xffff  }
0x89: {  	[tilespmem:s5+$0x2280] =	vst v21;
	v19 =	vld.idx.msk [tilespmem:v20+s19+$0x0], $0xffff;
	v20 =	vadd.s32 v6, v14  }
0x8a: {  	v8 =	vadd.s32 v7, v8;
	v21 =	vld.idx.msk [tilespmem:v22+s19+$0x0], $0xffff;
	[tilespmem:s7+$0x2280] =	vst v23  }
0x8b: {  	v9 =	vadd.s32 v7, v9;
	v22 =	vld.idx.msk [tilespmem:v24+s19+$0x0], $0xffff;
	[tilespmem:s10+$0x2280] =	vst v16  }
0x8c: {  	v11 =	vadd.s32 v7, v11;
	v15 =	vld.idx.msk [tilespmem:v15+s19+$0x0], $0xffff;
	[tilespmem:s12+$0x2280] =	vst v17  }
0x8d: {  	v12 =	vadd.s32 v7, v12;
	v10 =	vld.idx.msk [tilespmem:v10+s19+$0x0], $0xffff;
	[tilespmem:s13+$0x2280] =	vst v18  }
0x8e: {  	v13 =	vadd.s32 v7, v13;
	[tilespmem:s0+$0x2300] =	vst v19;
	v16 =	vld.idx.msk [tilespmem:v20+s19+$0x0], $0xffff  }
0x8f: {  	[tilespmem:s5+$0x2300] =	vst v21;
	v14 =	vadd.s32 v7, v14;
	v8 =	vld.idx.msk [tilespmem:v8+s19+$0x0], $0xffff  }
0x90: {  	v9 =	vld.idx.msk [tilespmem:v9+s19+$0x0], $0xffff;
	[tilespmem:s7+$0x2300] =	vst v22  }
0x91: {  	v11 =	vld.idx.msk [tilespmem:v11+s19+$0x0], $0xffff;
	[tilespmem:s10+$0x2300] =	vst v15  }
0x92: {  	v12 =	vld.idx.msk [tilespmem:v12+s19+$0x0], $0xffff;
	[tilespmem:s12+$0x2300] =	vst v10  }
0x93: {  	v10 =	vld.idx.msk [tilespmem:v13+s19+$0x0], $0xffff;
	[tilespmem:s13+$0x2300] =	vst v16  }
0x94: {  	[tilespmem:s0+$0x2380] =	vst v8;
	v8 =	vld.idx.msk [tilespmem:v14+s19+$0x0], $0xffff  }
0x95: {  	[tilespmem:s5+$0x2380] =	vst v9  }
0x96: {  	[tilespmem:s7+$0x2380] =	vst v11  }
0x97: {  	[tilespmem:s10+$0x2380] =	vst v12  }
0x98: {  	[tilespmem:s12+$0x2380] =	vst v10  }
0x99: {  	[tilespmem:s13+$0x2380] =	vst v8  }
0x9a: {  	s25 =	simm.s32 $0x0;
	s4 =	simm.s32 $0x2000;
	s1 =	rddreg [dreg:$0x7]  }
0x9b: {  	[hbm4b:s1+s25] =	stream.linear.scatter [tilespmem:s4], [sflag:$0x3], $0x8000, $0x38;
	[tilespmem:$0x19D00] =	vst v63  }
0x9c: {  	s28 =	rddreg [dreg:$0x8]  }
0x9d: {  	[tilespmem:s25], [sflag:$0x1] =	stream.strided.gather [hbm4b:s28+s20], $0x1000, s21, s20, $0x38;
	[tilespmem:$0x19D00] =	vst v63  }
0x9e: {  	s31 =	simm.s32 $0x0;
	_ =	swait.ge [sflag:s26], $0x1000  }
0x9f: {  	s0 =	sand.u32 $0x70, s25;
	s1 =	sand.u32 $0x3FFFFF80, s31;
	[sflag:s26] =	ssyncset.done $0x0  }
0xa0: {  	s1 =	sor.u32 s0, s1;
	[sflag:s26] =	ssyncadd.s32 $0xFFFFF000  }
0xa1: {  	v14 =	vld [tilespmem:s1+$0x1000]  }
0xa2: {  	s6 =	simm.s32 $0x10;
	s4 =	simm.s32 $0x10  }
0xa3: {  	s5 =	sand.u32 $0x70, s6;
	s1 =	sand.u32 $0x3FFFFF80, s4  }
0xa4: {  	s1 =	sor.u32 s5, s1  }
0xa5: {  	v10 =	vld [tilespmem:s1+$0x1000]  }
0xa6: {  	v8 =	vadd.s32 v0, v14;
	_ =	sdelay $0x2  }
0xa7: {  	s7 =	simm.s32 $0x20;
	s10 =	simm.s32 $0x20  }
0xa8: {  	s6 =	sand.u32 $0x3FFFFF80, s10;
	s12 =	sand.u32 $0x70, s7;
	v12 =	vadd.s32 v0, v10  }
0xa9: {  	s17 =	sor.u32 s12, s6;
	v9 =	vld.idx.msk [tilespmem:v8+s19+$0x0], $0xffff  }
0xaa: {  	v8 =	vld [tilespmem:s17+$0x1000]  }
0xab: {  	v11 =	vadd.s32 v1, v14  }
0xac: {  	s14 =	simm.s32 $0x0  }
0xad: {  	s1 =	sand.u32 $0x3FFFFC00, s14;
	v12 =	vld.idx.msk [tilespmem:v12+s19+$0x0], $0xffff  }
0xae: {  	s18 =	simm.s32 $0x30;
	s6 =	sor.u32 s0, s1;
	v13 =	vadd.s32 v1, v10  }
0xaf: {  	s22 =	simm.s32 $0x30;
	s23 =	sand.u32 $0x70, s18;
	s31 =	simm.s32 $0x80;
	[tilespmem:s6+$0xA000] =	vst v9;
	v15 =	vadd.s32 v0, v8  }
0xb0: {  	s1 =	sand.u32 $0x3FFFFF80, s22;
	s0 =	sand.u32 $0x3FFFFC00, s31;
	v9 =	vld.idx.msk [tilespmem:v11+s19+$0x0], $0xffff  }
0xb1: {  	s4 =	sor.u32 s23, s1;
	s1 =	sor.u32 s5, s0;
	v11 =	vadd.s32 v2, v14  }
0xb2: {  	[tilespmem:s1+$0xA000] =	vst v12  }
0xb3: {  	v13 =	vld.idx.msk [tilespmem:v13+s19+$0x0], $0xffff  }
0xb4: {  	v16 =	vadd.s32 v2, v10;
	v15 =	vld.idx.msk [tilespmem:v15+s19+$0x0], $0xffff  }
0xb5: {  	v17 =	vadd.s32 v1, v8;
	[tilespmem:s6+$0xA080] =	vst v9;
	v9 =	vld [tilespmem:s4+$0x1000]  }
0xb6: {  	s25 =	simm.s32 $0x100;
	v11 =	vld.idx.msk [tilespmem:v11+s19+$0x0], $0xffff  }
0xb7: {  	s0 =	sand.u32 $0x3FFFFC00, s25;
	v12 =	vadd.s32 v3, v14  }
0xb8: {  	s13 =	simm.s32 $0x40;
	s14 =	simm.s32 $0x40;
	s0 =	sor.u32 s12, s0;
	[tilespmem:s1+$0xA080] =	vst v13  }
0xb9: {  	s5 =	sand.u32 $0x3FFFFF80, s14;
	s17 =	sand.u32 $0x70, s13;
	v16 =	vld.idx.msk [tilespmem:v16+s19+$0x0], $0xffff;
	[tilespmem:s0+$0xA000] =	vst v15  }
0xba: {  	s5 =	sor.u32 s17, s5;
	v18 =	vadd.s32 v0, v9;
	v17 =	vld.idx.msk [tilespmem:v17+s19+$0x0], $0xffff  }
0xbb: {  	v15 =	vadd.s32 v3, v10;
	[tilespmem:s6+$0xA100] =	vst v11;
	v11 =	vld [tilespmem:s5+$0x1000]  }
0xbc: {  	v19 =	vadd.s32 v2, v8;
	v12 =	vld.idx.msk [tilespmem:v12+s19+$0x0], $0xffff  }
0xbd: {  	v13 =	vadd.s32 v4, v14;
	_ =	sdelay $0x1  }
0xbe: {  	[tilespmem:s1+$0xA100] =	vst v16;
	v18 =	vld.idx.msk [tilespmem:v18+s19+$0x0], $0xffff  }
0xbf: {  	s28 =	simm.s32 $0x50;
	s31 =	simm.s32 $0x50;
	v20 =	vadd.s32 v1, v9;
	v15 =	vld.idx.msk [tilespmem:v15+s19+$0x0], $0xffff;
	[tilespmem:s0+$0xA080] =	vst v17  }
0xc0: {  	s18 =	simm.s32 $0x180;
	s4 =	sand.u32 $0x70, s31;
	s5 =	sand.u32 $0x3FFFFF80, s28;
	v21 =	vadd.s32 v0, v11;
	v19 =	vld.idx.msk [tilespmem:v19+s19+$0x0], $0xffff;
	[tilespmem:s6+$0xA180] =	vst v12  }
0xc1: {  	s7 =	sand.u32 $0x3FFFFC00, s18;
	s5 =	sor.u32 s4, s5;
	v17 =	vadd.s32 v4, v10;
	v13 =	vld.idx.msk [tilespmem:v13+s19+$0x0], $0xffff  }
0xc2: {  	v16 =	vadd.s32 v5, v14;
	v12 =	vld [tilespmem:s5+$0x1000];
	s5 =	sor.u32 s23, s7  }
0xc3: {  	[tilespmem:s5+$0xA000] =	vst v18  }
0xc4: {  	v18 =	vld.idx.msk [tilespmem:v20+s19+$0x0], $0xffff;
	v20 =	vadd.s32 v3, v8  }
0xc5: {  	s22 =	simm.s32 $0x60;
	v22 =	vadd.s32 v2, v9;
	s23 =	simm.s32 $0x60;
	[tilespmem:s1+$0xA180] =	vst v15;
	v21 =	vld.idx.msk [tilespmem:v21+s19+$0x0], $0xffff  }
0xc6: {  	v23 =	vadd.s32 v1, v11;
	s7 =	sand.u32 $0x3FFFFF80, s22;
	s12 =	sand.u32 $0x70, s23;
	v17 =	vld.idx.msk [tilespmem:v17+s19+$0x0], $0xffff;
	[tilespmem:s6+$0xA200] =	vst v13  }
0xc7: {  	s25 =	simm.s32 $0x200;
	s7 =	sor.u32 s12, s7;
	[tilespmem:s0+$0xA100] =	vst v19;
	v19 =	vadd.s32 v5, v10;
	v16 =	vld.idx.msk [tilespmem:v16+s19+$0x0], $0xffff  }
0xc8: {  	v15 =	vadd.s32 v6, v14;
	v13 =	vld [tilespmem:s7+$0x1000];
	s7 =	sand.u32 $0x3FFFFC00, s25  }
0xc9: {  	v24 =	vadd.s32 v0, v12;
	s7 =	sor.u32 s17, s7;
	v20 =	vld.idx.msk [tilespmem:v20+s19+$0x0], $0xffff;
	[tilespmem:s5+$0xA080] =	vst v18  }
0xca: {  	v25 =	vadd.s32 v4, v8;
	[tilespmem:s7+$0xA000] =	vst v21;
	v18 =	vld.idx.msk [tilespmem:v22+s19+$0x0], $0xffff  }
0xcb: {  	[tilespmem:s1+$0xA200] =	vst v17;
	v21 =	vld.idx.msk [tilespmem:v23+s19+$0x0], $0xffff;
	v23 =	vadd.s32 v3, v9  }
0xcc: {  	v26 =	vld.idx.msk [tilespmem:v19+s19+$0x0], $0xffff;
	[tilespmem:s6+$0xA280] =	vst v16  }
0xcd: {  	v28 =	vadd.s32 v2, v11;
	v15 =	vld.idx.msk [tilespmem:v15+s19+$0x0], $0xffff  }
0xce: {  	v27 =	vadd.s32 v7, v14;
	s13 =	simm.s32 $0x70;
	s28 =	simm.s32 $0x70;
	v22 =	vld.idx.msk [tilespmem:v24+s19+$0x0], $0xffff;
	[tilespmem:s0+$0xA180] =	vst v20  }
0xcf: {  	s14 =	sand.u32 $0x70, s13;
	s17 =	sand.u32 $0x3FFFFF80, s28;
	v19 =	vadd.s32 v6, v10;
	v16 =	vld.idx.msk [tilespmem:v25+s19+$0x0], $0xffff;
	[tilespmem:s5+$0xA100] =	vst v18  }
0xd0: {  	s17 =	sor.u32 s14, s17;
	v17 =	vld.idx.msk [tilespmem:v23+s19+$0x0], $0xffff;
	v23 =	vadd.s32 v1, v12  }
0xd1: {  	s31 =	simm.s32 $0x280;
	v14 =	vld [tilespmem:s17+$0x1000];
	v18 =	vadd.s32 v5, v8;
	[tilespmem:s7+$0xA080] =	vst v21  }
0xd2: {  	s18 =	simm.s32 $0x7;
	s23 =	sand.u32 $0x3FFFFC00, s31;
	v24 =	vadd.s32 v0, v13;
	v21 =	vld.idx.msk [tilespmem:v28+s19+$0x0], $0xffff;
	[tilespmem:s6+$0xA300] =	vst v15  }
0xd3: {  	s22 =	simm.s32 $0x8;
	s10 =	sor.u32 s4, s23;
	s17 =	simm.s32 $0x6;
	v20 =	vadd.s32 v4, v9;
	[tilespmem:s1+$0xA280] =	vst v26;
	v15 =	vld.idx.msk [tilespmem:v27+s19+$0x0], $0xffff  }
.LBB2_4:
0xd4: {  	p0 =	sne.s32 s22, $0xFF;
	[tilespmem:s10+$0xA000] =	vst v22;
	v25 =	vld.idx.msk [tilespmem:v19+s19+$0x0], $0xffff;
	s23 =	smov.u32 s14  }
0xd5: {  	v27 =	vadd.s32 v3, v11;
	v26 =	vld.idx.msk [tilespmem:v23+s19+$0x0], $0xffff;
	[tilespmem:s0+$0xA200] =	vst v16  }
0xd6: {  	s28 =	sshll.u32 s22, $0x4;
	s13 =	sadd.s32 $0x10, s13;
	v29 =	vadd.s32 v7, v10;
	v10 =	vmovc v8;
	v8 =	vmovc v9;
	v9 =	vmov v11;
	v11 =	vmov v12;
	v28 =	vld.idx.msk [tilespmem:v18+s19+$0x0], $0xffff  }
0xd7: {  	v12 =	vmov v13;
	s14 =	sand.u32 $0x70, s13;
	s28 =	sand.u32 $0x3FFFFF80, s28;
	v30 =	vadd.s32 v2, v11;
	v13 =	vmov v14;
	v22 =	vld.idx.msk [tilespmem:v24+s19+$0x0], $0xffff;
	[tilespmem:s5+$0xA180] =	vst v17  }
.Ltmp1:
0xd8: {  	v19 =	vadd.s32 v6, v10;
	s28 =	sor.u32 s14, s28;
	v16 =	vld.idx.msk [tilespmem:v20+s19+$0x0], $0xffff;
	[tilespmem:s6+$0xA380] =	vst v15;
	s6 =	smov.u32 s1;
	(pc) =	sbr.rel @p0 .LBB2_4-.Ltmp1, $4  }
0xd9: {  	v23 =	vadd.s32 v1, v12;
	s1 =	smov.u32 s0;
	s0 =	smov.u32 s5;
	s5 =	smov.u32 s7;
	v14 =	vld [tilespmem:s28+$0x1000];
	[tilespmem:s7+$0xA100] =	vst v21  }
0xda: {  	v18 =	vadd.s32 v5, v8;
	s7 =	sshll.u32 s17, $0x7;
	s17 =	smov.u32 s18;
	s18 =	smov.u32 s22;
	v17 =	vld.idx.msk [tilespmem:v27+s19+$0x0], $0xffff;
	[tilespmem:s6+$0xA300] =	vst v25  }
0xdb: {  	v24 =	vadd.s32 v0, v13;
	s28 =	sand.u32 $0x3FFFFC00, s7;
	s7 =	smov.u32 s10;
	[tilespmem:s10+$0xA080] =	vst v26;
	v15 =	vld.idx.msk [tilespmem:v29+s19+$0x0], $0xffff  }
0xdc: {  	v20 =	vadd.s32 v4, v9;
	s22 =	sadd.s32 $0x1, s22;
	s10 =	sor.u32 s12, s28;
	s12 =	smov.u32 s23;
	v21 =	vld.idx.msk [tilespmem:v30+s19+$0x0], $0xffff;
	[tilespmem:s1+$0xA280] =	vst v28  }
0xdd: {  	_ = 	snop  }
0xde: {  	v25 =	vadd.s32 v0, v14;
	_ =	sdelay $0x3  }
0xdf: {  	v24 =	vld.idx.msk [tilespmem:v24+s19+$0x0], $0xffff  }
0xe0: {  	v26 =	vadd.s32 v1, v13;
	v25 =	vld.idx.msk [tilespmem:v25+s19+$0x0], $0xffff  }
0xe1: {  	s13 =	sshll.u32 s17, $0x7;
	v27 =	vadd.s32 v1, v14  }
0xe2: {  	s23 =	sshll.u32 s18, $0x7;
	s13 =	sand.u32 $0x3FFFFC00, s13  }
0xe3: {  	[tilespmem:s10+$0xA000] =	vst v22;
	s25 =	sand.u32 $0x3FFFFC00, s23;
	s12 =	sor.u32 s12, s13  }
0xe4: {  	v22 =	vld.idx.msk [tilespmem:v23+s19+$0x0], $0xffff;
	s13 =	sor.u32 s14, s25;
	[tilespmem:s12+$0xA000] =	vst v24  }
0xe5: {  	v32 =	vadd.s32 v2, v12;
	v24 =	vld.idx.msk [tilespmem:v26+s19+$0x0], $0xffff;
	[tilespmem:s13+$0xA000] =	vst v25  }
0xe6: {  	v33 =	vadd.s32 v2, v13;
	v34 =	vld.idx.msk [tilespmem:v27+s19+$0x0], $0xffff  }
0xe7: {  	v35 =	vadd.s32 v2, v14;
	_ =	sdelay $0x1  }
0xe8: {  	[tilespmem:s10+$0xA080] =	vst v22  }
0xe9: {  	v36 =	vadd.s32 v3, v11;
	v23 =	vld.idx.msk [tilespmem:v32+s19+$0x0], $0xffff;
	[tilespmem:s12+$0xA080] =	vst v24  }
0xea: {  	v37 =	vadd.s32 v3, v12;
	v25 =	vld.idx.msk [tilespmem:v33+s19+$0x0], $0xffff;
	[tilespmem:s13+$0xA080] =	vst v34  }
0xeb: {  	[tilespmem:s0+$0xA200] =	vst v16;
	v38 =	vadd.s32 v3, v13;
	v26 =	vld.idx.msk [tilespmem:v35+s19+$0x0], $0xffff  }
0xec: {  	v39 =	vadd.s32 v3, v14;
	[tilespmem:s5+$0xA180] =	vst v17  }
0xed: {  	v19 =	vld.idx.msk [tilespmem:v19+s19+$0x0], $0xffff;
	[tilespmem:s7+$0xA100] =	vst v21  }
0xee: {  	v21 =	vld.idx.msk [tilespmem:v36+s19+$0x0], $0xffff;
	[tilespmem:s10+$0xA100] =	vst v23  }
0xef: {  	v40 =	vadd.s32 v4, v11;
	v23 =	vld.idx.msk [tilespmem:v37+s19+$0x0], $0xffff;
	[tilespmem:s12+$0xA100] =	vst v25  }
0xf0: {  	v41 =	vadd.s32 v4, v12;
	v16 =	vld.idx.msk [tilespmem:v38+s19+$0x0], $0xffff;
	[tilespmem:s13+$0xA100] =	vst v26  }
0xf1: {  	v42 =	vadd.s32 v4, v13;
	[tilespmem:s6+$0xA380] =	vst v15;
	v17 =	vld.idx.msk [tilespmem:v39+s19+$0x0], $0xffff  }
0xf2: {  	v18 =	vld.idx.msk [tilespmem:v18+s19+$0x0], $0xffff;
	v43 =	vadd.s32 v4, v14;
	[tilespmem:s1+$0xA300] =	vst v19  }
0xf3: {  	v10 =	vadd.s32 v7, v10;
	v20 =	vld.idx.msk [tilespmem:v20+s19+$0x0], $0xffff;
	[tilespmem:s7+$0xA180] =	vst v21  }
0xf4: {  	v44 =	vadd.s32 v5, v9;
	v22 =	vld.idx.msk [tilespmem:v40+s19+$0x0], $0xffff;
	[tilespmem:s10+$0xA180] =	vst v23  }
0xf5: {  	v45 =	vadd.s32 v5, v11;
	v24 =	vld.idx.msk [tilespmem:v41+s19+$0x0], $0xffff;
	[tilespmem:s12+$0xA180] =	vst v16  }
0xf6: {  	v46 =	vadd.s32 v5, v12;
	v15 =	vld.idx.msk [tilespmem:v42+s19+$0x0], $0xffff;
	[tilespmem:s13+$0xA180] =	vst v17  }
0xf7: {  	v47 =	vadd.s32 v5, v13;
	[tilespmem:s0+$0xA280] =	vst v18;
	v48 =	vld.idx.msk [tilespmem:v43+s19+$0x0], $0xffff  }
0xf8: {  	v49 =	vadd.s32 v5, v14;
	v10 =	vld.idx.msk [tilespmem:v10+s19+$0x0], $0xffff;
	[tilespmem:s5+$0xA200] =	vst v20  }
0xf9: {  	v50 =	vadd.s32 v6, v8;
	v21 =	vld.idx.msk [tilespmem:v44+s19+$0x0], $0xffff;
	[tilespmem:s7+$0xA200] =	vst v22  }
0xfa: {  	v51 =	vadd.s32 v6, v9;
	v23 =	vld.idx.msk [tilespmem:v45+s19+$0x0], $0xffff;
	[tilespmem:s10+$0xA200] =	vst v24  }
0xfb: {  	v52 =	vadd.s32 v6, v11;
	v16 =	vld.idx.msk [tilespmem:v46+s19+$0x0], $0xffff;
	[tilespmem:s12+$0xA200] =	vst v15  }
0xfc: {  	v53 =	vadd.s32 v6, v12;
	v17 =	vld.idx.msk [tilespmem:v47+s19+$0x0], $0xffff;
	[tilespmem:s13+$0xA200] =	vst v48  }
0xfd: {  	v54 =	vadd.s32 v6, v13;
	[tilespmem:s1+$0xA380] =	vst v10;
	v18 =	vld.idx.msk [tilespmem:v49+s19+$0x0], $0xffff  }
0xfe: {  	v56 =	vadd.s32 v6, v14;
	v55 =	vld.idx.msk [tilespmem:v50+s19+$0x0], $0xffff;
	[tilespmem:s5+$0xA280] =	vst v21  }
0xff: {  	v8 =	vadd.s32 v7, v8;
	v21 =	vld.idx.msk [tilespmem:v51+s19+$0x0], $0xffff;
	[tilespmem:s7+$0xA280] =	vst v23  }
0x100: {  	v57 =	vadd.s32 v7, v9;
	v58 =	vld.idx.msk [tilespmem:v52+s19+$0x0], $0xffff;
	[tilespmem:s10+$0xA280] =	vst v16  }
0x101: {  	v59 =	vadd.s32 v7, v11;
	v15 =	vld.idx.msk [tilespmem:v53+s19+$0x0], $0xffff;
	[tilespmem:s12+$0xA280] =	vst v17  }
0x102: {  	v60 =	vadd.s32 v7, v12;
	v10 =	vld.idx.msk [tilespmem:v54+s19+$0x0], $0xffff;
	[tilespmem:s13+$0xA280] =	vst v18  }
0x103: {  	v61 =	vadd.s32 v7, v13;
	[tilespmem:s0+$0xA300] =	vst v55;
	v62 =	vld.idx.msk [tilespmem:v56+s19+$0x0], $0xffff  }
0x104: {  	v63 =	vadd.s32 v7, v14;
	v8 =	vld.idx.msk [tilespmem:v8+s19+$0x0], $0xffff;
	[tilespmem:s5+$0xA300] =	vst v21  }
0x105: {  	v9 =	vld.idx.msk [tilespmem:v57+s19+$0x0], $0xffff;
	[tilespmem:s7+$0xA300] =	vst v58  }
0x106: {  	v11 =	vld.idx.msk [tilespmem:v59+s19+$0x0], $0xffff;
	[tilespmem:s10+$0xA300] =	vst v15  }
0x107: {  	v12 =	vld.idx.msk [tilespmem:v60+s19+$0x0], $0xffff;
	[tilespmem:s12+$0xA300] =	vst v10  }
0x108: {  	v10 =	vld.idx.msk [tilespmem:v61+s19+$0x0], $0xffff;
	[tilespmem:s13+$0xA300] =	vst v62  }
0x109: {  	[tilespmem:s0+$0xA380] =	vst v8;
	v8 =	vld.idx.msk [tilespmem:v63+s19+$0x0], $0xffff  }
0x10a: {  	[tilespmem:s5+$0xA380] =	vst v9  }
0x10b: {  	[tilespmem:s7+$0xA380] =	vst v11  }
0x10c: {  	[tilespmem:s10+$0xA380] =	vst v12  }
0x10d: {  	[tilespmem:s12+$0xA380] =	vst v10  }
0x10e: {  	[tilespmem:s13+$0xA380] =	vst v8  }
0x10f: {  	s4 =	simm.s32 $0xA000;
	s0 =	simm.s32 $0x0;
	s1 =	rddreg [dreg:$0x9]  }
0x110: {  	[hbm4b:s1+s0] =	stream.linear.scatter [tilespmem:s4], [sflag:$0x4], $0x8000, $0x38;
	[tilespmem:$0x19D00] =	vst v63  }
0x111: {  	s31 =	simm.s32 $0x1000;
	s28 =	rddreg [dreg:$0xa];
	s1 =	simm.s32 $0x0  }
0x112: {  	[tilespmem:s31], [sflag:$0x2] =	stream.strided.gather [hbm4b:s28+s20], $0x1000, s21, s20, $0x38;
	[tilespmem:$0x19D00] =	vst v63  }
.LBB2_6:
0x113: {  	_ =	swait.ge [sflag:s24], $0x1000  }
0x114: {  	[sflag:s24] =	ssyncset.done $0x0  }
0x115: {  	[sflag:s24] =	ssyncadd.s32 $0xFFFFF000  }
0x116: {  	s5 =	simm.s32 $0x0;
	_ =	swait.ge [sflag:s29], $0x8000  }
0x117: {  	s6 =	sand.u32 $0x70, s0;
	s5 =	sand.u32 $0x3FFFFF80, s5;
	[sflag:s29] =	ssyncset.done $0x0  }
0x118: {  	s5 =	sor.u32 s6, s5;
	[sflag:s29] =	ssyncadd.s32 $0xFFFF8000  }
0x119: {  	v14 =	vld [tilespmem:s5+$0x0]  }
0x11a: {  	s28 =	simm.s32 $0x10;
	s7 =	simm.s32 $0x10  }
0x11b: {  	s7 =	sand.u32 $0x70, s7;
	s5 =	sand.u32 $0x3FFFFF80, s28  }
0x11c: {  	s5 =	sor.u32 s7, s5  }
0x11d: {  	v10 =	vld [tilespmem:s5+$0x0]  }
0x11e: {  	v8 =	vadd.s32 v0, v14;
	_ =	sdelay $0x2  }
0x11f: {  	s4 =	simm.s32 $0x20;
	s10 =	simm.s32 $0x20  }
0x120: {  	s10 =	sand.u32 $0x3FFFFF80, s10;
	s5 =	sand.u32 $0x70, s4;
	v12 =	vadd.s32 v0, v10  }
0x121: {  	s13 =	sor.u32 s5, s10;
	v9 =	vld.idx.msk [tilespmem:v8+s19+$0x0], $0xffff  }
0x122: {  	v8 =	vld [tilespmem:s13+$0x0]  }
0x123: {  	v11 =	vadd.s32 v1, v14  }
0x124: {  	s12 =	simm.s32 $0x0  }
0x125: {  	s12 =	sand.u32 $0x3FFFFC00, s12;
	v12 =	vld.idx.msk [tilespmem:v12+s19+$0x0], $0xffff  }
0x126: {  	s10 =	sor.u32 s6, s12;
	v13 =	vadd.s32 v1, v10  }
0x127: {  	s17 =	simm.s32 $0x80;
	[tilespmem:s10+$0x2000] =	vst v9;
	v15 =	vadd.s32 v0, v8  }
0x128: {  	s6 =	sand.u32 $0x3FFFFC00, s17;
	v9 =	vld.idx.msk [tilespmem:v11+s19+$0x0], $0xffff  }
0x129: {  	s6 =	sor.u32 s7, s6;
	v11 =	vadd.s32 v2, v14  }
0x12a: {  	s12 =	simm.s32 $0x30;
	s13 =	simm.s32 $0x30;
	[tilespmem:s6+$0x2000] =	vst v12  }
0x12b: {  	s14 =	sand.u32 $0x70, s12;
	s12 =	sand.u32 $0x3FFFFF80, s13;
	v13 =	vld.idx.msk [tilespmem:v13+s19+$0x0], $0xffff  }
0x12c: {  	v16 =	vadd.s32 v2, v10;
	s12 =	sor.u32 s14, s12;
	v15 =	vld.idx.msk [tilespmem:v15+s19+$0x0], $0xffff  }
0x12d: {  	v17 =	vadd.s32 v1, v8;
	[tilespmem:s10+$0x2080] =	vst v9;
	v9 =	vld [tilespmem:s12+$0x0]  }
0x12e: {  	s23 =	simm.s32 $0x100;
	v11 =	vld.idx.msk [tilespmem:v11+s19+$0x0], $0xffff  }
0x12f: {  	s7 =	sand.u32 $0x3FFFFC00, s23;
	v12 =	vadd.s32 v3, v14  }
0x130: {  	s18 =	simm.s32 $0x40;
	s22 =	simm.s32 $0x40;
	s5 =	sor.u32 s5, s7;
	[tilespmem:s6+$0x2080] =	vst v13  }
0x131: {  	s17 =	sand.u32 $0x70, s18;
	s12 =	sand.u32 $0x3FFFFF80, s22;
	v16 =	vld.idx.msk [tilespmem:v16+s19+$0x0], $0xffff;
	[tilespmem:s5+$0x2000] =	vst v15  }
0x132: {  	s12 =	sor.u32 s17, s12;
	v18 =	vadd.s32 v0, v9;
	v17 =	vld.idx.msk [tilespmem:v17+s19+$0x0], $0xffff  }
0x133: {  	v15 =	vadd.s32 v3, v10;
	[tilespmem:s10+$0x2100] =	vst v11;
	v11 =	vld [tilespmem:s12+$0x0]  }
0x134: {  	v19 =	vadd.s32 v2, v8;
	v12 =	vld.idx.msk [tilespmem:v12+s19+$0x0], $0xffff  }
0x135: {  	v13 =	vadd.s32 v4, v14;
	_ =	sdelay $0x1  }
0x136: {  	[tilespmem:s6+$0x2100] =	vst v16;
	v18 =	vld.idx.msk [tilespmem:v18+s19+$0x0], $0xffff  }
0x137: {  	s25 =	simm.s32 $0x50;
	s28 =	simm.s32 $0x50;
	v20 =	vadd.s32 v1, v9;
	v15 =	vld.idx.msk [tilespmem:v15+s19+$0x0], $0xffff;
	[tilespmem:s5+$0x2080] =	vst v17  }
0x138: {  	s4 =	sand.u32 $0x70, s28;
	s18 =	simm.s32 $0x180;
	s7 =	sand.u32 $0x3FFFFF80, s25;
	v21 =	vadd.s32 v0, v11;
	v19 =	vld.idx.msk [tilespmem:v19+s19+$0x0], $0xffff;
	[tilespmem:s10+$0x2180] =	vst v12  }
0x139: {  	s7 =	sor.u32 s4, s7;
	s12 =	sand.u32 $0x3FFFFC00, s18;
	v17 =	vadd.s32 v4, v10;
	v13 =	vld.idx.msk [tilespmem:v13+s19+$0x0], $0xffff  }
0x13a: {  	v16 =	vadd.s32 v5, v14;
	v12 =	vld [tilespmem:s7+$0x0];
	s7 =	sor.u32 s14, s12  }
0x13b: {  	[tilespmem:s7+$0x2000] =	vst v18  }
0x13c: {  	v18 =	vld.idx.msk [tilespmem:v20+s19+$0x0], $0xffff;
	v20 =	vadd.s32 v3, v8  }
0x13d: {  	s23 =	simm.s32 $0x60;
	s22 =	simm.s32 $0x60;
	v22 =	vadd.s32 v2, v9;
	[tilespmem:s6+$0x2180] =	vst v15;
	v21 =	vld.idx.msk [tilespmem:v21+s19+$0x0], $0xffff  }
0x13e: {  	v23 =	vadd.s32 v1, v11;
	s14 =	sand.u32 $0x70, s23;
	s12 =	sand.u32 $0x3FFFFF80, s22;
	v17 =	vld.idx.msk [tilespmem:v17+s19+$0x0], $0xffff;
	[tilespmem:s10+$0x2200] =	vst v13  }
0x13f: {  	s25 =	simm.s32 $0x200;
	s12 =	sor.u32 s14, s12;
	[tilespmem:s5+$0x2100] =	vst v19;
	v19 =	vadd.s32 v5, v10;
	v16 =	vld.idx.msk [tilespmem:v16+s19+$0x0], $0xffff  }
0x140: {  	v15 =	vadd.s32 v6, v14;
	v13 =	vld [tilespmem:s12+$0x0];
	s12 =	sand.u32 $0x3FFFFC00, s25  }
0x141: {  	v24 =	vadd.s32 v0, v12;
	s12 =	sor.u32 s17, s12;
	v20 =	vld.idx.msk [tilespmem:v20+s19+$0x0], $0xffff;
	[tilespmem:s7+$0x2080] =	vst v18  }
0x142: {  	v25 =	vadd.s32 v4, v8;
	[tilespmem:s12+$0x2000] =	vst v21;
	v18 =	vld.idx.msk [tilespmem:v22+s19+$0x0], $0xffff  }
0x143: {  	[tilespmem:s6+$0x2200] =	vst v17;
	v21 =	vld.idx.msk [tilespmem:v23+s19+$0x0], $0xffff;
	v23 =	vadd.s32 v3, v9  }
0x144: {  	v26 =	vld.idx.msk [tilespmem:v19+s19+$0x0], $0xffff;
	[tilespmem:s10+$0x2280] =	vst v16  }
0x145: {  	v28 =	vadd.s32 v2, v11;
	v15 =	vld.idx.msk [tilespmem:v15+s19+$0x0], $0xffff  }
0x146: {  	v27 =	vadd.s32 v7, v14;
	s22 =	simm.s32 $0x70;
	s17 =	simm.s32 $0x70;
	v22 =	vld.idx.msk [tilespmem:v24+s19+$0x0], $0xffff;
	[tilespmem:s5+$0x2180] =	vst v20  }
0x147: {  	s22 =	sand.u32 $0x3FFFFF80, s22;
	s18 =	sand.u32 $0x70, s17;
	v19 =	vadd.s32 v6, v10;
	v16 =	vld.idx.msk [tilespmem:v25+s19+$0x0], $0xffff;
	[tilespmem:s7+$0x2100] =	vst v18  }
0x148: {  	s22 =	sor.u32 s18, s22;
	v17 =	vld.idx.msk [tilespmem:v23+s19+$0x0], $0xffff;
	v23 =	vadd.s32 v1, v12  }
0x149: {  	s28 =	simm.s32 $0x280;
	v14 =	vld [tilespmem:s22+$0x0];
	v18 =	vadd.s32 v5, v8;
	[tilespmem:s12+$0x2080] =	vst v21  }
0x14a: {  	s31 =	simm.s32 $0x7;
	s28 =	sand.u32 $0x3FFFFC00, s28;
	v24 =	vadd.s32 v0, v13;
	v21 =	vld.idx.msk [tilespmem:v28+s19+$0x0], $0xffff;
	[tilespmem:s10+$0x2300] =	vst v15  }
0x14b: {  	s13 =	sor.u32 s4, s28;
	s23 =	simm.s32 $0x6;
	s22 =	simm.s32 $0x8;
	v20 =	vadd.s32 v4, v9;
	[tilespmem:s6+$0x2280] =	vst v26;
	v15 =	vld.idx.msk [tilespmem:v27+s19+$0x0], $0xffff  }
.LBB2_7:
0x14c: {  	p0 =	sne.s32 s22, $0xFF;
	[tilespmem:s13+$0x2000] =	vst v22;
	v25 =	vld.idx.msk [tilespmem:v19+s19+$0x0], $0xffff;
	s28 =	smov.u32 s18  }
0x14d: {  	v27 =	vadd.s32 v3, v11;
	v26 =	vld.idx.msk [tilespmem:v23+s19+$0x0], $0xffff;
	[tilespmem:s5+$0x2200] =	vst v16  }
0x14e: {  	s25 =	sshll.u32 s22, $0x4;
	s17 =	sadd.s32 $0x10, s17;
	v29 =	vadd.s32 v7, v10;
	v10 =	vmovc v8;
	v8 =	vmovc v9;
	v9 =	vmov v11;
	v11 =	vmov v12;
	v28 =	vld.idx.msk [tilespmem:v18+s19+$0x0], $0xffff  }
0x14f: {  	v12 =	vmov v13;
	s18 =	sand.u32 $0x70, s17;
	s25 =	sand.u32 $0x3FFFFF80, s25;
	v30 =	vadd.s32 v2, v11;
	v13 =	vmov v14;
	v22 =	vld.idx.msk [tilespmem:v24+s19+$0x0], $0xffff;
	[tilespmem:s7+$0x2180] =	vst v17  }
.Ltmp2:
0x150: {  	v19 =	vadd.s32 v6, v10;
	s25 =	sor.u32 s18, s25;
	v16 =	vld.idx.msk [tilespmem:v20+s19+$0x0], $0xffff;
	[tilespmem:s10+$0x2380] =	vst v15;
	s10 =	smov.u32 s6;
	(pc) =	sbr.rel @p0 .LBB2_7-.Ltmp2, $4  }
0x151: {  	v23 =	vadd.s32 v1, v12;
	s6 =	smov.u32 s5;
	s5 =	smov.u32 s7;
	s7 =	smov.u32 s12;
	v14 =	vld [tilespmem:s25+$0x0];
	[tilespmem:s12+$0x2100] =	vst v21  }
0x152: {  	v18 =	vadd.s32 v5, v8;
	s12 =	sshll.u32 s23, $0x7;
	s23 =	smov.u32 s31;
	s31 =	smov.u32 s22;
	v17 =	vld.idx.msk [tilespmem:v27+s19+$0x0], $0xffff;
	[tilespmem:s10+$0x2300] =	vst v25  }
0x153: {  	v24 =	vadd.s32 v0, v13;
	s25 =	sand.u32 $0x3FFFFC00, s12;
	s12 =	smov.u32 s13;
	[tilespmem:s13+$0x2080] =	vst v26;
	v15 =	vld.idx.msk [tilespmem:v29+s19+$0x0], $0xffff  }
0x154: {  	v20 =	vadd.s32 v4, v9;
	s22 =	sadd.s32 $0x1, s22;
	s13 =	sor.u32 s14, s25;
	s14 =	smov.u32 s28;
	v21 =	vld.idx.msk [tilespmem:v30+s19+$0x0], $0xffff;
	[tilespmem:s6+$0x2280] =	vst v28  }
0x155: {  	_ = 	snop  }
0x156: {  	v25 =	vadd.s32 v0, v14;
	_ =	sdelay $0x3  }
0x157: {  	v24 =	vld.idx.msk [tilespmem:v24+s19+$0x0], $0xffff  }
0x158: {  	v26 =	vadd.s32 v1, v13;
	v25 =	vld.idx.msk [tilespmem:v25+s19+$0x0], $0xffff  }
0x159: {  	s17 =	sshll.u32 s23, $0x7;
	v27 =	vadd.s32 v1, v14  }
0x15a: {  	s22 =	sshll.u32 s31, $0x7;
	s17 =	sand.u32 $0x3FFFFC00, s17  }
0x15b: {  	[tilespmem:s13+$0x2000] =	vst v22;
	s4 =	sand.u32 $0x3FFFFC00, s22;
	s14 =	sor.u32 s14, s17  }
0x15c: {  	v22 =	vld.idx.msk [tilespmem:v23+s19+$0x0], $0xffff;
	s17 =	sor.u32 s18, s4;
	[tilespmem:s14+$0x2000] =	vst v24  }
0x15d: {  	v23 =	vadd.s32 v2, v12;
	v24 =	vld.idx.msk [tilespmem:v26+s19+$0x0], $0xffff;
	[tilespmem:s17+$0x2000] =	vst v25  }
0x15e: {  	v25 =	vadd.s32 v2, v13;
	v26 =	vld.idx.msk [tilespmem:v27+s19+$0x0], $0xffff  }
0x15f: {  	v27 =	vadd.s32 v2, v14;
	_ =	sdelay $0x1  }
0x160: {  	[tilespmem:s13+$0x2080] =	vst v22  }
0x161: {  	v22 =	vadd.s32 v3, v11;
	v23 =	vld.idx.msk [tilespmem:v23+s19+$0x0], $0xffff;
	[tilespmem:s14+$0x2080] =	vst v24  }
0x162: {  	v24 =	vadd.s32 v3, v12;
	v25 =	vld.idx.msk [tilespmem:v25+s19+$0x0], $0xffff;
	[tilespmem:s17+$0x2080] =	vst v26  }
0x163: {  	[tilespmem:s5+$0x2200] =	vst v16;
	v16 =	vadd.s32 v3, v13;
	v26 =	vld.idx.msk [tilespmem:v27+s19+$0x0], $0xffff  }
0x164: {  	[tilespmem:s7+$0x2180] =	vst v17;
	v17 =	vadd.s32 v3, v14  }
0x165: {  	v19 =	vld.idx.msk [tilespmem:v19+s19+$0x0], $0xffff;
	[tilespmem:s12+$0x2100] =	vst v21  }
0x166: {  	v21 =	vld.idx.msk [tilespmem:v22+s19+$0x0], $0xffff;
	[tilespmem:s13+$0x2100] =	vst v23  }
0x167: {  	v22 =	vadd.s32 v4, v11;
	v23 =	vld.idx.msk [tilespmem:v24+s19+$0x0], $0xffff;
	[tilespmem:s14+$0x2100] =	vst v25  }
0x168: {  	v24 =	vadd.s32 v4, v12;
	v16 =	vld.idx.msk [tilespmem:v16+s19+$0x0], $0xffff;
	[tilespmem:s17+$0x2100] =	vst v26  }
0x169: {  	[tilespmem:s10+$0x2380] =	vst v15;
	v15 =	vadd.s32 v4, v13;
	v17 =	vld.idx.msk [tilespmem:v17+s19+$0x0], $0xffff  }
0x16a: {  	v18 =	vld.idx.msk [tilespmem:v18+s19+$0x0], $0xffff;
	[tilespmem:s6+$0x2300] =	vst v19;
	v19 =	vadd.s32 v4, v14  }
0x16b: {  	v10 =	vadd.s32 v7, v10;
	v20 =	vld.idx.msk [tilespmem:v20+s19+$0x0], $0xffff;
	[tilespmem:s12+$0x2180] =	vst v21  }
0x16c: {  	v21 =	vadd.s32 v5, v9;
	v22 =	vld.idx.msk [tilespmem:v22+s19+$0x0], $0xffff;
	[tilespmem:s13+$0x2180] =	vst v23  }
0x16d: {  	v23 =	vadd.s32 v5, v11;
	v24 =	vld.idx.msk [tilespmem:v24+s19+$0x0], $0xffff;
	[tilespmem:s14+$0x2180] =	vst v16  }
0x16e: {  	v16 =	vadd.s32 v5, v12;
	v15 =	vld.idx.msk [tilespmem:v15+s19+$0x0], $0xffff;
	[tilespmem:s17+$0x2180] =	vst v17  }
0x16f: {  	[tilespmem:s5+$0x2280] =	vst v18;
	v17 =	vadd.s32 v5, v13;
	v18 =	vld.idx.msk [tilespmem:v19+s19+$0x0], $0xffff  }
0x170: {  	v10 =	vld.idx.msk [tilespmem:v10+s19+$0x0], $0xffff;
	[tilespmem:s7+$0x2200] =	vst v20;
	v19 =	vadd.s32 v5, v14  }
0x171: {  	v20 =	vadd.s32 v6, v8;
	v21 =	vld.idx.msk [tilespmem:v21+s19+$0x0], $0xffff;
	[tilespmem:s12+$0x2200] =	vst v22  }
0x172: {  	v22 =	vadd.s32 v6, v9;
	v23 =	vld.idx.msk [tilespmem:v23+s19+$0x0], $0xffff;
	[tilespmem:s13+$0x2200] =	vst v24  }
0x173: {  	v24 =	vadd.s32 v6, v11;
	v16 =	vld.idx.msk [tilespmem:v16+s19+$0x0], $0xffff;
	[tilespmem:s14+$0x2200] =	vst v15  }
0x174: {  	v15 =	vadd.s32 v6, v12;
	v17 =	vld.idx.msk [tilespmem:v17+s19+$0x0], $0xffff;
	[tilespmem:s17+$0x2200] =	vst v18  }
0x175: {  	[tilespmem:s6+$0x2380] =	vst v10;
	v10 =	vadd.s32 v6, v13;
	v18 =	vld.idx.msk [tilespmem:v19+s19+$0x0], $0xffff  }
0x176: {  	[tilespmem:s7+$0x2280] =	vst v21;
	v19 =	vld.idx.msk [tilespmem:v20+s19+$0x0], $0xffff;
	v20 =	vadd.s32 v6, v14  }
0x177: {  	v8 =	vadd.s32 v7, v8;
	v21 =	vld.idx.msk [tilespmem:v22+s19+$0x0], $0xffff;
	[tilespmem:s12+$0x2280] =	vst v23  }
0x178: {  	v9 =	vadd.s32 v7, v9;
	v22 =	vld.idx.msk [tilespmem:v24+s19+$0x0], $0xffff;
	[tilespmem:s13+$0x2280] =	vst v16  }
0x179: {  	v11 =	vadd.s32 v7, v11;
	v15 =	vld.idx.msk [tilespmem:v15+s19+$0x0], $0xffff;
	[tilespmem:s14+$0x2280] =	vst v17  }
0x17a: {  	v12 =	vadd.s32 v7, v12;
	v10 =	vld.idx.msk [tilespmem:v10+s19+$0x0], $0xffff;
	[tilespmem:s17+$0x2280] =	vst v18  }
0x17b: {  	v13 =	vadd.s32 v7, v13;
	[tilespmem:s5+$0x2300] =	vst v19;
	v16 =	vld.idx.msk [tilespmem:v20+s19+$0x0], $0xffff  }
0x17c: {  	[tilespmem:s7+$0x2300] =	vst v21;
	v14 =	vadd.s32 v7, v14;
	v8 =	vld.idx.msk [tilespmem:v8+s19+$0x0], $0xffff  }
0x17d: {  	v9 =	vld.idx.msk [tilespmem:v9+s19+$0x0], $0xffff;
	[tilespmem:s12+$0x2300] =	vst v22  }
0x17e: {  	v11 =	vld.idx.msk [tilespmem:v11+s19+$0x0], $0xffff;
	[tilespmem:s13+$0x2300] =	vst v15  }
0x17f: {  	v12 =	vld.idx.msk [tilespmem:v12+s19+$0x0], $0xffff;
	[tilespmem:s14+$0x2300] =	vst v10  }
0x180: {  	v10 =	vld.idx.msk [tilespmem:v13+s19+$0x0], $0xffff;
	[tilespmem:s17+$0x2300] =	vst v16  }
0x181: {  	[tilespmem:s5+$0x2380] =	vst v8;
	s5 =	sshll.u32 s1, $0x1;
	v8 =	vld.idx.msk [tilespmem:v14+s19+$0x0], $0xffff  }
0x182: {  	[tilespmem:s7+$0x2380] =	vst v9;
	s22 =	sadd.s32 s5, s9  }
0x183: {  	[tilespmem:s12+$0x2380] =	vst v11;
	s6 =	sshll.u32 s22, $0x11  }
0x184: {  	[tilespmem:s13+$0x2380] =	vst v12;
	s6 =	sor.u32 s8, s6  }
0x185: {  	s23 =	simm.s32 $0x0;
	[tilespmem:s14+$0x2380] =	vst v10;
	s6 =	sshrl.u32 s6, $0x3  }
0x186: {  	s4 =	simm.s32 $0x2000;
	s25 =	sadd.s32 s5, s15;
	s6 =	sadd.s32 s3, s6;
	[tilespmem:s17+$0x2380] =	vst v8  }
0x187: {  	[hbm4b:s6+s23] =	stream.linear.scatter [tilespmem:s4], [sflag:$0x3], $0x8000, $0x38;
	[tilespmem:$0x19D00] =	vst v63  }
0x188: {  	s4 =	sshll.u32 s25, $0x4  }
0x189: {  	s6 =	sshll.u32 s25, $0x9;
	s10 =	sand.u32 $0x70, s4  }
0x18a: {  	s6 =	sand.u32 $0x3F000, s6;
	s10 =	sadd.s32 s2, s10  }
0x18b: {  	s6 =	sadd.s32 s6, s10  }
0x18c: {  	[tilespmem:s23], [sflag:$0x1] =	stream.strided.gather [hbm4b:s6+s20], $0x1000, s21, s20, $0x38;
	[tilespmem:$0x19D00] =	vst v63  }
0x18d: {  	_ =	swait.ge [sflag:s26], $0x1000  }
0x18e: {  	[sflag:s26] =	ssyncset.done $0x0  }
0x18f: {  	[sflag:s26] =	ssyncadd.s32 $0xFFFFF000  }
0x190: {  	s10 =	simm.s32 $0x0;
	_ =	swait.ge [sflag:s30], $0x8000  }
0x191: {  	s7 =	sand.u32 $0x70, s23;
	s6 =	sand.u32 $0x3FFFFF80, s10;
	[sflag:s30] =	ssyncset.done $0x0  }
0x192: {  	s6 =	sor.u32 s7, s6;
	[sflag:s30] =	ssyncadd.s32 $0xFFFF8000  }
0x193: {  	v14 =	vld [tilespmem:s6+$0x1000]  }
0x194: {  	s12 =	simm.s32 $0x10;
	s13 =	simm.s32 $0x10  }
0x195: {  	s10 =	sand.u32 $0x70, s13;
	s6 =	sand.u32 $0x3FFFFF80, s12  }
0x196: {  	s6 =	sor.u32 s10, s6  }
0x197: {  	v10 =	vld [tilespmem:s6+$0x1000]  }
0x198: {  	v8 =	vadd.s32 v0, v14;
	_ =	sdelay $0x2  }
0x199: {  	s14 =	simm.s32 $0x20;
	s17 =	simm.s32 $0x20  }
0x19a: {  	s12 =	sand.u32 $0x3FFFFF80, s17;
	s6 =	sand.u32 $0x70, s14;
	v12 =	vadd.s32 v0, v10  }
0x19b: {  	s22 =	sor.u32 s6, s12;
	v9 =	vld.idx.msk [tilespmem:v8+s19+$0x0], $0xffff  }
0x19c: {  	v8 =	vld [tilespmem:s22+$0x1000]  }
0x19d: {  	v11 =	vadd.s32 v1, v14  }
0x19e: {  	s18 =	simm.s32 $0x0  }
0x19f: {  	s13 =	sand.u32 $0x3FFFFC00, s18;
	v12 =	vld.idx.msk [tilespmem:v12+s19+$0x0], $0xffff  }
0x1a0: {  	s12 =	sor.u32 s7, s13;
	v13 =	vadd.s32 v1, v10  }
0x1a1: {  	s4 =	simm.s32 $0x80;
	[tilespmem:s12+$0xA000] =	vst v9;
	v15 =	vadd.s32 v0, v8  }
0x1a2: {  	s7 =	sand.u32 $0x3FFFFC00, s4;
	v9 =	vld.idx.msk [tilespmem:v11+s19+$0x0], $0xffff  }
0x1a3: {  	s7 =	sor.u32 s10, s7;
	v11 =	vadd.s32 v2, v14  }
0x1a4: {  	s25 =	simm.s32 $0x30;
	s23 =	simm.s32 $0x30;
	[tilespmem:s7+$0xA000] =	vst v12  }
0x1a5: {  	s17 =	sand.u32 $0x70, s23;
	s13 =	sand.u32 $0x3FFFFF80, s25;
	v13 =	vld.idx.msk [tilespmem:v13+s19+$0x0], $0xffff  }
0x1a6: {  	s13 =	sor.u32 s17, s13;
	v16 =	vadd.s32 v2, v10;
	v15 =	vld.idx.msk [tilespmem:v15+s19+$0x0], $0xffff  }
0x1a7: {  	v17 =	vadd.s32 v1, v8;
	[tilespmem:s12+$0xA080] =	vst v9;
	v9 =	vld [tilespmem:s13+$0x1000]  }
0x1a8: {  	s22 =	simm.s32 $0x100;
	v11 =	vld.idx.msk [tilespmem:v11+s19+$0x0], $0xffff  }
0x1a9: {  	s10 =	sand.u32 $0x3FFFFC00, s22;
	v12 =	vadd.s32 v3, v14  }
0x1aa: {  	s14 =	simm.s32 $0x40;
	s6 =	sor.u32 s6, s10;
	s13 =	simm.s32 $0x40;
	[tilespmem:s7+$0xA080] =	vst v13  }
0x1ab: {  	s18 =	sand.u32 $0x70, s13;
	s13 =	sand.u32 $0x3FFFFF80, s14;
	v16 =	vld.idx.msk [tilespmem:v16+s19+$0x0], $0xffff;
	[tilespmem:s6+$0xA000] =	vst v15  }
0x1ac: {  	s13 =	sor.u32 s18, s13;
	v18 =	vadd.s32 v0, v9;
	v17 =	vld.idx.msk [tilespmem:v17+s19+$0x0], $0xffff  }
0x1ad: {  	v15 =	vadd.s32 v3, v10;
	[tilespmem:s12+$0xA100] =	vst v11;
	v11 =	vld [tilespmem:s13+$0x1000]  }
0x1ae: {  	v19 =	vadd.s32 v2, v8;
	v12 =	vld.idx.msk [tilespmem:v12+s19+$0x0], $0xffff  }
0x1af: {  	v13 =	vadd.s32 v4, v14;
	_ =	sdelay $0x1  }
0x1b0: {  	[tilespmem:s7+$0xA100] =	vst v16;
	v18 =	vld.idx.msk [tilespmem:v18+s19+$0x0], $0xffff  }
0x1b1: {  	s23 =	simm.s32 $0x50;
	s25 =	simm.s32 $0x50;
	v20 =	vadd.s32 v1, v9;
	v15 =	vld.idx.msk [tilespmem:v15+s19+$0x0], $0xffff;
	[tilespmem:s6+$0xA080] =	vst v17  }
0x1b2: {  	s4 =	simm.s32 $0x180;
	s10 =	sand.u32 $0x3FFFFF80, s23;
	s14 =	sand.u32 $0x70, s25;
	v21 =	vadd.s32 v0, v11;
	v19 =	vld.idx.msk [tilespmem:v19+s19+$0x0], $0xffff;
	[tilespmem:s12+$0xA180] =	vst v12  }
0x1b3: {  	s10 =	sor.u32 s14, s10;
	s13 =	sand.u32 $0x3FFFFC00, s4;
	v17 =	vadd.s32 v4, v10;
	v13 =	vld.idx.msk [tilespmem:v13+s19+$0x0], $0xffff  }
0x1b4: {  	v16 =	vadd.s32 v5, v14;
	v12 =	vld [tilespmem:s10+$0x1000];
	s10 =	sor.u32 s17, s13  }
0x1b5: {  	[tilespmem:s10+$0xA000] =	vst v18  }
0x1b6: {  	v18 =	vld.idx.msk [tilespmem:v20+s19+$0x0], $0xffff;
	v20 =	vadd.s32 v3, v8  }
0x1b7: {  	s22 =	simm.s32 $0x60;
	s23 =	simm.s32 $0x60;
	v22 =	vadd.s32 v2, v9;
	[tilespmem:s7+$0xA180] =	vst v15;
	v21 =	vld.idx.msk [tilespmem:v21+s19+$0x0], $0xffff  }
0x1b8: {  	v23 =	vadd.s32 v1, v11;
	s17 =	sand.u32 $0x70, s23;
	s13 =	sand.u32 $0x3FFFFF80, s22;
	v17 =	vld.idx.msk [tilespmem:v17+s19+$0x0], $0xffff;
	[tilespmem:s12+$0xA200] =	vst v13  }
0x1b9: {  	s25 =	simm.s32 $0x200;
	s13 =	sor.u32 s17, s13;
	[tilespmem:s6+$0xA100] =	vst v19;
	v19 =	vadd.s32 v5, v10;
	v16 =	vld.idx.msk [tilespmem:v16+s19+$0x0], $0xffff  }
0x1ba: {  	v15 =	vadd.s32 v6, v14;
	v13 =	vld [tilespmem:s13+$0x1000];
	s13 =	sand.u32 $0x3FFFFC00, s25  }
0x1bb: {  	v24 =	vadd.s32 v0, v12;
	s13 =	sor.u32 s18, s13;
	v20 =	vld.idx.msk [tilespmem:v20+s19+$0x0], $0xffff;
	[tilespmem:s10+$0xA080] =	vst v18  }
0x1bc: {  	v25 =	vadd.s32 v4, v8;
	[tilespmem:s13+$0xA000] =	vst v21;
	v18 =	vld.idx.msk [tilespmem:v22+s19+$0x0], $0xffff  }
0x1bd: {  	[tilespmem:s7+$0xA200] =	vst v17;
	v21 =	vld.idx.msk [tilespmem:v23+s19+$0x0], $0xffff;
	v23 =	vadd.s32 v3, v9  }
0x1be: {  	v26 =	vld.idx.msk [tilespmem:v19+s19+$0x0], $0xffff;
	[tilespmem:s12+$0xA280] =	vst v16  }
0x1bf: {  	v28 =	vadd.s32 v2, v11;
	v15 =	vld.idx.msk [tilespmem:v15+s19+$0x0], $0xffff  }
0x1c0: {  	v27 =	vadd.s32 v7, v14;
	s4 =	simm.s32 $0x70;
	s18 =	simm.s32 $0x70;
	v22 =	vld.idx.msk [tilespmem:v24+s19+$0x0], $0xffff;
	[tilespmem:s6+$0xA180] =	vst v20  }
0x1c1: {  	s22 =	sand.u32 $0x3FFFFF80, s4;
	s23 =	sand.u32 $0x70, s18;
	v19 =	vadd.s32 v6, v10;
	v16 =	vld.idx.msk [tilespmem:v25+s19+$0x0], $0xffff;
	[tilespmem:s10+$0xA100] =	vst v18  }
0x1c2: {  	s22 =	sor.u32 s23, s22;
	v17 =	vld.idx.msk [tilespmem:v23+s19+$0x0], $0xffff;
	v23 =	vadd.s32 v1, v12  }
0x1c3: {  	s25 =	simm.s32 $0x280;
	v14 =	vld [tilespmem:s22+$0x1000];
	v18 =	vadd.s32 v5, v8;
	[tilespmem:s13+$0xA080] =	vst v21  }
0x1c4: {  	s31 =	simm.s32 $0x6;
	s25 =	sand.u32 $0x3FFFFC00, s25;
	v24 =	vadd.s32 v0, v13;
	v21 =	vld.idx.msk [tilespmem:v28+s19+$0x0], $0xffff;
	[tilespmem:s12+$0xA300] =	vst v15  }
0x1c5: {  	s28 =	simm.s32 $0x8;
	s14 =	sor.u32 s14, s25;
	s22 =	simm.s32 $0x7;
	v20 =	vadd.s32 v4, v9;
	[tilespmem:s7+$0xA280] =	vst v26;
	v15 =	vld.idx.msk [tilespmem:v27+s19+$0x0], $0xffff  }
.LBB2_9:
0x1c6: {  	p0 =	sne.s32 s28, $0xFF;
	[tilespmem:s14+$0xA000] =	vst v22;
	v25 =	vld.idx.msk [tilespmem:v19+s19+$0x0], $0xffff;
	s25 =	smov.u32 s23  }
0x1c7: {  	v27 =	vadd.s32 v3, v11;
	v26 =	vld.idx.msk [tilespmem:v23+s19+$0x0], $0xffff;
	[tilespmem:s6+$0xA200] =	vst v16  }
0x1c8: {  	s4 =	sshll.u32 s28, $0x4;
	s18 =	sadd.s32 $0x10, s18;
	v29 =	vadd.s32 v7, v10;
	v10 =	vmovc v8;
	v8 =	vmovc v9;
	v9 =	vmov v11;
	v11 =	vmov v12;
	v28 =	vld.idx.msk [tilespmem:v18+s19+$0x0], $0xffff  }
0x1c9: {  	v12 =	vmov v13;
	s23 =	sand.u32 $0x70, s18;
	s4 =	sand.u32 $0x3FFFFF80, s4;
	v30 =	vadd.s32 v2, v11;
	v13 =	vmov v14;
	v22 =	vld.idx.msk [tilespmem:v24+s19+$0x0], $0xffff;
	[tilespmem:s10+$0xA180] =	vst v17  }
.Ltmp3:
0x1ca: {  	v19 =	vadd.s32 v6, v10;
	s4 =	sor.u32 s23, s4;
	v16 =	vld.idx.msk [tilespmem:v20+s19+$0x0], $0xffff;
	[tilespmem:s12+$0xA380] =	vst v15;
	s12 =	smov.u32 s7;
	(pc) =	sbr.rel @p0 .LBB2_9-.Ltmp3, $4  }
0x1cb: {  	v23 =	vadd.s32 v1, v12;
	s7 =	smov.u32 s6;
	s6 =	smov.u32 s10;
	s10 =	smov.u32 s13;
	v14 =	vld [tilespmem:s4+$0x1000];
	[tilespmem:s13+$0xA100] =	vst v21  }
0x1cc: {  	v18 =	vadd.s32 v5, v8;
	s4 =	sshll.u32 s31, $0x7;
	s31 =	smov.u32 s22;
	s22 =	smov.u32 s28;
	v17 =	vld.idx.msk [tilespmem:v27+s19+$0x0], $0xffff;
	[tilespmem:s12+$0xA300] =	vst v25  }
0x1cd: {  	v24 =	vadd.s32 v0, v13;
	s13 =	smov.u32 s14;
	s4 =	sand.u32 $0x3FFFFC00, s4;
	[tilespmem:s14+$0xA080] =	vst v26;
	v15 =	vld.idx.msk [tilespmem:v29+s19+$0x0], $0xffff  }
0x1ce: {  	v20 =	vadd.s32 v4, v9;
	s28 =	sadd.s32 $0x1, s28;
	s14 =	sor.u32 s17, s4;
	s17 =	smov.u32 s25;
	v21 =	vld.idx.msk [tilespmem:v30+s19+$0x0], $0xffff;
	[tilespmem:s7+$0xA280] =	vst v28  }
0x1cf: {  	_ = 	snop  }
0x1d0: {  	v25 =	vadd.s32 v0, v14;
	_ =	sdelay $0x3  }
0x1d1: {  	v24 =	vld.idx.msk [tilespmem:v24+s19+$0x0], $0xffff  }
0x1d2: {  	v26 =	vadd.s32 v1, v13;
	v25 =	vld.idx.msk [tilespmem:v25+s19+$0x0], $0xffff  }
0x1d3: {  	s4 =	sshll.u32 s31, $0x7;
	v27 =	vadd.s32 v1, v14  }
0x1d4: {  	s18 =	sshll.u32 s22, $0x7;
	s4 =	sand.u32 $0x3FFFFC00, s4  }
0x1d5: {  	[tilespmem:s14+$0xA000] =	vst v22;
	s25 =	sand.u32 $0x3FFFFC00, s18;
	s17 =	sor.u32 s17, s4  }
0x1d6: {  	v22 =	vld.idx.msk [tilespmem:v23+s19+$0x0], $0xffff;
	s18 =	sor.u32 s23, s25;
	[tilespmem:s17+$0xA000] =	vst v24  }
0x1d7: {  	v32 =	vadd.s32 v2, v12;
	v24 =	vld.idx.msk [tilespmem:v26+s19+$0x0], $0xffff;
	[tilespmem:s18+$0xA000] =	vst v25  }
0x1d8: {  	v33 =	vadd.s32 v2, v13;
	v34 =	vld.idx.msk [tilespmem:v27+s19+$0x0], $0xffff  }
0x1d9: {  	v35 =	vadd.s32 v2, v14;
	_ =	sdelay $0x1  }
0x1da: {  	[tilespmem:s14+$0xA080] =	vst v22  }
0x1db: {  	v36 =	vadd.s32 v3, v11;
	v23 =	vld.idx.msk [tilespmem:v32+s19+$0x0], $0xffff;
	[tilespmem:s17+$0xA080] =	vst v24  }
0x1dc: {  	v37 =	vadd.s32 v3, v12;
	v25 =	vld.idx.msk [tilespmem:v33+s19+$0x0], $0xffff;
	[tilespmem:s18+$0xA080] =	vst v34  }
0x1dd: {  	[tilespmem:s6+$0xA200] =	vst v16;
	v38 =	vadd.s32 v3, v13;
	v26 =	vld.idx.msk [tilespmem:v35+s19+$0x0], $0xffff  }
0x1de: {  	v39 =	vadd.s32 v3, v14;
	[tilespmem:s10+$0xA180] =	vst v17  }
0x1df: {  	v19 =	vld.idx.msk [tilespmem:v19+s19+$0x0], $0xffff;
	[tilespmem:s13+$0xA100] =	vst v21  }
0x1e0: {  	v21 =	vld.idx.msk [tilespmem:v36+s19+$0x0], $0xffff;
	[tilespmem:s14+$0xA100] =	vst v23  }
0x1e1: {  	v40 =	vadd.s32 v4, v11;
	v23 =	vld.idx.msk [tilespmem:v37+s19+$0x0], $0xffff;
	[tilespmem:s17+$0xA100] =	vst v25  }
0x1e2: {  	v41 =	vadd.s32 v4, v12;
	v16 =	vld.idx.msk [tilespmem:v38+s19+$0x0], $0xffff;
	[tilespmem:s18+$0xA100] =	vst v26  }
0x1e3: {  	v42 =	vadd.s32 v4, v13;
	[tilespmem:s12+$0xA380] =	vst v15;
	v17 =	vld.idx.msk [tilespmem:v39+s19+$0x0], $0xffff  }
0x1e4: {  	v18 =	vld.idx.msk [tilespmem:v18+s19+$0x0], $0xffff;
	v43 =	vadd.s32 v4, v14;
	[tilespmem:s7+$0xA300] =	vst v19  }
0x1e5: {  	v10 =	vadd.s32 v7, v10;
	v20 =	vld.idx.msk [tilespmem:v20+s19+$0x0], $0xffff;
	[tilespmem:s13+$0xA180] =	vst v21  }
0x1e6: {  	v44 =	vadd.s32 v5, v9;
	v22 =	vld.idx.msk [tilespmem:v40+s19+$0x0], $0xffff;
	[tilespmem:s14+$0xA180] =	vst v23  }
0x1e7: {  	v45 =	vadd.s32 v5, v11;
	v24 =	vld.idx.msk [tilespmem:v41+s19+$0x0], $0xffff;
	[tilespmem:s17+$0xA180] =	vst v16  }
0x1e8: {  	v46 =	vadd.s32 v5, v12;
	v15 =	vld.idx.msk [tilespmem:v42+s19+$0x0], $0xffff;
	[tilespmem:s18+$0xA180] =	vst v17  }
0x1e9: {  	v47 =	vadd.s32 v5, v13;
	[tilespmem:s6+$0xA280] =	vst v18;
	v48 =	vld.idx.msk [tilespmem:v43+s19+$0x0], $0xffff  }
0x1ea: {  	v49 =	vadd.s32 v5, v14;
	v10 =	vld.idx.msk [tilespmem:v10+s19+$0x0], $0xffff;
	[tilespmem:s10+$0xA200] =	vst v20  }
0x1eb: {  	v50 =	vadd.s32 v6, v8;
	v21 =	vld.idx.msk [tilespmem:v44+s19+$0x0], $0xffff;
	[tilespmem:s13+$0xA200] =	vst v22  }
0x1ec: {  	v51 =	vadd.s32 v6, v9;
	v23 =	vld.idx.msk [tilespmem:v45+s19+$0x0], $0xffff;
	[tilespmem:s14+$0xA200] =	vst v24  }
0x1ed: {  	v52 =	vadd.s32 v6, v11;
	v16 =	vld.idx.msk [tilespmem:v46+s19+$0x0], $0xffff;
	[tilespmem:s17+$0xA200] =	vst v15  }
0x1ee: {  	v53 =	vadd.s32 v6, v12;
	v17 =	vld.idx.msk [tilespmem:v47+s19+$0x0], $0xffff;
	[tilespmem:s18+$0xA200] =	vst v48  }
0x1ef: {  	v54 =	vadd.s32 v6, v13;
	[tilespmem:s7+$0xA380] =	vst v10;
	v18 =	vld.idx.msk [tilespmem:v49+s19+$0x0], $0xffff  }
0x1f0: {  	v56 =	vadd.s32 v6, v14;
	v55 =	vld.idx.msk [tilespmem:v50+s19+$0x0], $0xffff;
	[tilespmem:s10+$0xA280] =	vst v21  }
0x1f1: {  	v8 =	vadd.s32 v7, v8;
	v21 =	vld.idx.msk [tilespmem:v51+s19+$0x0], $0xffff;
	[tilespmem:s13+$0xA280] =	vst v23  }
0x1f2: {  	v57 =	vadd.s32 v7, v9;
	v58 =	vld.idx.msk [tilespmem:v52+s19+$0x0], $0xffff;
	[tilespmem:s14+$0xA280] =	vst v16  }
0x1f3: {  	v59 =	vadd.s32 v7, v11;
	v15 =	vld.idx.msk [tilespmem:v53+s19+$0x0], $0xffff;
	[tilespmem:s17+$0xA280] =	vst v17  }
0x1f4: {  	v60 =	vadd.s32 v7, v12;
	v10 =	vld.idx.msk [tilespmem:v54+s19+$0x0], $0xffff;
	[tilespmem:s18+$0xA280] =	vst v18  }
0x1f5: {  	v61 =	vadd.s32 v7, v13;
	[tilespmem:s6+$0xA300] =	vst v55;
	v62 =	vld.idx.msk [tilespmem:v56+s19+$0x0], $0xffff  }
0x1f6: {  	v63 =	vadd.s32 v7, v14;
	v8 =	vld.idx.msk [tilespmem:v8+s19+$0x0], $0xffff;
	[tilespmem:s10+$0xA300] =	vst v21  }
0x1f7: {  	v9 =	vld.idx.msk [tilespmem:v57+s19+$0x0], $0xffff;
	[tilespmem:s13+$0xA300] =	vst v58  }
0x1f8: {  	v11 =	vld.idx.msk [tilespmem:v59+s19+$0x0], $0xffff;
	[tilespmem:s14+$0xA300] =	vst v15  }
0x1f9: {  	v12 =	vld.idx.msk [tilespmem:v60+s19+$0x0], $0xffff;
	[tilespmem:s17+$0xA300] =	vst v10  }
0x1fa: {  	v10 =	vld.idx.msk [tilespmem:v61+s19+$0x0], $0xffff;
	[tilespmem:s18+$0xA300] =	vst v62  }
0x1fb: {  	[tilespmem:s6+$0xA380] =	vst v8;
	v8 =	vld.idx.msk [tilespmem:v63+s19+$0x0], $0xffff  }
0x1fc: {  	s28 =	sadd.s32 s5, s11;
	p0 =	seq.s32 s1, $0xA;
	[tilespmem:s10+$0xA380] =	vst v9  }
.Ltmp4:
0x1fd: {  	s4 =	sshll.u32 s28, $0x11;
	[tilespmem:s13+$0xA380] =	vst v11;
	(pc) =	sbr.rel @p0 .LBB2_12-.Ltmp4, $4  }
0x1fe: {  	s4 =	sor.u32 s8, s4;
	[tilespmem:s14+$0xA380] =	vst v12  }
0x1ff: {  	s4 =	sshrl.u32 s4, $0x3;
	[tilespmem:s17+$0xA380] =	vst v10  }
0x200: {  	s31 =	simm.s32 $0xA000;
	s25 =	simm.s32 $0x0;
	s4 =	sadd.s32 s3, s4;
	[tilespmem:s18+$0xA380] =	vst v8  }
0x201: {  	[hbm4b:s4+s25] =	stream.linear.scatter [tilespmem:s31], [sflag:$0x4], $0x8000, $0x38;
	[tilespmem:$0x19D00] =	vst v63  }
0x202: {  	s4 =	sadd.s32 s5, s16  }
.Ltmp5:
0x203: {  	s5 =	sshll.u32 s4, $0x4;
	(pc) =	sbr.rel .LBB2_6-.Ltmp5, $4  }
0x204: {  	s4 =	sshll.u32 s4, $0x9;
	s5 =	sand.u32 $0x70, s5  }
0x205: {  	s4 =	sand.u32 $0x3F000, s4;
	s5 =	sadd.s32 s2, s5  }
0x206: {  	s31 =	simm.s32 $0x1000;
	s1 =	sadd.s32 $0x1, s1;
	s4 =	sadd.s32 s4, s5  }
0x207: {  	[tilespmem:s31], [sflag:$0x2] =	stream.strided.gather [hbm4b:s4+s20], $0x1000, s21, s20, $0x38;
	[tilespmem:$0x19D00] =	vst v63  }
.LBB2_12:
0x208: {  	_ =	swait.ge [sflag:s24], $0x1000  }
0x209: {  	[sflag:s24] =	ssyncset.done $0x0  }
0x20a: {  	[sflag:s24] =	ssyncadd.s32 $0xFFFFF000  }
0x20b: {  	s0 =	simm.s32 $0x0;
	s1 =	simm.s32 $0x0;
	_ =	swait.ge [sflag:s29], $0x8000  }
0x20c: {  	s0 =	sand.u32 $0x70, s0;
	s1 =	sand.u32 $0x3FFFFF80, s1;
	[sflag:s29] =	ssyncset.done $0x0  }
0x20d: {  	s1 =	sor.u32 s0, s1;
	[sflag:s29] =	ssyncadd.s32 $0xFFFF8000  }
0x20e: {  	v14 =	vld [tilespmem:s1+$0x0]  }
0x20f: {  	s12 =	simm.s32 $0x10;
	s4 =	simm.s32 $0x10  }
0x210: {  	s4 =	sand.u32 $0x70, s4;
	s1 =	sand.u32 $0x3FFFFF80, s12  }
0x211: {  	s1 =	sor.u32 s4, s1  }
0x212: {  	v10 =	vld [tilespmem:s1+$0x0]  }
0x213: {  	v8 =	vadd.s32 v0, v14;
	_ =	sdelay $0x3  }
0x214: {  	v12 =	vadd.s32 v0, v10  }
0x215: {  	s13 =	simm.s32 $0x20;
	s5 =	simm.s32 $0x20;
	v9 =	vld.idx.msk [tilespmem:v8+s19+$0x0], $0xffff  }
0x216: {  	s7 =	sand.u32 $0x70, s13;
	s5 =	sand.u32 $0x3FFFFF80, s5;
	v11 =	vadd.s32 v1, v14  }
0x217: {  	s14 =	simm.s32 $0x0;
	s5 =	sor.u32 s7, s5  }
0x218: {  	s1 =	sand.u32 $0x3FFFFC00, s14;
	v8 =	vld [tilespmem:s5+$0x0]  }
0x219: {  	s6 =	sor.u32 s0, s1;
	v12 =	vld.idx.msk [tilespmem:v12+s19+$0x0], $0xffff  }
0x21a: {  	s17 =	simm.s32 $0x30;
	v13 =	vadd.s32 v1, v10;
	[tilespmem:s6+$0x2000] =	vst v9  }
0x21b: {  	s18 =	simm.s32 $0x30;
	s23 =	simm.s32 $0x80;
	s22 =	sand.u32 $0x70, s17;
	v9 =	vld.idx.msk [tilespmem:v11+s19+$0x0], $0xffff  }
0x21c: {  	s1 =	sand.u32 $0x3FFFFF80, s18;
	s0 =	sand.u32 $0x3FFFFC00, s23;
	v11 =	vadd.s32 v2, v14  }
0x21d: {  	s10 =	sor.u32 s22, s1;
	s1 =	sor.u32 s4, s0;
	v15 =	vadd.s32 v0, v8  }
0x21e: {  	[tilespmem:s1+$0x2000] =	vst v12  }
0x21f: {  	v13 =	vld.idx.msk [tilespmem:v13+s19+$0x0], $0xffff  }
0x220: {  	v16 =	vadd.s32 v2, v10;
	[tilespmem:s6+$0x2080] =	vst v9;
	v9 =	vld [tilespmem:s10+$0x0]  }
0x221: {  	v11 =	vld.idx.msk [tilespmem:v11+s19+$0x0], $0xffff  }
0x222: {  	v12 =	vadd.s32 v3, v14;
	v15 =	vld.idx.msk [tilespmem:v15+s19+$0x0], $0xffff  }
0x223: {  	s28 =	simm.s32 $0x40;
	s31 =	simm.s32 $0x40;
	v17 =	vadd.s32 v1, v8  }
0x224: {  	s13 =	sand.u32 $0x70, s28;
	s4 =	sand.u32 $0x3FFFFF80, s31;
	s10 =	simm.s32 $0x100;
	[tilespmem:s1+$0x2080] =	vst v13  }
0x225: {  	s4 =	sor.u32 s13, s4;
	s0 =	sand.u32 $0x3FFFFC00, s10;
	v16 =	vld.idx.msk [tilespmem:v16+s19+$0x0], $0xffff;
	v18 =	vadd.s32 v0, v9  }
0x226: {  	s0 =	sor.u32 s7, s0;
	[tilespmem:s6+$0x2100] =	vst v11;
	v11 =	vld [tilespmem:s4+$0x0]  }
0x227: {  	[tilespmem:s0+$0x2000] =	vst v15;
	v15 =	vadd.s32 v3, v10;
	v12 =	vld.idx.msk [tilespmem:v12+s19+$0x0], $0xffff  }
0x228: {  	v13 =	vadd.s32 v4, v14;
	v17 =	vld.idx.msk [tilespmem:v17+s19+$0x0], $0xffff  }
0x229: {  	v19 =	vadd.s32 v2, v8  }
0x22a: {  	v18 =	vld.idx.msk [tilespmem:v18+s19+$0x0], $0xffff  }
0x22b: {  	s14 =	simm.s32 $0x50;
	v20 =	vadd.s32 v1, v9;
	[tilespmem:s1+$0x2100] =	vst v16  }
0x22c: {  	s17 =	simm.s32 $0x180;
	s12 =	simm.s32 $0x50;
	s10 =	sand.u32 $0x70, s14;
	v15 =	vld.idx.msk [tilespmem:v15+s19+$0x0], $0xffff;
	v21 =	vadd.s32 v0, v11;
	[tilespmem:s6+$0x2180] =	vst v12  }
0x22d: {  	s7 =	sand.u32 $0x3FFFFC00, s17;
	s4 =	sand.u32 $0x3FFFFF80, s12;
	[tilespmem:s0+$0x2080] =	vst v17;
	v17 =	vadd.s32 v4, v10;
	v13 =	vld.idx.msk [tilespmem:v13+s19+$0x0], $0xffff  }
0x22e: {  	s5 =	sor.u32 s22, s7;
	s4 =	sor.u32 s10, s4;
	v16 =	vadd.s32 v5, v14;
	v19 =	vld.idx.msk [tilespmem:v19+s19+$0x0], $0xffff  }
0x22f: {  	v12 =	vld [tilespmem:s4+$0x0];
	[tilespmem:s5+$0x2000] =	vst v18  }
0x230: {  	v18 =	vld.idx.msk [tilespmem:v20+s19+$0x0], $0xffff;
	v20 =	vadd.s32 v3, v8  }
0x231: {  	s18 =	simm.s32 $0x60;
	s22 =	simm.s32 $0x60;
	v22 =	vadd.s32 v2, v9;
	[tilespmem:s1+$0x2180] =	vst v15;
	v21 =	vld.idx.msk [tilespmem:v21+s19+$0x0], $0xffff  }
0x232: {  	s12 =	sand.u32 $0x70, s22;
	v23 =	vadd.s32 v1, v11;
	s4 =	sand.u32 $0x3FFFFF80, s18;
	v17 =	vld.idx.msk [tilespmem:v17+s19+$0x0], $0xffff;
	[tilespmem:s6+$0x2200] =	vst v13  }
0x233: {  	s23 =	simm.s32 $0x200;
	s4 =	sor.u32 s12, s4;
	[tilespmem:s0+$0x2100] =	vst v19;
	v19 =	vadd.s32 v5, v10;
	v16 =	vld.idx.msk [tilespmem:v16+s19+$0x0], $0xffff  }
0x234: {  	v15 =	vadd.s32 v6, v14;
	v13 =	vld [tilespmem:s4+$0x0];
	s4 =	sand.u32 $0x3FFFFC00, s23  }
0x235: {  	v24 =	vadd.s32 v0, v12;
	s7 =	sor.u32 s13, s4;
	v20 =	vld.idx.msk [tilespmem:v20+s19+$0x0], $0xffff;
	[tilespmem:s5+$0x2080] =	vst v18  }
0x236: {  	v25 =	vadd.s32 v4, v8;
	[tilespmem:s7+$0x2000] =	vst v21;
	v18 =	vld.idx.msk [tilespmem:v22+s19+$0x0], $0xffff  }
0x237: {  	[tilespmem:s1+$0x2200] =	vst v17;
	v21 =	vld.idx.msk [tilespmem:v23+s19+$0x0], $0xffff;
	v23 =	vadd.s32 v3, v9  }
0x238: {  	v26 =	vld.idx.msk [tilespmem:v19+s19+$0x0], $0xffff;
	[tilespmem:s6+$0x2280] =	vst v16  }
0x239: {  	v28 =	vadd.s32 v2, v11;
	v15 =	vld.idx.msk [tilespmem:v15+s19+$0x0], $0xffff  }
0x23a: {  	s28 =	simm.s32 $0x70;
	v27 =	vadd.s32 v7, v14;
	s13 =	simm.s32 $0x70;
	v22 =	vld.idx.msk [tilespmem:v24+s19+$0x0], $0xffff;
	[tilespmem:s0+$0x2180] =	vst v20  }
0x23b: {  	s4 =	sand.u32 $0x3FFFFF80, s28;
	s14 =	sand.u32 $0x70, s13;
	v19 =	vadd.s32 v6, v10;
	v16 =	vld.idx.msk [tilespmem:v25+s19+$0x0], $0xffff;
	[tilespmem:s5+$0x2100] =	vst v18  }
0x23c: {  	s4 =	sor.u32 s14, s4;
	v17 =	vld.idx.msk [tilespmem:v23+s19+$0x0], $0xffff;
	v23 =	vadd.s32 v1, v12  }
0x23d: {  	s31 =	simm.s32 $0x280;
	v14 =	vld [tilespmem:s4+$0x0];
	v18 =	vadd.s32 v5, v8;
	[tilespmem:s7+$0x2080] =	vst v21  }
0x23e: {  	s17 =	simm.s32 $0x6;
	s4 =	sand.u32 $0x3FFFFC00, s31;
	v24 =	vadd.s32 v0, v13;
	v21 =	vld.idx.msk [tilespmem:v28+s19+$0x0], $0xffff;
	[tilespmem:s6+$0x2300] =	vst v15  }
0x23f: {  	s22 =	simm.s32 $0x8;
	s18 =	simm.s32 $0x7;
	s10 =	sor.u32 s10, s4;
	v20 =	vadd.s32 v4, v9;
	[tilespmem:s1+$0x2280] =	vst v26;
	v15 =	vld.idx.msk [tilespmem:v27+s19+$0x0], $0xffff  }
.LBB2_13:
0x240: {  	p0 =	sne.s32 s22, $0xFF;
	[tilespmem:s10+$0x2000] =	vst v22;
	v25 =	vld.idx.msk [tilespmem:v19+s19+$0x0], $0xffff;
	s4 =	smov.u32 s14  }
0x241: {  	v27 =	vadd.s32 v3, v11;
	v26 =	vld.idx.msk [tilespmem:v23+s19+$0x0], $0xffff;
	[tilespmem:s0+$0x2200] =	vst v16  }
0x242: {  	s23 =	sshll.u32 s22, $0x4;
	s13 =	sadd.s32 $0x10, s13;
	v29 =	vadd.s32 v7, v10;
	v10 =	vmovc v8;
	v8 =	vmovc v9;
	v9 =	vmov v11;
	v11 =	vmov v12;
	v28 =	vld.idx.msk [tilespmem:v18+s19+$0x0], $0xffff  }
0x243: {  	v12 =	vmov v13;
	s14 =	sand.u32 $0x70, s13;
	s23 =	sand.u32 $0x3FFFFF80, s23;
	v30 =	vadd.s32 v2, v11;
	v13 =	vmov v14;
	v22 =	vld.idx.msk [tilespmem:v24+s19+$0x0], $0xffff;
	[tilespmem:s5+$0x2180] =	vst v17  }
.Ltmp6:
0x244: {  	v19 =	vadd.s32 v6, v10;
	s23 =	sor.u32 s14, s23;
	v16 =	vld.idx.msk [tilespmem:v20+s19+$0x0], $0xffff;
	[tilespmem:s6+$0x2380] =	vst v15;
	s6 =	smov.u32 s1;
	(pc) =	sbr.rel @p0 .LBB2_13-.Ltmp6, $4  }
0x245: {  	v23 =	vadd.s32 v1, v12;
	s1 =	smov.u32 s0;
	s0 =	smov.u32 s5;
	s5 =	smov.u32 s7;
	v14 =	vld [tilespmem:s23+$0x0];
	[tilespmem:s7+$0x2100] =	vst v21  }
0x246: {  	v18 =	vadd.s32 v5, v8;
	s7 =	sshll.u32 s17, $0x7;
	s17 =	smov.u32 s18;
	s18 =	smov.u32 s22;
	v17 =	vld.idx.msk [tilespmem:v27+s19+$0x0], $0xffff;
	[tilespmem:s6+$0x2300] =	vst v25  }
0x247: {  	v24 =	vadd.s32 v0, v13;
	s23 =	sand.u32 $0x3FFFFC00, s7;
	s7 =	smov.u32 s10;
	[tilespmem:s10+$0x2080] =	vst v26;
	v15 =	vld.idx.msk [tilespmem:v29+s19+$0x0], $0xffff  }
0x248: {  	v20 =	vadd.s32 v4, v9;
	s22 =	sadd.s32 $0x1, s22;
	s10 =	sor.u32 s12, s23;
	s12 =	smov.u32 s4;
	v21 =	vld.idx.msk [tilespmem:v30+s19+$0x0], $0xffff;
	[tilespmem:s1+$0x2280] =	vst v28  }
0x249: {  	_ = 	snop  }
0x24a: {  	v25 =	vadd.s32 v0, v14;
	_ =	sdelay $0x3  }
0x24b: {  	v24 =	vld.idx.msk [tilespmem:v24+s19+$0x0], $0xffff  }
0x24c: {  	v26 =	vadd.s32 v1, v13;
	v25 =	vld.idx.msk [tilespmem:v25+s19+$0x0], $0xffff  }
0x24d: {  	s4 =	sshll.u32 s17, $0x7;
	v27 =	vadd.s32 v1, v14  }
0x24e: {  	s13 =	sshll.u32 s18, $0x7;
	s4 =	sand.u32 $0x3FFFFC00, s4  }
0x24f: {  	[tilespmem:s10+$0x2000] =	vst v22;
	s22 =	sand.u32 $0x3FFFFC00, s13;
	s12 =	sor.u32 s12, s4  }
0x250: {  	v22 =	vld.idx.msk [tilespmem:v23+s19+$0x0], $0xffff;
	s13 =	sor.u32 s14, s22;
	[tilespmem:s12+$0x2000] =	vst v24  }
0x251: {  	v32 =	vadd.s32 v2, v12;
	v24 =	vld.idx.msk [tilespmem:v26+s19+$0x0], $0xffff;
	[tilespmem:s13+$0x2000] =	vst v25  }
0x252: {  	v33 =	vadd.s32 v2, v13;
	v34 =	vld.idx.msk [tilespmem:v27+s19+$0x0], $0xffff  }
0x253: {  	v35 =	vadd.s32 v2, v14;
	_ =	sdelay $0x1  }
0x254: {  	[tilespmem:s10+$0x2080] =	vst v22  }
0x255: {  	v36 =	vadd.s32 v3, v11;
	v23 =	vld.idx.msk [tilespmem:v32+s19+$0x0], $0xffff;
	[tilespmem:s12+$0x2080] =	vst v24  }
0x256: {  	v37 =	vadd.s32 v3, v12;
	v25 =	vld.idx.msk [tilespmem:v33+s19+$0x0], $0xffff;
	[tilespmem:s13+$0x2080] =	vst v34  }
0x257: {  	[tilespmem:s0+$0x2200] =	vst v16;
	v38 =	vadd.s32 v3, v13;
	v26 =	vld.idx.msk [tilespmem:v35+s19+$0x0], $0xffff  }
0x258: {  	v39 =	vadd.s32 v3, v14;
	[tilespmem:s5+$0x2180] =	vst v17  }
0x259: {  	v19 =	vld.idx.msk [tilespmem:v19+s19+$0x0], $0xffff;
	[tilespmem:s7+$0x2100] =	vst v21  }
0x25a: {  	v21 =	vld.idx.msk [tilespmem:v36+s19+$0x0], $0xffff;
	[tilespmem:s10+$0x2100] =	vst v23  }
0x25b: {  	v40 =	vadd.s32 v4, v11;
	v23 =	vld.idx.msk [tilespmem:v37+s19+$0x0], $0xffff;
	[tilespmem:s12+$0x2100] =	vst v25  }
0x25c: {  	v41 =	vadd.s32 v4, v12;
	v16 =	vld.idx.msk [tilespmem:v38+s19+$0x0], $0xffff;
	[tilespmem:s13+$0x2100] =	vst v26  }
0x25d: {  	v42 =	vadd.s32 v4, v13;
	[tilespmem:s6+$0x2380] =	vst v15;
	v17 =	vld.idx.msk [tilespmem:v39+s19+$0x0], $0xffff  }
0x25e: {  	v18 =	vld.idx.msk [tilespmem:v18+s19+$0x0], $0xffff;
	v43 =	vadd.s32 v4, v14;
	[tilespmem:s1+$0x2300] =	vst v19  }
0x25f: {  	v10 =	vadd.s32 v7, v10;
	v20 =	vld.idx.msk [tilespmem:v20+s19+$0x0], $0xffff;
	[tilespmem:s7+$0x2180] =	vst v21  }
0x260: {  	v44 =	vadd.s32 v5, v9;
	v22 =	vld.idx.msk [tilespmem:v40+s19+$0x0], $0xffff;
	[tilespmem:s10+$0x2180] =	vst v23  }
0x261: {  	v45 =	vadd.s32 v5, v11;
	v24 =	vld.idx.msk [tilespmem:v41+s19+$0x0], $0xffff;
	[tilespmem:s12+$0x2180] =	vst v16  }
0x262: {  	v46 =	vadd.s32 v5, v12;
	v15 =	vld.idx.msk [tilespmem:v42+s19+$0x0], $0xffff;
	[tilespmem:s13+$0x2180] =	vst v17  }
0x263: {  	v47 =	vadd.s32 v5, v13;
	[tilespmem:s0+$0x2280] =	vst v18;
	v48 =	vld.idx.msk [tilespmem:v43+s19+$0x0], $0xffff  }
0x264: {  	v49 =	vadd.s32 v5, v14;
	v10 =	vld.idx.msk [tilespmem:v10+s19+$0x0], $0xffff;
	[tilespmem:s5+$0x2200] =	vst v20  }
0x265: {  	v50 =	vadd.s32 v6, v8;
	v21 =	vld.idx.msk [tilespmem:v44+s19+$0x0], $0xffff;
	[tilespmem:s7+$0x2200] =	vst v22  }
0x266: {  	v51 =	vadd.s32 v6, v9;
	v23 =	vld.idx.msk [tilespmem:v45+s19+$0x0], $0xffff;
	[tilespmem:s10+$0x2200] =	vst v24  }
0x267: {  	v52 =	vadd.s32 v6, v11;
	v16 =	vld.idx.msk [tilespmem:v46+s19+$0x0], $0xffff;
	[tilespmem:s12+$0x2200] =	vst v15  }
0x268: {  	v53 =	vadd.s32 v6, v12;
	v17 =	vld.idx.msk [tilespmem:v47+s19+$0x0], $0xffff;
	[tilespmem:s13+$0x2200] =	vst v48  }
0x269: {  	v54 =	vadd.s32 v6, v13;
	[tilespmem:s1+$0x2380] =	vst v10;
	v18 =	vld.idx.msk [tilespmem:v49+s19+$0x0], $0xffff  }
0x26a: {  	v56 =	vadd.s32 v6, v14;
	v55 =	vld.idx.msk [tilespmem:v50+s19+$0x0], $0xffff;
	[tilespmem:s5+$0x2280] =	vst v21  }
0x26b: {  	v8 =	vadd.s32 v7, v8;
	v21 =	vld.idx.msk [tilespmem:v51+s19+$0x0], $0xffff;
	[tilespmem:s7+$0x2280] =	vst v23  }
0x26c: {  	v57 =	vadd.s32 v7, v9;
	v58 =	vld.idx.msk [tilespmem:v52+s19+$0x0], $0xffff;
	[tilespmem:s10+$0x2280] =	vst v16  }
0x26d: {  	v59 =	vadd.s32 v7, v11;
	v15 =	vld.idx.msk [tilespmem:v53+s19+$0x0], $0xffff;
	[tilespmem:s12+$0x2280] =	vst v17  }
0x26e: {  	v60 =	vadd.s32 v7, v12;
	v10 =	vld.idx.msk [tilespmem:v54+s19+$0x0], $0xffff;
	[tilespmem:s13+$0x2280] =	vst v18  }
0x26f: {  	v61 =	vadd.s32 v7, v13;
	[tilespmem:s0+$0x2300] =	vst v55;
	v62 =	vld.idx.msk [tilespmem:v56+s19+$0x0], $0xffff  }
0x270: {  	v63 =	vadd.s32 v7, v14;
	v8 =	vld.idx.msk [tilespmem:v8+s19+$0x0], $0xffff;
	[tilespmem:s5+$0x2300] =	vst v21  }
0x271: {  	v9 =	vld.idx.msk [tilespmem:v57+s19+$0x0], $0xffff;
	[tilespmem:s7+$0x2300] =	vst v58  }
0x272: {  	v11 =	vld.idx.msk [tilespmem:v59+s19+$0x0], $0xffff;
	[tilespmem:s10+$0x2300] =	vst v15  }
0x273: {  	v12 =	vld.idx.msk [tilespmem:v60+s19+$0x0], $0xffff;
	[tilespmem:s12+$0x2300] =	vst v10  }
0x274: {  	v10 =	vld.idx.msk [tilespmem:v61+s19+$0x0], $0xffff;
	[tilespmem:s13+$0x2300] =	vst v62  }
0x275: {  	[tilespmem:s0+$0x2380] =	vst v8;
	v8 =	vld.idx.msk [tilespmem:v63+s19+$0x0], $0xffff  }
0x276: {  	[tilespmem:s5+$0x2380] =	vst v9  }
0x277: {  	[tilespmem:s7+$0x2380] =	vst v11  }
0x278: {  	[tilespmem:s10+$0x2380] =	vst v12  }
0x279: {  	[tilespmem:s12+$0x2380] =	vst v10  }
0x27a: {  	[tilespmem:s13+$0x2380] =	vst v8  }
0x27b: {  	s23 =	simm.s32 $0x2000;
	s0 =	rddreg [dreg:$0xb]  }
0x27c: {  	[hbm4b:s0+s25] =	stream.linear.scatter [tilespmem:s23], [sflag:$0x3], $0x8000, $0x38;
	[tilespmem:$0x19D00] =	vst v63  }
0x27d: {  	_ =	swait.ge [sflag:s30], $0x8000  }
0x27e: {  	[sflag:s30] =	ssyncset.done $0x0  }
0x27f: {  	[sflag:s30] =	ssyncadd.s32 $0xFFFF8000  }
0x280: {  	_ =	swait.ge [sflag:s29], $0x8000  }
0x281: {  	s28 =	rddreg [dreg:$0xd]  }
0x282: {  	s31 =	rddreg [dreg:$0xc];
	s1 =	sadd.s32 $0x1, s28  }
0x283: {  	p0 =	sne.s32 s1, s31  }
.Ltmp7:
0x284: {  	_ = 	snop;
	(pc) =	sbr.rel @p0 .LBB2_1-.Ltmp7, $3  }
0x285: {  	_ =	sdelay $0x1  }
0x286: {  	[sflag:s29] =	ssyncset.done $0x0  }
0x287: {  	[sflag:s29] =	ssyncadd.s32 $0xFFFF8000  }
0x288: {  	_ =	sfence.sel $0x180000  }
0x289: {  	[bflag:$0x0] =	sbarrier.arrive $0xFFFF  }
0x28a: {  	_ =	strace $0x90000047  }
0x28b: {  	s0 =	stileid.u32;
	[bflag:$0x2] =	sbarrier.arrive $0xFFFF  }
0x28c: {  	p0 =	sne.s32 s0, $0x0;
	s0 =	rddreg [dreg:$0x3]  }
0x28d: {  	s0 =	sadd.s32 @!p0 $0x100000, s0  }
0x28e: {  	[sflag:s0] =	ssyncadd.tile.s32 @!p0 $0x1;
	_ =	shalt  }
.Lfunc_end2:
_tile_overlayer_lowered:
.L_overlay_start_2:
0x28f: {  	(tag) =	ssettag $0x2  }
0x290: {  	s0 =	rddreg [dreg:$0x0];
	s2 =	stileid.u32  }
0x291: {  	s1 =	rddreg [dreg:$0x1];
	p0 =	sne.s32 s2, $0x0  }
0x292: {  	s3 =	rddreg [dreg:$0x2];
	[bflag:$0x3] =	sbarrier.arrive $0xFFFF;
	s2 =	simm.s32 @!p0 $0x1C06  }
0x293: {  	[timem:s3], [sflag:s2] =	dma.local @!p0 [hbm:s0], s1  }
0x294: {  	s0 =	simm.s32 @!p0 $0x6  }
0x295: {  	_ =	swait.ge @!p0 [sflag:s0], s1  }
0x296: {  	s1 =	ssub.s32 @!p0 $0x0, s1;
	[sflag:s0] =	ssyncset.done @!p0 $0x0  }
0x297: {  	[sflag:s0] =	ssyncadd.s32 @!p0 s1  }
0x298: {  	[bflag:$0x3] =	sbarrier.arrive $0xFFFF  }
0x299: {  	_ =	shalt  }

</sc_bundles>
